<compile_context>
chip_gen: v7x
topology: tpu7x:2x2x1
jax: 0.10.2.dev20260603
libtpu: 0.0.44.dev20260713+nightly
codegen_flags: <defaults>
</compile_context>

<pallas_src>
import functools

import jax
import jax.numpy as jnp
from jax import lax
from jax.experimental import pallas as pl
from jax.experimental.pallas import tpu as pltpu
from jax.experimental.pallas import tpu_sc as plsc

N = 10000
E = 320000
D_IN = 128
D_OUT = 128
D_EDGE = 16
D_HALF = D_IN // 2

NC = 2
NS = 16
E_PER_TEC = E // NS
CHUNK = 125
NCHUNK = E_PER_TEC // CHUNK
EVREGS = E_PER_TEC // 16
N_ACC = 10240
ROWS_PER_SUB = N_ACC // NS
N_PAD = 10240
NW = NC * NS
SEL_PER_TEC = N_PAD // NW
SEL_VREGS = SEL_PER_TEC // 16
SEL_CHUNK = 80


def _edge_pass_body(x2_hbm, ei_hbm, zrow_hbm, zdeg_hbm,
                    neg1_hbm,
                    agg_out, deg_out, elast_out,
                    row_v, col_v, rows_v0, rows_v1, rows_v2, rows_v3,
                    ones_v, elast_v,
                    sem0, sem1, sem2, sem3, ssem0, ssem1, ssem2, ssem3, dsem,
                    agg_sh, deg_sh):
    c = lax.axis_index("c")
    s = lax.axis_index("s")

    pltpu.sync_copy(zrow_hbm.at[pl.ds(s * ROWS_PER_SUB, ROWS_PER_SUB)],
                    agg_sh.at[pl.ds(s * ROWS_PER_SUB, ROWS_PER_SUB)])

    @pl.when(s == 0)
    def _():
        pltpu.sync_copy(zdeg_hbm, deg_sh)

    pltpu.sync_copy(ei_hbm.at[0, s], row_v)
    pltpu.sync_copy(ei_hbm.at[1, s], col_v)

    pltpu.sync_copy(neg1_hbm, elast_v)

    for j in range(8):
        ones_v[pl.ds(j * 16, 16)] = jnp.full((16,), 1.0, jnp.float32)

    plsc.subcore_barrier()

    lane = lax.iota(jnp.int32, 16)
    e_base = s * E_PER_TEC
    xh = x2_hbm.at[c]
    ones_c = ones_v.at[pl.ds(0, CHUNK)]

    bufs = (rows_v0, rows_v1, rows_v2, rows_v3)
    gsems = (sem0, sem1, sem2, sem3)
    ssems = (ssem0, ssem1, ssem2, ssem3)
    NB = 4
    for b in range(NB):
        pltpu.async_copy(xh.at[row_v.at[b]], bufs[b], gsems[b])

    HALF_K = NCHUNK // NB // 2
    offs = tuple(j * 16 for j in range(CHUNK // 16)) + (CHUNK - 16,)

    def body(k, carry):
        base = NB * k
        mine = (c == 0) == (k < HALF_K)
        for b in range(NB):
            i = base + b
            pltpu.make_async_copy(xh.at[row_v.at[i]], bufs[b], gsems[b]).wait()
            pltpu.async_copy(bufs[b], agg_sh.at[col_v.at[i]], ssems[b],
                             add=True)

            @pl.when(mine)
            def _():
                pltpu.async_copy(ones_c, deg_sh.at[col_v.at[i]], dsem,
                                 add=True)
                e_row = e_base + i * CHUNK
                for o in offs:
                    col16 = col_v[i, pl.ds(o, 16)]
                    plsc.store_scatter(elast_v, [col16], (e_row + o) + lane)

        @pl.when(k < NCHUNK // NB - 1)
        def _():
            for b in range(NB):
                i = base + b
                pltpu.make_async_copy(
                    bufs[b], agg_sh.at[col_v.at[i]], ssems[b]).wait()
                pltpu.async_copy(xh.at[row_v.at[i + NB]], bufs[b], gsems[b])

        return carry

    lax.fori_loop(0, NCHUNK // NB, body, 0)

    for b in range(NB):
        pltpu.make_async_copy(
            bufs[b], agg_sh.at[col_v.at[NCHUNK - NB + b]], ssems[b]).wait()

    def ddrain(i, carry):
        pltpu.make_async_copy(ones_c, deg_sh.at[col_v.at[i]], dsem).wait()
        return carry

    lax.fori_loop(c * (NCHUNK // 2), (c + 1) * (NCHUNK // 2), ddrain, 0)

    pltpu.sync_copy(elast_v, elast_out.at[c, s])

    plsc.subcore_barrier()
    pltpu.sync_copy(agg_sh.at[pl.ds(s * ROWS_PER_SUB, ROWS_PER_SUB)],
                    agg_out.at[c, pl.ds(s * ROWS_PER_SUB, ROWS_PER_SUB)])

    @pl.when(s == 0)
    def _():
        pltpu.sync_copy(deg_sh, deg_out.at[c])


_edge_pass = functools.partial(
    pl.kernel,
    mesh=plsc.VectorSubcoreMesh(core_axis_name="c", subcore_axis_name="s"),
    compiler_params=pltpu.CompilerParams(
        needs_layout_passes=False, use_tc_tiling_on_sc=False),
    out_type=[
        jax.ShapeDtypeStruct((NC, N_ACC, D_HALF), jnp.float32),
        jax.ShapeDtypeStruct((NC, N_ACC), jnp.float32),
        jax.ShapeDtypeStruct((NC, NS, N_PAD), jnp.int32),
    ],
    scratch_types=[
        pltpu.VMEM((NCHUNK, CHUNK), jnp.int32),
        pltpu.VMEM((NCHUNK, CHUNK), jnp.int32),
        pltpu.VMEM((CHUNK, D_HALF), jnp.float32),
        pltpu.VMEM((CHUNK, D_HALF), jnp.float32),
        pltpu.VMEM((CHUNK, D_HALF), jnp.float32),
        pltpu.VMEM((CHUNK, D_HALF), jnp.float32),
        pltpu.VMEM((128,), jnp.float32),
        pltpu.VMEM((N_PAD,), jnp.int32),
        pltpu.SemaphoreType.DMA,
        pltpu.SemaphoreType.DMA,
        pltpu.SemaphoreType.DMA,
        pltpu.SemaphoreType.DMA,
        pltpu.SemaphoreType.DMA,
        pltpu.SemaphoreType.DMA,
        pltpu.SemaphoreType.DMA,
        pltpu.SemaphoreType.DMA,
        pltpu.SemaphoreType.DMA,
        pltpu.VMEM_SHARED((N_ACC, D_HALF), jnp.float32),
        pltpu.VMEM_SHARED((N_ACC,), jnp.float32),
    ],
)(_edge_pass_body)


def _select_pass_body(elast_hbm, attr_hbm,
                      mask_out, attr_out,
                      tbl_v, idx_v, mask_v, arows_v, sem):
    c = lax.axis_index("c")
    s = lax.axis_index("s")
    wid = c * NS + s
    base = wid * SEL_PER_TEC

    pltpu.sync_copy(elast_hbm.at[:, pl.ds(base, SEL_PER_TEC)], tbl_v)

    def combine(k, carry):
        m = tbl_v[0, pl.ds(k * 16, 16)]
        for j in range(1, NW):
            m = jnp.maximum(m, tbl_v[j, pl.ds(k * 16, 16)])
        idx_v[pl.ds(k * 16, 16)] = jnp.maximum(m, 0)
        mask_v[pl.ds(k * 16, 16)] = jnp.where(m >= 0, 1.0, 0.0)
        return carry

    lax.fori_loop(0, SEL_VREGS, combine, 0)

    pltpu.sync_copy(mask_v, mask_out.at[pl.ds(base, SEL_PER_TEC)])

    def gather(t, carry):
        pltpu.async_copy(
            attr_hbm.at[idx_v.at[pl.ds(t * SEL_CHUNK, SEL_CHUNK)]],
            arows_v.at[pl.ds(t * SEL_CHUNK, SEL_CHUNK)], sem).wait()
        return carry

    lax.fori_loop(0, SEL_PER_TEC // SEL_CHUNK, gather, 0)
    pltpu.sync_copy(arows_v, attr_out.at[pl.ds(base, SEL_PER_TEC)])


_select_pass = functools.partial(
    pl.kernel,
    mesh=plsc.VectorSubcoreMesh(core_axis_name="c", subcore_axis_name="s"),
    compiler_params=pltpu.CompilerParams(
        needs_layout_passes=False, use_tc_tiling_on_sc=False),
    out_type=[
        jax.ShapeDtypeStruct((N_PAD,), jnp.float32),
        jax.ShapeDtypeStruct((N_PAD, D_EDGE), jnp.float32),
    ],
    scratch_types=[
        pltpu.VMEM((NW, SEL_PER_TEC), jnp.int32),
        pltpu.VMEM((SEL_PER_TEC,), jnp.int32),
        pltpu.VMEM((SEL_PER_TEC,), jnp.float32),
        pltpu.VMEM((SEL_PER_TEC, D_EDGE), jnp.float32),
        pltpu.SemaphoreType.DMA,
    ],
)(_select_pass_body)


def _mm(a, b):
    return jax.lax.dot_general(
        a, b, (((1,), (0,)), ((), ())),
        precision=jax.lax.Precision.DEFAULT,
        preferred_element_type=jnp.float32)


BM = 2000
GRID = N // BM


def _dense_a_body(x_ref, agg0_ref, agg1_ref, deg0_ref, deg1_ref,
                  attr_ref, mask_ref, WlT_ref, bl_ref, WrT_ref,
                  WembT_ref, bemb_ref, WteT_ref, bte_ref, WtaT_ref, bta_ref,
                  WgT_ref, bg_ref, o_ref, sum_ref, sq_ref):
    x = x_ref[...]
    deg = jnp.maximum(deg0_ref[...] + deg1_ref[...], 1.0)
    h0 = agg0_ref[...] / deg
    h1 = agg1_ref[...] / deg
    WlT = WlT_ref[...]
    out = (_mm(h0, WlT[:D_HALF]) + _mm(h1, WlT[D_HALF:]) + bl_ref[...]
           + _mm(x, WrT_ref[...]))

    attr = attr_ref[...]
    emb = jnp.maximum(_mm(attr, WembT_ref[...]) + bemb_ref[...], 0.0)
    t_emb = _mm(emb, WteT_ref[...]) + bte_ref[...]
    t_attr = _mm(attr, WtaT_ref[...]) + bta_ref[...]
    t = t_emb + t_attr

    WgT = WgT_ref[...]
    logits = (_mm(out, WgT[:D_OUT]) + _mm(t, WgT[D_OUT:2 * D_OUT])
              + _mm(t_attr, WgT[2 * D_OUT:]) + bg_ref[...])
    gate = 1.0 / (1.0 + jnp.exp(-logits))
    contrib = gate * t * mask_ref[...]

    o = out + contrib
    o_ref[...] = o

    @pl.when(pl.program_id(0) == 0)
    def _():
        sum_ref[...] = jnp.zeros_like(sum_ref)
        sq_ref[...] = jnp.zeros_like(sq_ref)

    sum_ref[...] += jnp.sum(o, axis=0, keepdims=True)
    sq_ref[...] += jnp.sum(o * o, axis=0, keepdims=True)


_row_spec = pl.BlockSpec((BM, D_IN), lambda i: (i, 0))
_half_spec = pl.BlockSpec((BM, D_HALF), lambda i: (i, 0))
_col_spec = pl.BlockSpec((BM, 1), lambda i: (i, 0))


def _w_spec(r, c):
    return pl.BlockSpec((r, c), lambda i: (0, 0))


_dense_a = pl.pallas_call(
    _dense_a_body,
    grid=(GRID,),
    in_specs=[
        _row_spec, _half_spec, _half_spec, _col_spec, _col_spec,
        pl.BlockSpec((BM, D_EDGE), lambda i: (i, 0)), _col_spec,
        _w_spec(D_IN, D_OUT), _w_spec(1, D_OUT), _w_spec(D_IN, D_OUT),
        _w_spec(D_EDGE, D_EDGE), _w_spec(1, D_EDGE),
        _w_spec(D_EDGE, D_OUT), _w_spec(1, D_OUT),
        _w_spec(D_EDGE, D_OUT), _w_spec(1, D_OUT),
        _w_spec(3 * D_OUT, D_OUT), _w_spec(1, D_OUT),
    ],
    out_specs=[
        pl.BlockSpec((BM, D_OUT), lambda i: (i, 0)),
        _w_spec(1, D_OUT), _w_spec(1, D_OUT),
    ],
    out_shape=[
        jax.ShapeDtypeStruct((N, D_OUT), jnp.float32),
        jax.ShapeDtypeStruct((1, D_OUT), jnp.float32),
        jax.ShapeDtypeStruct((1, D_OUT), jnp.float32),
    ],
)


def _dense_b_body(o_ref, sum_ref, sq_ref, gamma_ref, beta_ref, out_ref):
    mu = sum_ref[...] * (1.0 / N)
    var = sq_ref[...] * (1.0 / N) - mu * mu
    o = o_ref[...]
    o = (o - mu) / jnp.sqrt(var + 1e-5) * gamma_ref[...] + beta_ref[...]
    out_ref[...] = jnp.maximum(o + o, 0.0)


_dense_b = pl.pallas_call(
    _dense_b_body,
    grid=(GRID,),
    in_specs=[
        pl.BlockSpec((BM, D_OUT), lambda i: (i, 0)),
        _w_spec(1, D_OUT), _w_spec(1, D_OUT),
        _w_spec(1, D_OUT), _w_spec(1, D_OUT),
    ],
    out_specs=pl.BlockSpec((BM, D_OUT), lambda i: (i, 0)),
    out_shape=jax.ShapeDtypeStruct((N, D_OUT), jnp.float32),
)


def kernel(x, edge_index, edge_attr, W_l, b_l, W_r, W_emb, b_emb,
           W_te, b_te, W_ta, b_ta, W_gate, b_gate, gamma, beta):
    ei = edge_index.astype(jnp.int32).reshape(2, NS, NCHUNK, CHUNK)
    x2 = jnp.stack([x[:, :D_HALF], x[:, D_HALF:]])
    zrow = jnp.zeros((N_ACC, D_HALF), jnp.float32)
    zdeg = jnp.zeros((N_ACC,), jnp.float32)
    neg1 = jnp.full((N_PAD,), -1, jnp.int32)

    agg_p, deg_p, elast = _edge_pass(x2, ei, zrow, zdeg, neg1)
    mask, attr_sel = _select_pass(elast.reshape(NW, N_PAD), edge_attr)

    o, osum, osq = _dense_a(
        x, agg_p[0], agg_p[1],
        deg_p[0].reshape(N_ACC, 1), deg_p[1].reshape(N_ACC, 1),
        attr_sel, mask.reshape(N_PAD, 1),
        W_l.T, b_l.reshape(1, -1), W_r.T,
        W_emb.T, b_emb.reshape(1, -1), W_te.T, b_te.reshape(1, -1),
        W_ta.T, b_ta.reshape(1, -1),
        W_gate.T, b_gate.reshape(1, -1))
    return _dense_b(o, osum, osq, gamma.reshape(1, -1), beta.reshape(1, -1))

# --- scband reference (transcript-rebuilt; emitter-appended) ---
"""Pipeline reference for scband-sageconv-with-edge-attr-and-embedding-24051816857685 (READ-ONLY COPY).

The authoritative reference and input builder live on the scoring server;
editing this copy changes nothing except your own understanding.
"""

import jax, jax.numpy as jnp
import numpy as np

N = 10000
E = 320000
D_IN = 128
D_OUT = 128
D_EDGE = 16
D_EMB = 16


def setup_inputs(seed: int = 0) -> dict:
    key = jax.random.key(seed)
    ks = jax.random.split(key, 18)
    x = jax.random.normal(ks[0], (N, D_IN), dtype=jnp.float32)
    edge_index = jax.random.randint(ks[1], (2, E), 0, N)
    edge_attr = jax.random.normal(ks[2], (E, D_EDGE), dtype=jnp.float32)
    def lin(k, fan_out, fan_in):
        s = 1.0 / np.sqrt(fan_in)
        return jax.random.uniform(k, (fan_out, fan_in), jnp.float32, -s, s)
    def bias(k, fan_out, fan_in):
        s = 1.0 / np.sqrt(fan_in)
        return jax.random.uniform(k, (fan_out,), jnp.float32, -s, s)
    W_l = lin(ks[3], D_OUT, D_IN)
    b_l = bias(ks[4], D_OUT, D_IN)
    W_r = lin(ks[5], D_OUT, D_IN)
    W_emb = lin(ks[6], D_EMB, D_EDGE)
    b_emb = bias(ks[7], D_EMB, D_EDGE)
    W_te = lin(ks[8], D_OUT, D_EMB)
    b_te = bias(ks[9], D_OUT, D_EMB)
    W_ta = lin(ks[10], D_OUT, D_EDGE)
    b_ta = bias(ks[11], D_OUT, D_EDGE)
    W_gate = lin(ks[12], D_OUT, 3 * D_OUT)
    b_gate = bias(ks[13], D_OUT, 3 * D_OUT)
    gamma = jnp.ones((D_OUT,), jnp.float32)
    beta = jnp.zeros((D_OUT,), jnp.float32)
    return {"x": x, "edge_index": edge_index, "edge_attr": edge_attr,
            "W_l": W_l, "b_l": b_l, "W_r": W_r,
            "W_emb": W_emb, "b_emb": b_emb,
            "W_te": W_te, "b_te": b_te,
            "W_ta": W_ta, "b_ta": b_ta,
            "W_gate": W_gate, "b_gate": b_gate,
            "gamma": gamma, "beta": beta}


def reference(x, edge_index, edge_attr, W_l, b_l, W_r, W_emb, b_emb,
              W_te, b_te, W_ta, b_ta, W_gate, b_gate, gamma, beta):
    row = edge_index[0]
    col = edge_index[1]
    # SAGEConv (PyG default, mean aggregation): out = lin_l(mean_j x_j) + lin_r(x)
    msg = jnp.take(x, row, axis=0)
    agg = jax.ops.segment_sum(msg, col, num_segments=N)
    deg = jax.ops.segment_sum(jnp.ones((E, 1), x.dtype), col, num_segments=N)
    agg = agg / jnp.maximum(deg, 1.0)
    out = agg @ W_l.T + b_l + x @ W_r.T
    # edge feature pathways
    edge_emb = jax.nn.relu(edge_attr @ W_emb.T + b_emb)
    t_emb = edge_emb @ W_te.T + b_te
    t_attr = edge_attr @ W_ta.T + b_ta
    t = t_emb + t_attr
    combined = jnp.concatenate([jnp.take(out, col, axis=0), t, t_attr], axis=-1)
    gate = jax.nn.sigmoid(combined @ W_gate.T + b_gate)
    contrib = gate * t
    # torch scatter_ is overwrite semantics -> .at[col].set
    out = out + jnp.zeros_like(out).at[col].set(contrib)
    # BatchNorm1d (training mode: batch statistics, biased variance)
    mu = jnp.mean(out, axis=0)
    var = jnp.var(out, axis=0)
    out = (out - mu) / jnp.sqrt(var + 1e-5) * gamma + beta
    out = out + out  # residual (Identity) + out
    return jax.nn.relu(out)

if __name__ == "__main__":
    import jax
    _d = setup_inputs()
    print(jax.jit(kernel)(*tuple(_d.values())))

</pallas_src>

<mosaic_0001>
#map = affine_map<(d0, d1) -> (0, 0)>
#map1 = affine_map<(d0, d1) -> (0)>
module attributes {stable_mosaic.version = 14 : i64} {
  func.func @_select_pass_body(%arg0: i32, %arg1: i32, %arg2: memref<32x10240xi32, #tpu.memory_space<hbm>>, %arg3: memref<320000x16xf32, #tpu.memory_space<hbm>>, %arg4: memref<10240xf32, #tpu.memory_space<hbm>>, %arg5: memref<10240x16xf32, #tpu.memory_space<hbm>>, %arg6: memref<32x320xi32, #tpu.memory_space<vmem>>, %arg7: memref<320xi32, #tpu.memory_space<vmem>>, %arg8: memref<320xf32, #tpu.memory_space<vmem>>, %arg9: memref<320x16xf32, #tpu.memory_space<vmem>>, %arg10: memref<!tpu.dma_semaphore, #tpu.memory_space<semaphore_mem>>) attributes {dimension_semantics = [#tpu.dimension_semantics<core_parallel>, #tpu.dimension_semantics<subcore_parallel>], iteration_bounds = array<i64: 2, 16>, scalar_prefetch = 0 : i64, scratch_operands = 5 : i64, tpu.core_type = #tpu.core_type<sc_vector_subcore>, window_params = [{transform_indices = #map}, {transform_indices = #map}, {transform_indices = #map1}, {transform_indices = #map}]} {
    %mul3A = arith.constant 16 : i32
    %mul3A_0 = arith.muli %arg0, %mul3A : i32
    %add3A = arith.addi %mul3A_0, %arg1 : i32
    %mul3A_1 = arith.constant 320 : i32
    %mul3A_2 = arith.muli %add3A, %mul3A_1 : i32
    "tpu.region"() ({
      %run_scoped3A = tpu.sem_alloc : memref<!tpu.dma_semaphore, #tpu.memory_space<semaphore_mem>>
      %dma_start3A = arith.constant 0 : i32
      %dma_start3A_14 = tpu.memref_slice %arg2[%dma_start3A, %mul3A_2] : memref<32x10240xi32, #tpu.memory_space<hbm>> -> memref<32x320xi32, #tpu.memory_space<hbm>>
      %dma_start3A_15 = arith.constant 0 : i32
      %dma_start3A_16 = tpu.memref_slice %arg2[%dma_start3A_15, %mul3A_2] : memref<32x10240xi32, #tpu.memory_space<hbm>> -> memref<32x320xi32, #tpu.memory_space<hbm>>
      tpu.enqueue_dma source(%dma_start3A_16 : memref<32x320xi32, #tpu.memory_space<hbm>>) target(%arg6 : memref<32x320xi32, #tpu.memory_space<vmem>>) target_semaphore(%run_scoped3A : memref<!tpu.dma_semaphore, #tpu.memory_space<semaphore_mem>>)
      %dma_wait3A = arith.constant 0 : i32
      %dma_wait3A_17 = tpu.memref_slice %arg2[%dma_wait3A, %mul3A_2] : memref<32x10240xi32, #tpu.memory_space<hbm>> -> memref<32x320xi32, #tpu.memory_space<hbm>>
      %dma_wait3A_18 = arith.constant 0 : i32
      %dma_wait3A_19 = tpu.memref_slice %arg2[%dma_wait3A_18, %mul3A_2] : memref<32x10240xi32, #tpu.memory_space<hbm>> -> memref<32x320xi32, #tpu.memory_space<hbm>>
      tpu.wait_dma2 semaphore(%run_scoped3A : memref<!tpu.dma_semaphore, #tpu.memory_space<semaphore_mem>>) src(%dma_wait3A_19 : memref<32x320xi32, #tpu.memory_space<hbm>>) dst(%arg6 : memref<32x320xi32, #tpu.memory_space<vmem>>)
      tpu.yield
    }) : () -> ()
    %scan3A = arith.constant 0 : i32
    %scan3A_3 = arith.constant 0 : i32
    %scan3A_4 = arith.constant 20 : i32
    %scan3A_5 = arith.addi %scan3A_3, %scan3A_4 : i32
    %scan3A_6 = arith.constant 1 : i32
    scf.for %scan3A_14 = %scan3A_3 to %scan3A_5 step %scan3A_6  : i32 {
      %mul3A_15 = arith.constant 16 : i32
      %mul3A_16 = arith.muli %scan3A_14, %mul3A_15 : i32
      %get3A = arith.constant 0 : i32
      %get3A_17 = arith.index_cast %get3A : i32 to index
      %get3A_18 = arith.index_cast %mul3A_16 : i32 to index
      %get3A_19 = tpu.vector_load %arg6[%get3A_17, %get3A_18] {strides = array<i32>} : memref<32x320xi32, #tpu.memory_space<vmem>>, vector<16xi32>,
      %mul3A_20 = arith.constant 16 : i32
      %mul3A_21 = arith.muli %scan3A_14, %mul3A_20 : i32
      %get3A_22 = arith.constant 1 : i32
      %get3A_23 = arith.index_cast %get3A_22 : i32 to index
      %get3A_24 = arith.index_cast %mul3A_21 : i32 to index
      %get3A_25 = tpu.vector_load %arg6[%get3A_23, %get3A_24] {strides = array<i32>} : memref<32x320xi32, #tpu.memory_space<vmem>>, vector<16xi32>,
      %max3A = arith.maxsi %get3A_19, %get3A_25 : vector<16xi32>
      %mul3A_26 = arith.constant 16 : i32
      %mul3A_27 = arith.muli %scan3A_14, %mul3A_26 : i32
      %get3A_28 = arith.constant 2 : i32
      %get3A_29 = arith.index_cast %get3A_28 : i32 to index
      %get3A_30 = arith.index_cast %mul3A_27 : i32 to index
      %get3A_31 = tpu.vector_load %arg6[%get3A_29, %get3A_30] {strides = array<i32>} : memref<32x320xi32, #tpu.memory_space<vmem>>, vector<16xi32>,
      %max3A_32 = arith.maxsi %max3A, %get3A_31 : vector<16xi32>
      %mul3A_33 = arith.constant 16 : i32
      %mul3A_34 = arith.muli %scan3A_14, %mul3A_33 : i32
      %get3A_35 = arith.constant 3 : i32
      %get3A_36 = arith.index_cast %get3A_35 : i32 to index
      %get3A_37 = arith.index_cast %mul3A_34 : i32 to index
      %get3A_38 = tpu.vector_load %arg6[%get3A_36, %get3A_37] {strides = array<i32>} : memref<32x320xi32, #tpu.memory_space<vmem>>, vector<16xi32>,
      %max3A_39 = arith.maxsi %max3A_32, %get3A_38 : vector<16xi32>
      %mul3A_40 = arith.constant 16 : i32
      %mul3A_41 = arith.muli %scan3A_14, %mul3A_40 : i32
      %get3A_42 = arith.constant 4 : i32
      %get3A_43 = arith.index_cast %get3A_42 : i32 to index
      %get3A_44 = arith.index_cast %mul3A_41 : i32 to index
      %get3A_45 = tpu.vector_load %arg6[%get3A_43, %get3A_44] {strides = array<i32>} : memref<32x320xi32, #tpu.memory_space<vmem>>, vector<16xi32>,
      %max3A_46 = arith.maxsi %max3A_39, %get3A_45 : vector<16xi32>
      %mul3A_47 = arith.constant 16 : i32
      %mul3A_48 = arith.muli %scan3A_14, %mul3A_47 : i32
      %get3A_49 = arith.constant 5 : i32
      %get3A_50 = arith.index_cast %get3A_49 : i32 to index
      %get3A_51 = arith.index_cast %mul3A_48 : i32 to index
      %get3A_52 = tpu.vector_load %arg6[%get3A_50, %get3A_51] {strides = array<i32>} : memref<32x320xi32, #tpu.memory_space<vmem>>, vector<16xi32>,
      %max3A_53 = arith.maxsi %max3A_46, %get3A_52 : vector<16xi32>
      %mul3A_54 = arith.constant 16 : i32
      %mul3A_55 = arith.muli %scan3A_14, %mul3A_54 : i32
      %get3A_56 = arith.constant 6 : i32
      %get3A_57 = arith.index_cast %get3A_56 : i32 to index
      %get3A_58 = arith.index_cast %mul3A_55 : i32 to index
      %get3A_59 = tpu.vector_load %arg6[%get3A_57, %get3A_58] {strides = array<i32>} : memref<32x320xi32, #tpu.memory_space<vmem>>, vector<16xi32>,
      %max3A_60 = arith.maxsi %max3A_53, %get3A_59 : vector<16xi32>
      %mul3A_61 = arith.constant 16 : i32
      %mul3A_62 = arith.muli %scan3A_14, %mul3A_61 : i32
      %get3A_63 = arith.constant 7 : i32
      %get3A_64 = arith.index_cast %get3A_63 : i32 to index
      %get3A_65 = arith.index_cast %mul3A_62 : i32 to index
      %get3A_66 = tpu.vector_load %arg6[%get3A_64, %get3A_65] {strides = array<i32>} : memref<32x320xi32, #tpu.memory_space<vmem>>, vector<16xi32>,
      %max3A_67 = arith.maxsi %max3A_60, %get3A_66 : vector<16xi32>
      %mul3A_68 = arith.constant 16 : i32
      %mul3A_69 = arith.muli %scan3A_14, %mul3A_68 : i32
      %get3A_70 = arith.constant 8 : i32
      %get3A_71 = arith.index_cast %get3A_70 : i32 to index
      %get3A_72 = arith.index_cast %mul3A_69 : i32 to index
      %get3A_73 = tpu.vector_load %arg6[%get3A_71, %get3A_72] {strides = array<i32>} : memref<32x320xi32, #tpu.memory_space<vmem>>, vector<16xi32>,
      %max3A_74 = arith.maxsi %max3A_67, %get3A_73 : vector<16xi32>
      %mul3A_75 = arith.constant 16 : i32
      %mul3A_76 = arith.muli %scan3A_14, %mul3A_75 : i32
      %get3A_77 = arith.constant 9 : i32
      %get3A_78 = arith.index_cast %get3A_77 : i32 to index
      %get3A_79 = arith.index_cast %mul3A_76 : i32 to index
      %get3A_80 = tpu.vector_load %arg6[%get3A_78, %get3A_79] {strides = array<i32>} : memref<32x320xi32, #tpu.memory_space<vmem>>, vector<16xi32>,
      %max3A_81 = arith.maxsi %max3A_74, %get3A_80 : vector<16xi32>
      %mul3A_82 = arith.constant 16 : i32
      %mul3A_83 = arith.muli %scan3A_14, %mul3A_82 : i32
      %get3A_84 = arith.constant 10 : i32
      %get3A_85 = arith.index_cast %get3A_84 : i32 to index
      %get3A_86 = arith.index_cast %mul3A_83 : i32 to index
      %get3A_87 = tpu.vector_load %arg6[%get3A_85, %get3A_86] {strides = array<i32>} : memref<32x320xi32, #tpu.memory_space<vmem>>, vector<16xi32>,
      %max3A_88 = arith.maxsi %max3A_81, %get3A_87 : vector<16xi32>
      %mul3A_89 = arith.constant 16 : i32
      %mul3A_90 = arith.muli %scan3A_14, %mul3A_89 : i32
      %get3A_91 = arith.constant 11 : i32
      %get3A_92 = arith.index_cast %get3A_91 : i32 to index
      %get3A_93 = arith.index_cast %mul3A_90 : i32 to index
      %get3A_94 = tpu.vector_load %arg6[%get3A_92, %get3A_93] {strides = array<i32>} : memref<32x320xi32, #tpu.memory_space<vmem>>, vector<16xi32>,
      %max3A_95 = arith.maxsi %max3A_88, %get3A_94 : vector<16xi32>
      %mul3A_96 = arith.constant 16 : i32
      %mul3A_97 = arith.muli %scan3A_14, %mul3A_96 : i32
      %get3A_98 = arith.constant 12 : i32
      %get3A_99 = arith.index_cast %get3A_98 : i32 to index
      %get3A_100 = arith.index_cast %mul3A_97 : i32 to index
      %get3A_101 = tpu.vector_load %arg6[%get3A_99, %get3A_100] {strides = array<i32>} : memref<32x320xi32, #tpu.memory_space<vmem>>, vector<16xi32>,
      %max3A_102 = arith.maxsi %max3A_95, %get3A_101 : vector<16xi32>
      %mul3A_103 = arith.constant 16 : i32
      %mul3A_104 = arith.muli %scan3A_14, %mul3A_103 : i32
      %get3A_105 = arith.constant 13 : i32
      %get3A_106 = arith.index_cast %get3A_105 : i32 to index
      %get3A_107 = arith.index_cast %mul3A_104 : i32 to index
      %get3A_108 = tpu.vector_load %arg6[%get3A_106, %get3A_107] {strides = array<i32>} : memref<32x320xi32, #tpu.memory_space<vmem>>, vector<16xi32>,
      %max3A_109 = arith.maxsi %max3A_102, %get3A_108 : vector<16xi32>
      %mul3A_110 = arith.constant 16 : i32
      %mul3A_111 = arith.muli %scan3A_14, %mul3A_110 : i32
      %get3A_112 = arith.constant 14 : i32
      %get3A_113 = arith.index_cast %get3A_112 : i32 to index
      %get3A_114 = arith.index_cast %mul3A_111 : i32 to index
      %get3A_115 = tpu.vector_load %arg6[%get3A_113, %get3A_114] {strides = array<i32>} : memref<32x320xi32, #tpu.memory_space<vmem>>, vector<16xi32>,
      %max3A_116 = arith.maxsi %max3A_109, %get3A_115 : vector<16xi32>
      %mul3A_117 = arith.constant 16 : i32
      %mul3A_118 = arith.muli %scan3A_14, %mul3A_117 : i32
      %get3A_119 = arith.constant 15 : i32
      %get3A_120 = arith.index_cast %get3A_119 : i32 to index
      %get3A_121 = arith.index_cast %mul3A_118 : i32 to index
      %get3A_122 = tpu.vector_load %arg6[%get3A_120, %get3A_121] {strides = array<i32>} : memref<32x320xi32, #tpu.memory_space<vmem>>, vector<16xi32>,
      %max3A_123 = arith.maxsi %max3A_116, %get3A_122 : vector<16xi32>
      %mul3A_124 = arith.constant 16 : i32
      %mul3A_125 = arith.muli %scan3A_14, %mul3A_124 : i32
      %get3A_126 = arith.constant 16 : i32
      %get3A_127 = arith.index_cast %get3A_126 : i32 to index
      %get3A_128 = arith.index_cast %mul3A_125 : i32 to index
      %get3A_129 = tpu.vector_load %arg6[%get3A_127, %get3A_128] {strides = array<i32>} : memref<32x320xi32, #tpu.memory_space<vmem>>, vector<16xi32>,
      %max3A_130 = arith.maxsi %max3A_123, %get3A_129 : vector<16xi32>
      %mul3A_131 = arith.constant 16 : i32
      %mul3A_132 = arith.muli %scan3A_14, %mul3A_131 : i32
      %get3A_133 = arith.constant 17 : i32
      %get3A_134 = arith.index_cast %get3A_133 : i32 to index
      %get3A_135 = arith.index_cast %mul3A_132 : i32 to index
      %get3A_136 = tpu.vector_load %arg6[%get3A_134, %get3A_135] {strides = array<i32>} : memref<32x320xi32, #tpu.memory_space<vmem>>, vector<16xi32>,
      %max3A_137 = arith.maxsi %max3A_130, %get3A_136 : vector<16xi32>
      %mul3A_138 = arith.constant 16 : i32
      %mul3A_139 = arith.muli %scan3A_14, %mul3A_138 : i32
      %get3A_140 = arith.constant 18 : i32
      %get3A_141 = arith.index_cast %get3A_140 : i32 to index
      %get3A_142 = arith.index_cast %mul3A_139 : i32 to index
      %get3A_143 = tpu.vector_load %arg6[%get3A_141, %get3A_142] {strides = array<i32>} : memref<32x320xi32, #tpu.memory_space<vmem>>, vector<16xi32>,
      %max3A_144 = arith.maxsi %max3A_137, %get3A_143 : vector<16xi32>
      %mul3A_145 = arith.constant 16 : i32
      %mul3A_146 = arith.muli %scan3A_14, %mul3A_145 : i32
      %get3A_147 = arith.constant 19 : i32
      %get3A_148 = arith.index_cast %get3A_147 : i32 to index
      %get3A_149 = arith.index_cast %mul3A_146 : i32 to index
      %get3A_150 = tpu.vector_load %arg6[%get3A_148, %get3A_149] {strides = array<i32>} : memref<32x320xi32, #tpu.memory_space<vmem>>, vector<16xi32>,
      %max3A_151 = arith.maxsi %max3A_144, %get3A_150 : vector<16xi32>
      %mul3A_152 = arith.constant 16 : i32
      %mul3A_153 = arith.muli %scan3A_14, %mul3A_152 : i32
      %get3A_154 = arith.constant 20 : i32
      %get3A_155 = arith.index_cast %get3A_154 : i32 to index
      %get3A_156 = arith.index_cast %mul3A_153 : i32 to index
      %get3A_157 = tpu.vector_load %arg6[%get3A_155, %get3A_156] {strides = array<i32>} : memref<32x320xi32, #tpu.memory_space<vmem>>, vector<16xi32>,
      %max3A_158 = arith.maxsi %max3A_151, %get3A_157 : vector<16xi32>
      %mul3A_159 = arith.constant 16 : i32
      %mul3A_160 = arith.muli %scan3A_14, %mul3A_159 : i32
      %get3A_161 = arith.constant 21 : i32
      %get3A_162 = arith.index_cast %get3A_161 : i32 to index
      %get3A_163 = arith.index_cast %mul3A_160 : i32 to index
      %get3A_164 = tpu.vector_load %arg6[%get3A_162, %get3A_163] {strides = array<i32>} : memref<32x320xi32, #tpu.memory_space<vmem>>, vector<16xi32>,
      %max3A_165 = arith.maxsi %max3A_158, %get3A_164 : vector<16xi32>
      %mul3A_166 = arith.constant 16 : i32
      %mul3A_167 = arith.muli %scan3A_14, %mul3A_166 : i32
      %get3A_168 = arith.constant 22 : i32
      %get3A_169 = arith.index_cast %get3A_168 : i32 to index
      %get3A_170 = arith.index_cast %mul3A_167 : i32 to index
      %get3A_171 = tpu.vector_load %arg6[%get3A_169, %get3A_170] {strides = array<i32>} : memref<32x320xi32, #tpu.memory_space<vmem>>, vector<16xi32>,
      %max3A_172 = arith.maxsi %max3A_165, %get3A_171 : vector<16xi32>
      %mul3A_173 = arith.constant 16 : i32
      %mul3A_174 = arith.muli %scan3A_14, %mul3A_173 : i32
      %get3A_175 = arith.constant 23 : i32
      %get3A_176 = arith.index_cast %get3A_175 : i32 to index
      %get3A_177 = arith.index_cast %mul3A_174 : i32 to index
      %get3A_178 = tpu.vector_load %arg6[%get3A_176, %get3A_177] {strides = array<i32>} : memref<32x320xi32, #tpu.memory_space<vmem>>, vector<16xi32>,
      %max3A_179 = arith.maxsi %max3A_172, %get3A_178 : vector<16xi32>
      %mul3A_180 = arith.constant 16 : i32
      %mul3A_181 = arith.muli %scan3A_14, %mul3A_180 : i32
      %get3A_182 = arith.constant 24 : i32
      %get3A_183 = arith.index_cast %get3A_182 : i32 to index
      %get3A_184 = arith.index_cast %mul3A_181 : i32 to index
      %get3A_185 = tpu.vector_load %arg6[%get3A_183, %get3A_184] {strides = array<i32>} : memref<32x320xi32, #tpu.memory_space<vmem>>, vector<16xi32>,
      %max3A_186 = arith.maxsi %max3A_179, %get3A_185 : vector<16xi32>
      %mul3A_187 = arith.constant 16 : i32
      %mul3A_188 = arith.muli %scan3A_14, %mul3A_187 : i32
      %get3A_189 = arith.constant 25 : i32
      %get3A_190 = arith.index_cast %get3A_189 : i32 to index
      %get3A_191 = arith.index_cast %mul3A_188 : i32 to index
      %get3A_192 = tpu.vector_load %arg6[%get3A_190, %get3A_191] {strides = array<i32>} : memref<32x320xi32, #tpu.memory_space<vmem>>, vector<16xi32>,
      %max3A_193 = arith.maxsi %max3A_186, %get3A_192 : vector<16xi32>
      %mul3A_194 = arith.constant 16 : i32
      %mul3A_195 = arith.muli %scan3A_14, %mul3A_194 : i32
      %get3A_196 = arith.constant 26 : i32
      %get3A_197 = arith.index_cast %get3A_196 : i32 to index
      %get3A_198 = arith.index_cast %mul3A_195 : i32 to index
      %get3A_199 = tpu.vector_load %arg6[%get3A_197, %get3A_198] {strides = array<i32>} : memref<32x320xi32, #tpu.memory_space<vmem>>, vector<16xi32>,
      %max3A_200 = arith.maxsi %max3A_193, %get3A_199 : vector<16xi32>
      %mul3A_201 = arith.constant 16 : i32
      %mul3A_202 = arith.muli %scan3A_14, %mul3A_201 : i32
      %get3A_203 = arith.constant 27 : i32
      %get3A_204 = arith.index_cast %get3A_203 : i32 to index
      %get3A_205 = arith.index_cast %mul3A_202 : i32 to index
      %get3A_206 = tpu.vector_load %arg6[%get3A_204, %get3A_205] {strides = array<i32>} : memref<32x320xi32, #tpu.memory_space<vmem>>, vector<16xi32>,
      %max3A_207 = arith.maxsi %max3A_200, %get3A_206 : vector<16xi32>
      %mul3A_208 = arith.constant 16 : i32
      %mul3A_209 = arith.muli %scan3A_14, %mul3A_208 : i32
      %get3A_210 = arith.constant 28 : i32
      %get3A_211 = arith.index_cast %get3A_210 : i32 to index
      %get3A_212 = arith.index_cast %mul3A_209 : i32 to index
      %get3A_213 = tpu.vector_load %arg6[%get3A_211, %get3A_212] {strides = array<i32>} : memref<32x320xi32, #tpu.memory_space<vmem>>, vector<16xi32>,
      %max3A_214 = arith.maxsi %max3A_207, %get3A_213 : vector<16xi32>
      %mul3A_215 = arith.constant 16 : i32
      %mul3A_216 = arith.muli %scan3A_14, %mul3A_215 : i32
      %get3A_217 = arith.constant 29 : i32
      %get3A_218 = arith.index_cast %get3A_217 : i32 to index
      %get3A_219 = arith.index_cast %mul3A_216 : i32 to index
      %get3A_220 = tpu.vector_load %arg6[%get3A_218, %get3A_219] {strides = array<i32>} : memref<32x320xi32, #tpu.memory_space<vmem>>, vector<16xi32>,
      %max3A_221 = arith.maxsi %max3A_214, %get3A_220 : vector<16xi32>
      %mul3A_222 = arith.constant 16 : i32
      %mul3A_223 = arith.muli %scan3A_14, %mul3A_222 : i32
      %get3A_224 = arith.constant 30 : i32
      %get3A_225 = arith.index_cast %get3A_224 : i32 to index
      %get3A_226 = arith.index_cast %mul3A_223 : i32 to index
      %get3A_227 = tpu.vector_load %arg6[%get3A_225, %get3A_226] {strides = array<i32>} : memref<32x320xi32, #tpu.memory_space<vmem>>, vector<16xi32>,
      %max3A_228 = arith.maxsi %max3A_221, %get3A_227 : vector<16xi32>
      %mul3A_229 = arith.constant 16 : i32
      %mul3A_230 = arith.muli %scan3A_14, %mul3A_229 : i32
      %get3A_231 = arith.constant 31 : i32
      %get3A_232 = arith.index_cast %get3A_231 : i32 to index
      %get3A_233 = arith.index_cast %mul3A_230 : i32 to index
      %get3A_234 = tpu.vector_load %arg6[%get3A_232, %get3A_233] {strides = array<i32>} : memref<32x320xi32, #tpu.memory_space<vmem>>, vector<16xi32>,
      %max3A_235 = arith.maxsi %max3A_228, %get3A_234 : vector<16xi32>
      %max3A_236 = arith.constant 0 : i32
      %max3A_237 = vector.broadcast %max3A_236 : i32 to vector<16xi32>
      %max3A_238 = arith.maxsi %max3A_235, %max3A_237 : vector<16xi32>
      %mul3A_239 = arith.constant 16 : i32
      %mul3A_240 = arith.muli %scan3A_14, %mul3A_239 : i32
      %swap3A = arith.index_cast %mul3A_240 : i32 to index
      %swap3A_241 = tpu.vector_load %arg7[%swap3A] {strides = array<i32>} : memref<320xi32, #tpu.memory_space<vmem>>, vector<16xi32>,
      tpu.vector_store %arg7[%swap3A], %max3A_238 {strides = array<i32>} : memref<320xi32, #tpu.memory_space<vmem>>, vector<16xi32>,
      %ge3A = arith.constant 0 : i32
      %ge3A_242 = vector.broadcast %ge3A : i32 to vector<16xi32>
      %ge3A_243 = arith.cmpi sge, %max3A_235, %ge3A_242 : vector<16xi32>
      %jit3A = arith.constant 1.000000e+00 : f32
      %jit3A_244 = arith.constant 0.000000e+00 : f32
      %broadcast_in_dim3A = vector.broadcast %jit3A : f32 to vector<16xf32>
      %broadcast_in_dim3A_245 = vector.broadcast %jit3A_244 : f32 to vector<16xf32>
      %select_n3A = arith.select %ge3A_243, %broadcast_in_dim3A, %broadcast_in_dim3A_245 : vector<16xi1>, vector<16xf32>
      %mul3A_246 = arith.constant 16 : i32
      %mul3A_247 = arith.muli %scan3A_14, %mul3A_246 : i32
      %swap3A_248 = arith.index_cast %mul3A_247 : i32 to index
      %swap3A_249 = tpu.vector_load %arg8[%swap3A_248] {strides = array<i32>} : memref<320xf32, #tpu.memory_space<vmem>>, vector<16xf32>,
      tpu.vector_store %arg8[%swap3A_248], %select_n3A {strides = array<i32>} : memref<320xf32, #tpu.memory_space<vmem>>, vector<16xf32>,
    }
    %scan3A_7 = arith.constant 20 : i32
    "tpu.region"() ({
      %run_scoped3A = tpu.sem_alloc : memref<!tpu.dma_semaphore, #tpu.memory_space<semaphore_mem>>
      %dma_start3A = tpu.memref_slice %arg4[%mul3A_2] : memref<10240xf32, #tpu.memory_space<hbm>> -> memref<320xf32, #tpu.memory_space<hbm>>
      %dma_start3A_14 = tpu.memref_slice %arg4[%mul3A_2] : memref<10240xf32, #tpu.memory_space<hbm>> -> memref<320xf32, #tpu.memory_space<hbm>>
      tpu.enqueue_dma source(%arg8 : memref<320xf32, #tpu.memory_space<vmem>>) target(%dma_start3A_14 : memref<320xf32, #tpu.memory_space<hbm>>) target_semaphore(%run_scoped3A : memref<!tpu.dma_semaphore, #tpu.memory_space<semaphore_mem>>)
      %dma_wait3A = tpu.memref_slice %arg4[%mul3A_2] : memref<10240xf32, #tpu.memory_space<hbm>> -> memref<320xf32, #tpu.memory_space<hbm>>
      %dma_wait3A_15 = tpu.memref_slice %arg4[%mul3A_2] : memref<10240xf32, #tpu.memory_space<hbm>> -> memref<320xf32, #tpu.memory_space<hbm>>
      tpu.wait_dma2 semaphore(%run_scoped3A : memref<!tpu.dma_semaphore, #tpu.memory_space<semaphore_mem>>) src(%arg8 : memref<320xf32, #tpu.memory_space<vmem>>) dst(%dma_wait3A_15 : memref<320xf32, #tpu.memory_space<hbm>>)
      tpu.yield
    }) : () -> ()
    %scan3A_8 = arith.constant 0 : i32
    %scan3A_9 = arith.constant 0 : i32
    %scan3A_10 = arith.constant 4 : i32
    %scan3A_11 = arith.addi %scan3A_9, %scan3A_10 : i32
    %scan3A_12 = arith.constant 1 : i32
    scf.for %scan3A_14 = %scan3A_9 to %scan3A_11 step %scan3A_12  : i32 {
      %mul3A_15 = arith.constant 80 : i32
      %mul3A_16 = arith.muli %scan3A_14, %mul3A_15 : i32
      %mul3A_17 = arith.constant 80 : i32
      %mul3A_18 = arith.muli %scan3A_14, %mul3A_17 : i32
      %dma_start3A = arith.constant 0 : i32
      %dma_start3A_19 = tpu.memref_slice %arg9[%mul3A_18, %dma_start3A] : memref<320x16xf32, #tpu.memory_space<vmem>> -> memref<80x16xf32, #tpu.memory_space<vmem>>
      %dma_start3A_20 = tpu.memref_slice %arg7[%mul3A_16] : memref<320xi32, #tpu.memory_space<vmem>> -> memref<80xi32, #tpu.memory_space<vmem>>
      %dma_start3A_21 = arith.constant 0 : i32
      %dma_start3A_22 = arith.constant 0 : i32
      %dma_start3A_23 = tpu.memref_slice %arg3[%dma_start3A_21, %dma_start3A_22] : memref<320000x16xf32, #tpu.memory_space<hbm>> -> memref<320000x16xf32, #tpu.memory_space<hbm>>
      tpu.enqueue_indirect_dma source(%dma_start3A_23 : memref<320000x16xf32, #tpu.memory_space<hbm>>) target(%dma_start3A_19 : memref<80x16xf32, #tpu.memory_space<vmem>>) offsets(%dma_start3A_20 : memref<80xi32, #tpu.memory_space<vmem>>) semaphore(%arg10 : memref<!tpu.dma_semaphore, #tpu.memory_space<semaphore_mem>>)
      %dma_wait3A = arith.constant 0 : i32
      %dma_wait3A_24 = tpu.memref_slice %arg9[%mul3A_18, %dma_wait3A] : memref<320x16xf32, #tpu.memory_space<vmem>> -> memref<80x16xf32, #tpu.memory_space<vmem>>
      %dma_wait3A_25 = tpu.memref_slice %arg7[%mul3A_16] : memref<320xi32, #tpu.memory_space<vmem>> -> memref<80xi32, #tpu.memory_space<vmem>>
      %dma_wait3A_26 = arith.constant 0 : i32
      %dma_wait3A_27 = arith.constant 0 : i32
      %dma_wait3A_28 = tpu.memref_slice %arg3[%dma_wait3A_26, %dma_wait3A_27] : memref<320000x16xf32, #tpu.memory_space<hbm>> -> memref<320000x16xf32, #tpu.memory_space<hbm>>
      tpu.wait_indirect_dma semaphore(%arg10 : memref<!tpu.dma_semaphore, #tpu.memory_space<semaphore_mem>>) src(%dma_wait3A_28 : memref<320000x16xf32, #tpu.memory_space<hbm>>) dst(%dma_wait3A_24 : memref<80x16xf32, #tpu.memory_space<vmem>>)
    }
    %scan3A_13 = arith.constant 4 : i32
    "tpu.region"() ({
      %run_scoped3A = tpu.sem_alloc : memref<!tpu.dma_semaphore, #tpu.memory_space<semaphore_mem>>
      %dma_start3A = arith.constant 0 : i32
      %dma_start3A_14 = tpu.memref_slice %arg5[%mul3A_2, %dma_start3A] : memref<10240x16xf32, #tpu.memory_space<hbm>> -> memref<320x16xf32, #tpu.memory_space<hbm>>
      %dma_start3A_15 = arith.constant 0 : i32
      %dma_start3A_16 = tpu.memref_slice %arg5[%mul3A_2, %dma_start3A_15] : memref<10240x16xf32, #tpu.memory_space<hbm>> -> memref<320x16xf32, #tpu.memory_space<hbm>>
      tpu.enqueue_dma source(%arg9 : memref<320x16xf32, #tpu.memory_space<vmem>>) target(%dma_start3A_16 : memref<320x16xf32, #tpu.memory_space<hbm>>) target_semaphore(%run_scoped3A : memref<!tpu.dma_semaphore, #tpu.memory_space<semaphore_mem>>)
      %dma_wait3A = arith.constant 0 : i32
      %dma_wait3A_17 = tpu.memref_slice %arg5[%mul3A_2, %dma_wait3A] : memref<10240x16xf32, #tpu.memory_space<hbm>> -> memref<320x16xf32, #tpu.memory_space<hbm>>
      %dma_wait3A_18 = arith.constant 0 : i32
      %dma_wait3A_19 = tpu.memref_slice %arg5[%mul3A_2, %dma_wait3A_18] : memref<10240x16xf32, #tpu.memory_space<hbm>> -> memref<320x16xf32, #tpu.memory_space<hbm>>
      tpu.wait_dma2 semaphore(%run_scoped3A : memref<!tpu.dma_semaphore, #tpu.memory_space<semaphore_mem>>) src(%arg9 : memref<320x16xf32, #tpu.memory_space<vmem>>) dst(%dma_wait3A_19 : memref<320x16xf32, #tpu.memory_space<hbm>>)
      tpu.yield
    }) : () -> ()
    return
  }
}

#map = affine_map<(d0, d1) -> (0, 0, 0)>
#map1 = affine_map<(d0, d1) -> (0, 0, 0, 0)>
#map2 = affine_map<(d0, d1) -> (0, 0)>
#map3 = affine_map<(d0, d1) -> (0)>
module attributes {stable_mosaic.version = 14 : i64} {
  func.func @_edge_pass_body(%arg0: i32, %arg1: i32, %arg2: memref<2x10000x64xf32, #tpu.memory_space<hbm>>, %arg3: memref<2x16x160x125xi32, #tpu.memory_space<hbm>>, %arg4: memref<10240x64xf32, #tpu.memory_space<hbm>>, %arg5: memref<10240xf32, #tpu.memory_space<hbm>>, %arg6: memref<10240xi32, #tpu.memory_space<hbm>>, %arg7: memref<2x10240x64xf32, #tpu.memory_space<hbm>>, %arg8: memref<2x10240xf32, #tpu.memory_space<hbm>>, %arg9: memref<2x16x10240xi32, #tpu.memory_space<hbm>>, %arg10: memref<160x125xi32, #tpu.memory_space<vmem>>, %arg11: memref<160x125xi32, #tpu.memory_space<vmem>>, %arg12: memref<125x64xf32, #tpu.memory_space<vmem>>, %arg13: memref<125x64xf32, #tpu.memory_space<vmem>>, %arg14: memref<125x64xf32, #tpu.memory_space<vmem>>, %arg15: memref<125x64xf32, #tpu.memory_space<vmem>>, %arg16: memref<128xf32, #tpu.memory_space<vmem>>, %arg17: memref<10240xi32, #tpu.memory_space<vmem>>, %arg18: memref<!tpu.dma_semaphore, #tpu.memory_space<semaphore_mem>>, %arg19: memref<!tpu.dma_semaphore, #tpu.memory_space<semaphore_mem>>, %arg20: memref<!tpu.dma_semaphore, #tpu.memory_space<semaphore_mem>>, %arg21: memref<!tpu.dma_semaphore, #tpu.memory_space<semaphore_mem>>, %arg22: memref<!tpu.dma_semaphore, #tpu.memory_space<semaphore_mem>>, %arg23: memref<!tpu.dma_semaphore, #tpu.memory_space<semaphore_mem>>, %arg24: memref<!tpu.dma_semaphore, #tpu.memory_space<semaphore_mem>>, %arg25: memref<!tpu.dma_semaphore, #tpu.memory_space<semaphore_mem>>, %arg26: memref<!tpu.dma_semaphore, #tpu.memory_space<semaphore_mem>>, %arg27: memref<10240x64xf32, #tpu.memory_space<vmem_shared>>, %arg28: memref<10240xf32, #tpu.memory_space<vmem_shared>>) attributes {dimension_semantics = [#tpu.dimension_semantics<core_parallel>, #tpu.dimension_semantics<subcore_parallel>], iteration_bounds = array<i64: 2, 16>, scalar_prefetch = 0 : i64, scratch_operands = 19 : i64, tpu.core_type = #tpu.core_type<sc_vector_subcore>, window_params = [{transform_indices = #map}, {transform_indices = #map1}, {transform_indices = #map2}, {transform_indices = #map3}, {transform_indices = #map3}, {transform_indices = #map}, {transform_indices = #map2}, {transform_indices = #map}]} {
    %mul3A = arith.constant 640 : i32
    %mul3A_0 = arith.muli %arg1, %mul3A : i32
    %mul3A_1 = arith.constant 640 : i32
    %mul3A_2 = arith.muli %arg1, %mul3A_1 : i32
    "tpu.region"() ({
      %run_scoped3A_136 = tpu.sem_alloc : memref<!tpu.dma_semaphore, #tpu.memory_space<semaphore_mem>>
      %dma_start3A_137 = arith.constant 0 : i32
      %dma_start3A_138 = tpu.memref_slice %arg27[%mul3A_2, %dma_start3A_137] : memref<10240x64xf32, #tpu.memory_space<vmem_shared>> -> memref<640x64xf32, #tpu.memory_space<vmem_shared>>
      %dma_start3A_139 = arith.constant 0 : i32
      %dma_start3A_140 = tpu.memref_slice %arg4[%mul3A_0, %dma_start3A_139] : memref<10240x64xf32, #tpu.memory_space<hbm>> -> memref<640x64xf32, #tpu.memory_space<hbm>>
      tpu.enqueue_dma source(%dma_start3A_140 : memref<640x64xf32, #tpu.memory_space<hbm>>) target(%dma_start3A_138 : memref<640x64xf32, #tpu.memory_space<vmem_shared>>) target_semaphore(%run_scoped3A_136 : memref<!tpu.dma_semaphore, #tpu.memory_space<semaphore_mem>>)
      %dma_wait3A_141 = arith.constant 0 : i32
      %dma_wait3A_142 = tpu.memref_slice %arg27[%mul3A_2, %dma_wait3A_141] : memref<10240x64xf32, #tpu.memory_space<vmem_shared>> -> memref<640x64xf32, #tpu.memory_space<vmem_shared>>
      %dma_wait3A_143 = arith.constant 0 : i32
      %dma_wait3A_144 = tpu.memref_slice %arg4[%mul3A_0, %dma_wait3A_143] : memref<10240x64xf32, #tpu.memory_space<hbm>> -> memref<640x64xf32, #tpu.memory_space<hbm>>
      tpu.wait_dma2 semaphore(%run_scoped3A_136 : memref<!tpu.dma_semaphore, #tpu.memory_space<semaphore_mem>>) src(%dma_wait3A_144 : memref<640x64xf32, #tpu.memory_space<hbm>>) dst(%dma_wait3A_142 : memref<640x64xf32, #tpu.memory_space<vmem_shared>>)
      tpu.yield
    }) : () -> ()
    %eq3A = arith.constant 0 : i32
    %eq3A_3 = arith.cmpi eq, %arg1, %eq3A : i32
    %convert_element_type3A = arith.extui %eq3A_3 : i1 to i32
    %cond3A = arith.constant 0 : i32
    %cond3A_4 = arith.cmpi ne, %convert_element_type3A, %cond3A : i32
    scf.if %cond3A_4 {
      "tpu.region"() ({
        %run_scoped3A_136 = tpu.sem_alloc : memref<!tpu.dma_semaphore, #tpu.memory_space<semaphore_mem>>
        tpu.enqueue_dma source(%arg5 : memref<10240xf32, #tpu.memory_space<hbm>>) target(%arg28 : memref<10240xf32, #tpu.memory_space<vmem_shared>>) target_semaphore(%run_scoped3A_136 : memref<!tpu.dma_semaphore, #tpu.memory_space<semaphore_mem>>)
        tpu.wait_dma2 semaphore(%run_scoped3A_136 : memref<!tpu.dma_semaphore, #tpu.memory_space<semaphore_mem>>) src(%arg5 : memref<10240xf32, #tpu.memory_space<hbm>>) dst(%arg28 : memref<10240xf32, #tpu.memory_space<vmem_shared>>)
        tpu.yield
      }) : () -> ()
    } else {
    }
    %run_scoped3A = arith.constant 0 : i32
    "tpu.region"() ({
      %run_scoped3A_136 = tpu.sem_alloc : memref<!tpu.dma_semaphore, #tpu.memory_space<semaphore_mem>>
      %dma_start3A_137 = arith.constant 0 : i32
      %dma_start3A_138 = arith.constant 0 : i32
      %dma_start3A_139 = tpu.memref_slice %arg3[%run_scoped3A, %arg1, %dma_start3A_137, %dma_start3A_138] : memref<2x16x160x125xi32, #tpu.memory_space<hbm>> -> memref<1x1x160x125xi32, #tpu.memory_space<hbm>>
      %dma_start3A_140 = tpu.memref_squeeze %dma_start3A_139 : memref<1x1x160x125xi32, #tpu.memory_space<hbm>> -> memref<160x125xi32, #tpu.memory_space<hbm>>
      %dma_start3A_141 = arith.constant 0 : i32
      %dma_start3A_142 = arith.constant 0 : i32
      %dma_start3A_143 = tpu.memref_slice %arg3[%run_scoped3A, %arg1, %dma_start3A_141, %dma_start3A_142] : memref<2x16x160x125xi32, #tpu.memory_space<hbm>> -> memref<1x1x160x125xi32, #tpu.memory_space<hbm>>
      %dma_start3A_144 = tpu.memref_squeeze %dma_start3A_143 : memref<1x1x160x125xi32, #tpu.memory_space<hbm>> -> memref<160x125xi32, #tpu.memory_space<hbm>>
      tpu.enqueue_dma source(%dma_start3A_144 : memref<160x125xi32, #tpu.memory_space<hbm>>) target(%arg10 : memref<160x125xi32, #tpu.memory_space<vmem>>) target_semaphore(%run_scoped3A_136 : memref<!tpu.dma_semaphore, #tpu.memory_space<semaphore_mem>>)
      %dma_wait3A_145 = arith.constant 0 : i32
      %dma_wait3A_146 = arith.constant 0 : i32
      %dma_wait3A_147 = tpu.memref_slice %arg3[%run_scoped3A, %arg1, %dma_wait3A_145, %dma_wait3A_146] : memref<2x16x160x125xi32, #tpu.memory_space<hbm>> -> memref<1x1x160x125xi32, #tpu.memory_space<hbm>>
      %dma_wait3A_148 = tpu.memref_squeeze %dma_wait3A_147 : memref<1x1x160x125xi32, #tpu.memory_space<hbm>> -> memref<160x125xi32, #tpu.memory_space<hbm>>
      %dma_wait3A_149 = arith.constant 0 : i32
      %dma_wait3A_150 = arith.constant 0 : i32
      %dma_wait3A_151 = tpu.memref_slice %arg3[%run_scoped3A, %arg1, %dma_wait3A_149, %dma_wait3A_150] : memref<2x16x160x125xi32, #tpu.memory_space<hbm>> -> memref<1x1x160x125xi32, #tpu.memory_space<hbm>>
      %dma_wait3A_152 = tpu.memref_squeeze %dma_wait3A_151 : memref<1x1x160x125xi32, #tpu.memory_space<hbm>> -> memref<160x125xi32, #tpu.memory_space<hbm>>
      tpu.wait_dma2 semaphore(%run_scoped3A_136 : memref<!tpu.dma_semaphore, #tpu.memory_space<semaphore_mem>>) src(%dma_wait3A_152 : memref<160x125xi32, #tpu.memory_space<hbm>>) dst(%arg10 : memref<160x125xi32, #tpu.memory_space<vmem>>)
      tpu.yield
    }) : () -> ()
    %run_scoped3A_5 = arith.constant 1 : i32
    "tpu.region"() ({
      %run_scoped3A_136 = tpu.sem_alloc : memref<!tpu.dma_semaphore, #tpu.memory_space<semaphore_mem>>
      %dma_start3A_137 = arith.constant 0 : i32
      %dma_start3A_138 = arith.constant 0 : i32
      %dma_start3A_139 = tpu.memref_slice %arg3[%run_scoped3A_5, %arg1, %dma_start3A_137, %dma_start3A_138] : memref<2x16x160x125xi32, #tpu.memory_space<hbm>> -> memref<1x1x160x125xi32, #tpu.memory_space<hbm>>
      %dma_start3A_140 = tpu.memref_squeeze %dma_start3A_139 : memref<1x1x160x125xi32, #tpu.memory_space<hbm>> -> memref<160x125xi32, #tpu.memory_space<hbm>>
      %dma_start3A_141 = arith.constant 0 : i32
      %dma_start3A_142 = arith.constant 0 : i32
      %dma_start3A_143 = tpu.memref_slice %arg3[%run_scoped3A_5, %arg1, %dma_start3A_141, %dma_start3A_142] : memref<2x16x160x125xi32, #tpu.memory_space<hbm>> -> memref<1x1x160x125xi32, #tpu.memory_space<hbm>>
      %dma_start3A_144 = tpu.memref_squeeze %dma_start3A_143 : memref<1x1x160x125xi32, #tpu.memory_space<hbm>> -> memref<160x125xi32, #tpu.memory_space<hbm>>
      tpu.enqueue_dma source(%dma_start3A_144 : memref<160x125xi32, #tpu.memory_space<hbm>>) target(%arg11 : memref<160x125xi32, #tpu.memory_space<vmem>>) target_semaphore(%run_scoped3A_136 : memref<!tpu.dma_semaphore, #tpu.memory_space<semaphore_mem>>)
      %dma_wait3A_145 = arith.constant 0 : i32
      %dma_wait3A_146 = arith.constant 0 : i32
      %dma_wait3A_147 = tpu.memref_slice %arg3[%run_scoped3A_5, %arg1, %dma_wait3A_145, %dma_wait3A_146] : memref<2x16x160x125xi32, #tpu.memory_space<hbm>> -> memref<1x1x160x125xi32, #tpu.memory_space<hbm>>
      %dma_wait3A_148 = tpu.memref_squeeze %dma_wait3A_147 : memref<1x1x160x125xi32, #tpu.memory_space<hbm>> -> memref<160x125xi32, #tpu.memory_space<hbm>>
      %dma_wait3A_149 = arith.constant 0 : i32
      %dma_wait3A_150 = arith.constant 0 : i32
      %dma_wait3A_151 = tpu.memref_slice %arg3[%run_scoped3A_5, %arg1, %dma_wait3A_149, %dma_wait3A_150] : memref<2x16x160x125xi32, #tpu.memory_space<hbm>> -> memref<1x1x160x125xi32, #tpu.memory_space<hbm>>
      %dma_wait3A_152 = tpu.memref_squeeze %dma_wait3A_151 : memref<1x1x160x125xi32, #tpu.memory_space<hbm>> -> memref<160x125xi32, #tpu.memory_space<hbm>>
      tpu.wait_dma2 semaphore(%run_scoped3A_136 : memref<!tpu.dma_semaphore, #tpu.memory_space<semaphore_mem>>) src(%dma_wait3A_152 : memref<160x125xi32, #tpu.memory_space<hbm>>) dst(%arg11 : memref<160x125xi32, #tpu.memory_space<vmem>>)
      tpu.yield
    }) : () -> ()
    "tpu.region"() ({
      %run_scoped3A_136 = tpu.sem_alloc : memref<!tpu.dma_semaphore, #tpu.memory_space<semaphore_mem>>
      tpu.enqueue_dma source(%arg6 : memref<10240xi32, #tpu.memory_space<hbm>>) target(%arg17 : memref<10240xi32, #tpu.memory_space<vmem>>) target_semaphore(%run_scoped3A_136 : memref<!tpu.dma_semaphore, #tpu.memory_space<semaphore_mem>>)
      tpu.wait_dma2 semaphore(%run_scoped3A_136 : memref<!tpu.dma_semaphore, #tpu.memory_space<semaphore_mem>>) src(%arg6 : memref<10240xi32, #tpu.memory_space<hbm>>) dst(%arg17 : memref<10240xi32, #tpu.memory_space<vmem>>)
      tpu.yield
    }) : () -> ()
    %broadcast_in_dim3A = arith.constant 1.000000e+00 : f32
    %broadcast_in_dim3A_6 = vector.broadcast %broadcast_in_dim3A : f32 to vector<16xf32>
    %swap3A = arith.constant 0 : index
    %swap3A_7 = tpu.vector_load %arg16[%swap3A] {strides = array<i32>} : memref<128xf32, #tpu.memory_space<vmem>>, vector<16xf32>,
    tpu.vector_store %arg16[%swap3A], %broadcast_in_dim3A_6 {strides = array<i32>} : memref<128xf32, #tpu.memory_space<vmem>>, vector<16xf32>,
    %broadcast_in_dim3A_8 = arith.constant 1.000000e+00 : f32
    %broadcast_in_dim3A_9 = vector.broadcast %broadcast_in_dim3A_8 : f32 to vector<16xf32>
    %swap3A_10 = arith.constant 16 : index
    %swap3A_11 = tpu.vector_load %arg16[%swap3A_10] {strides = array<i32>} : memref<128xf32, #tpu.memory_space<vmem>>, vector<16xf32>,
    tpu.vector_store %arg16[%swap3A_10], %broadcast_in_dim3A_9 {strides = array<i32>} : memref<128xf32, #tpu.memory_space<vmem>>, vector<16xf32>,
    %broadcast_in_dim3A_12 = arith.constant 1.000000e+00 : f32
    %broadcast_in_dim3A_13 = vector.broadcast %broadcast_in_dim3A_12 : f32 to vector<16xf32>
    %swap3A_14 = arith.constant 32 : index
    %swap3A_15 = tpu.vector_load %arg16[%swap3A_14] {strides = array<i32>} : memref<128xf32, #tpu.memory_space<vmem>>, vector<16xf32>,
    tpu.vector_store %arg16[%swap3A_14], %broadcast_in_dim3A_13 {strides = array<i32>} : memref<128xf32, #tpu.memory_space<vmem>>, vector<16xf32>,
    %broadcast_in_dim3A_16 = arith.constant 1.000000e+00 : f32
    %broadcast_in_dim3A_17 = vector.broadcast %broadcast_in_dim3A_16 : f32 to vector<16xf32>
    %swap3A_18 = arith.constant 48 : index
    %swap3A_19 = tpu.vector_load %arg16[%swap3A_18] {strides = array<i32>} : memref<128xf32, #tpu.memory_space<vmem>>, vector<16xf32>,
    tpu.vector_store %arg16[%swap3A_18], %broadcast_in_dim3A_17 {strides = array<i32>} : memref<128xf32, #tpu.memory_space<vmem>>, vector<16xf32>,
    %broadcast_in_dim3A_20 = arith.constant 1.000000e+00 : f32
    %broadcast_in_dim3A_21 = vector.broadcast %broadcast_in_dim3A_20 : f32 to vector<16xf32>
    %swap3A_22 = arith.constant 64 : index
    %swap3A_23 = tpu.vector_load %arg16[%swap3A_22] {strides = array<i32>} : memref<128xf32, #tpu.memory_space<vmem>>, vector<16xf32>,
    tpu.vector_store %arg16[%swap3A_22], %broadcast_in_dim3A_21 {strides = array<i32>} : memref<128xf32, #tpu.memory_space<vmem>>, vector<16xf32>,
    %broadcast_in_dim3A_24 = arith.constant 1.000000e+00 : f32
    %broadcast_in_dim3A_25 = vector.broadcast %broadcast_in_dim3A_24 : f32 to vector<16xf32>
    %swap3A_26 = arith.constant 80 : index
    %swap3A_27 = tpu.vector_load %arg16[%swap3A_26] {strides = array<i32>} : memref<128xf32, #tpu.memory_space<vmem>>, vector<16xf32>,
    tpu.vector_store %arg16[%swap3A_26], %broadcast_in_dim3A_25 {strides = array<i32>} : memref<128xf32, #tpu.memory_space<vmem>>, vector<16xf32>,
    %broadcast_in_dim3A_28 = arith.constant 1.000000e+00 : f32
    %broadcast_in_dim3A_29 = vector.broadcast %broadcast_in_dim3A_28 : f32 to vector<16xf32>
    %swap3A_30 = arith.constant 96 : index
    %swap3A_31 = tpu.vector_load %arg16[%swap3A_30] {strides = array<i32>} : memref<128xf32, #tpu.memory_space<vmem>>, vector<16xf32>,
    tpu.vector_store %arg16[%swap3A_30], %broadcast_in_dim3A_29 {strides = array<i32>} : memref<128xf32, #tpu.memory_space<vmem>>, vector<16xf32>,
    %broadcast_in_dim3A_32 = arith.constant 1.000000e+00 : f32
    %broadcast_in_dim3A_33 = vector.broadcast %broadcast_in_dim3A_32 : f32 to vector<16xf32>
    %swap3A_34 = arith.constant 112 : index
    %swap3A_35 = tpu.vector_load %arg16[%swap3A_34] {strides = array<i32>} : memref<128xf32, #tpu.memory_space<vmem>>, vector<16xf32>,
    tpu.vector_store %arg16[%swap3A_34], %broadcast_in_dim3A_33 {strides = array<i32>} : memref<128xf32, #tpu.memory_space<vmem>>, vector<16xf32>,
    %barrier3A = arith.constant 0 : index
    tpu.barrier barrier_id(%barrier3A)
    %iota3A = tpu.iota {dimensions = array<i32: 0>} : vector<16xi32>
    %mul3A_36 = arith.constant 20000 : i32
    %mul3A_37 = arith.muli %arg1, %mul3A_36 : i32
    %dma_start3A = arith.constant 0 : i32
    %dma_start3A_38 = arith.constant 0 : i32
    %dma_start3A_39 = tpu.memref_slice %arg10[%dma_start3A, %dma_start3A_38] : memref<160x125xi32, #tpu.memory_space<vmem>> -> memref<1x125xi32, #tpu.memory_space<vmem>>
    %dma_start3A_40 = tpu.memref_squeeze %dma_start3A_39 : memref<1x125xi32, #tpu.memory_space<vmem>> -> memref<125xi32, #tpu.memory_space<vmem>>
    %dma_start3A_41 = arith.constant 0 : i32
    %dma_start3A_42 = arith.constant 0 : i32
    %dma_start3A_43 = tpu.memref_slice %arg2[%arg0, %dma_start3A_41, %dma_start3A_42] : memref<2x10000x64xf32, #tpu.memory_space<hbm>> -> memref<1x10000x64xf32, #tpu.memory_space<hbm>>
    %dma_start3A_44 = tpu.memref_squeeze %dma_start3A_43 : memref<1x10000x64xf32, #tpu.memory_space<hbm>> -> memref<10000x64xf32, #tpu.memory_space<hbm>>
    %dma_start3A_45 = arith.constant 0 : i32
    %dma_start3A_46 = arith.constant 0 : i32
    %dma_start3A_47 = tpu.memref_slice %dma_start3A_44[%dma_start3A_45, %dma_start3A_46] : memref<10000x64xf32, #tpu.memory_space<hbm>> -> memref<10000x64xf32, #tpu.memory_space<hbm>>
    tpu.enqueue_indirect_dma source(%dma_start3A_47 : memref<10000x64xf32, #tpu.memory_space<hbm>>) target(%arg12 : memref<125x64xf32, #tpu.memory_space<vmem>>) offsets(%dma_start3A_40 : memref<125xi32, #tpu.memory_space<vmem>>) semaphore(%arg18 : memref<!tpu.dma_semaphore, #tpu.memory_space<semaphore_mem>>)
    %dma_start3A_48 = arith.constant 1 : i32
    %dma_start3A_49 = arith.constant 0 : i32
    %dma_start3A_50 = tpu.memref_slice %arg10[%dma_start3A_48, %dma_start3A_49] : memref<160x125xi32, #tpu.memory_space<vmem>> -> memref<1x125xi32, #tpu.memory_space<vmem>>
    %dma_start3A_51 = tpu.memref_squeeze %dma_start3A_50 : memref<1x125xi32, #tpu.memory_space<vmem>> -> memref<125xi32, #tpu.memory_space<vmem>>
    %dma_start3A_52 = arith.constant 0 : i32
    %dma_start3A_53 = arith.constant 0 : i32
    %dma_start3A_54 = tpu.memref_slice %arg2[%arg0, %dma_start3A_52, %dma_start3A_53] : memref<2x10000x64xf32, #tpu.memory_space<hbm>> -> memref<1x10000x64xf32, #tpu.memory_space<hbm>>
    %dma_start3A_55 = tpu.memref_squeeze %dma_start3A_54 : memref<1x10000x64xf32, #tpu.memory_space<hbm>> -> memref<10000x64xf32, #tpu.memory_space<hbm>>
    %dma_start3A_56 = arith.constant 0 : i32
    %dma_start3A_57 = arith.constant 0 : i32
    %dma_start3A_58 = tpu.memref_slice %dma_start3A_55[%dma_start3A_56, %dma_start3A_57] : memref<10000x64xf32, #tpu.memory_space<hbm>> -> memref<10000x64xf32, #tpu.memory_space<hbm>>
    tpu.enqueue_indirect_dma source(%dma_start3A_58 : memref<10000x64xf32, #tpu.memory_space<hbm>>) target(%arg13 : memref<125x64xf32, #tpu.memory_space<vmem>>) offsets(%dma_start3A_51 : memref<125xi32, #tpu.memory_space<vmem>>) semaphore(%arg19 : memref<!tpu.dma_semaphore, #tpu.memory_space<semaphore_mem>>)
    %dma_start3A_59 = arith.constant 2 : i32
    %dma_start3A_60 = arith.constant 0 : i32
    %dma_start3A_61 = tpu.memref_slice %arg10[%dma_start3A_59, %dma_start3A_60] : memref<160x125xi32, #tpu.memory_space<vmem>> -> memref<1x125xi32, #tpu.memory_space<vmem>>
    %dma_start3A_62 = tpu.memref_squeeze %dma_start3A_61 : memref<1x125xi32, #tpu.memory_space<vmem>> -> memref<125xi32, #tpu.memory_space<vmem>>
    %dma_start3A_63 = arith.constant 0 : i32
    %dma_start3A_64 = arith.constant 0 : i32
    %dma_start3A_65 = tpu.memref_slice %arg2[%arg0, %dma_start3A_63, %dma_start3A_64] : memref<2x10000x64xf32, #tpu.memory_space<hbm>> -> memref<1x10000x64xf32, #tpu.memory_space<hbm>>
    %dma_start3A_66 = tpu.memref_squeeze %dma_start3A_65 : memref<1x10000x64xf32, #tpu.memory_space<hbm>> -> memref<10000x64xf32, #tpu.memory_space<hbm>>
    %dma_start3A_67 = arith.constant 0 : i32
    %dma_start3A_68 = arith.constant 0 : i32
    %dma_start3A_69 = tpu.memref_slice %dma_start3A_66[%dma_start3A_67, %dma_start3A_68] : memref<10000x64xf32, #tpu.memory_space<hbm>> -> memref<10000x64xf32, #tpu.memory_space<hbm>>
    tpu.enqueue_indirect_dma source(%dma_start3A_69 : memref<10000x64xf32, #tpu.memory_space<hbm>>) target(%arg14 : memref<125x64xf32, #tpu.memory_space<vmem>>) offsets(%dma_start3A_62 : memref<125xi32, #tpu.memory_space<vmem>>) semaphore(%arg20 : memref<!tpu.dma_semaphore, #tpu.memory_space<semaphore_mem>>)
    %dma_start3A_70 = arith.constant 3 : i32
    %dma_start3A_71 = arith.constant 0 : i32
    %dma_start3A_72 = tpu.memref_slice %arg10[%dma_start3A_70, %dma_start3A_71] : memref<160x125xi32, #tpu.memory_space<vmem>> -> memref<1x125xi32, #tpu.memory_space<vmem>>
    %dma_start3A_73 = tpu.memref_squeeze %dma_start3A_72 : memref<1x125xi32, #tpu.memory_space<vmem>> -> memref<125xi32, #tpu.memory_space<vmem>>
    %dma_start3A_74 = arith.constant 0 : i32
    %dma_start3A_75 = arith.constant 0 : i32
    %dma_start3A_76 = tpu.memref_slice %arg2[%arg0, %dma_start3A_74, %dma_start3A_75] : memref<2x10000x64xf32, #tpu.memory_space<hbm>> -> memref<1x10000x64xf32, #tpu.memory_space<hbm>>
    %dma_start3A_77 = tpu.memref_squeeze %dma_start3A_76 : memref<1x10000x64xf32, #tpu.memory_space<hbm>> -> memref<10000x64xf32, #tpu.memory_space<hbm>>
    %dma_start3A_78 = arith.constant 0 : i32
    %dma_start3A_79 = arith.constant 0 : i32
    %dma_start3A_80 = tpu.memref_slice %dma_start3A_77[%dma_start3A_78, %dma_start3A_79] : memref<10000x64xf32, #tpu.memory_space<hbm>> -> memref<10000x64xf32, #tpu.memory_space<hbm>>
    tpu.enqueue_indirect_dma source(%dma_start3A_80 : memref<10000x64xf32, #tpu.memory_space<hbm>>) target(%arg15 : memref<125x64xf32, #tpu.memory_space<vmem>>) offsets(%dma_start3A_73 : memref<125xi32, #tpu.memory_space<vmem>>) semaphore(%arg21 : memref<!tpu.dma_semaphore, #tpu.memory_space<semaphore_mem>>)
    %scan3A = arith.constant 0 : i32
    %scan3A_81 = arith.constant 0 : i32
    %scan3A_82 = arith.constant 40 : i32
    %scan3A_83 = arith.addi %scan3A_81, %scan3A_82 : i32
    %scan3A_84 = arith.constant 1 : i32
    scf.for %scan3A_136 = %scan3A_81 to %scan3A_83 step %scan3A_84  : i32 {
      %mul3A_137 = arith.constant 4 : i32
      %mul3A_138 = arith.muli %mul3A_137, %scan3A_136 : i32
      %eq3A_139 = arith.constant 0 : i32
      %eq3A_140 = arith.cmpi eq, %arg0, %eq3A_139 : i32
      %lt3A = arith.constant 20 : i32
      %lt3A_141 = arith.cmpi slt, %scan3A_136, %lt3A : i32
      %eq3A_142 = arith.xori %eq3A_140, %lt3A_141 : i1
      %eq3A_143 = arith.constant true
      %eq3A_144 = arith.xori %eq3A_142, %eq3A_143 : i1
      %add3A_145 = arith.constant 0 : i32
      %add3A_146 = arith.addi %mul3A_138, %add3A_145 : i32
      %dma_wait3A_147 = arith.constant 0 : i32
      %dma_wait3A_148 = tpu.memref_slice %arg10[%add3A_146, %dma_wait3A_147] : memref<160x125xi32, #tpu.memory_space<vmem>> -> memref<1x125xi32, #tpu.memory_space<vmem>>
      %dma_wait3A_149 = tpu.memref_squeeze %dma_wait3A_148 : memref<1x125xi32, #tpu.memory_space<vmem>> -> memref<125xi32, #tpu.memory_space<vmem>>
      %dma_wait3A_150 = arith.constant 0 : i32
      %dma_wait3A_151 = arith.constant 0 : i32
      %dma_wait3A_152 = tpu.memref_slice %arg2[%arg0, %dma_wait3A_150, %dma_wait3A_151] : memref<2x10000x64xf32, #tpu.memory_space<hbm>> -> memref<1x10000x64xf32, #tpu.memory_space<hbm>>
      %dma_wait3A_153 = tpu.memref_squeeze %dma_wait3A_152 : memref<1x10000x64xf32, #tpu.memory_space<hbm>> -> memref<10000x64xf32, #tpu.memory_space<hbm>>
      %dma_wait3A_154 = arith.constant 0 : i32
      %dma_wait3A_155 = arith.constant 0 : i32
      %dma_wait3A_156 = tpu.memref_slice %dma_wait3A_153[%dma_wait3A_154, %dma_wait3A_155] : memref<10000x64xf32, #tpu.memory_space<hbm>> -> memref<10000x64xf32, #tpu.memory_space<hbm>>
      tpu.wait_indirect_dma semaphore(%arg18 : memref<!tpu.dma_semaphore, #tpu.memory_space<semaphore_mem>>) src(%dma_wait3A_156 : memref<10000x64xf32, #tpu.memory_space<hbm>>) dst(%arg12 : memref<125x64xf32, #tpu.memory_space<vmem>>)
      %dma_start3A_157 = arith.constant 0 : i32
      %dma_start3A_158 = tpu.memref_slice %arg11[%add3A_146, %dma_start3A_157] : memref<160x125xi32, #tpu.memory_space<vmem>> -> memref<1x125xi32, #tpu.memory_space<vmem>>
      %dma_start3A_159 = tpu.memref_squeeze %dma_start3A_158 : memref<1x125xi32, #tpu.memory_space<vmem>> -> memref<125xi32, #tpu.memory_space<vmem>>
      %dma_start3A_160 = arith.constant 0 : i32
      %dma_start3A_161 = arith.constant 0 : i32
      %dma_start3A_162 = tpu.memref_slice %arg27[%dma_start3A_160, %dma_start3A_161] : memref<10240x64xf32, #tpu.memory_space<vmem_shared>> -> memref<10240x64xf32, #tpu.memory_space<vmem_shared>>
      tpu.enqueue_indirect_dma source(%arg12 : memref<125x64xf32, #tpu.memory_space<vmem>>) target(%dma_start3A_162 : memref<10240x64xf32, #tpu.memory_space<vmem_shared>>) offsets(%dma_start3A_159 : memref<125xi32, #tpu.memory_space<vmem>>) semaphore(%arg22 : memref<!tpu.dma_semaphore, #tpu.memory_space<semaphore_mem>>) {add = true}
      %convert_element_type3A_163 = arith.extui %eq3A_144 : i1 to i32
      %cond3A_164 = arith.constant 0 : i32
      %cond3A_165 = arith.cmpi ne, %convert_element_type3A_163, %cond3A_164 : i32
      scf.if %cond3A_165 {
        %dma_start3A_234 = arith.constant 0 : i32
        %dma_start3A_235 = tpu.memref_slice %arg16[%dma_start3A_234] : memref<128xf32, #tpu.memory_space<vmem>> -> memref<125xf32, #tpu.memory_space<vmem>>
        %dma_start3A_236 = arith.constant 0 : i32
        %dma_start3A_237 = tpu.memref_slice %arg11[%add3A_146, %dma_start3A_236] : memref<160x125xi32, #tpu.memory_space<vmem>> -> memref<1x125xi32, #tpu.memory_space<vmem>>
        %dma_start3A_238 = tpu.memref_squeeze %dma_start3A_237 : memref<1x125xi32, #tpu.memory_space<vmem>> -> memref<125xi32, #tpu.memory_space<vmem>>
        %dma_start3A_239 = arith.constant 0 : i32
        %dma_start3A_240 = tpu.memref_slice %arg28[%dma_start3A_239] : memref<10240xf32, #tpu.memory_space<vmem_shared>> -> memref<10240xf32, #tpu.memory_space<vmem_shared>>
        tpu.enqueue_indirect_dma source(%dma_start3A_235 : memref<125xf32, #tpu.memory_space<vmem>>) target(%dma_start3A_240 : memref<10240xf32, #tpu.memory_space<vmem_shared>>) offsets(%dma_start3A_238 : memref<125xi32, #tpu.memory_space<vmem>>) semaphore(%arg26 : memref<!tpu.dma_semaphore, #tpu.memory_space<semaphore_mem>>) {add = true}
        %mul3A_241 = arith.constant 125 : i32
        %mul3A_242 = arith.muli %add3A_146, %mul3A_241 : i32
        %add3A_243 = arith.addi %mul3A_37, %mul3A_242 : i32
        %get3A = arith.index_cast %add3A_146 : i32 to index
        %get3A_244 = arith.constant 0 : index
        %get3A_245 = tpu.vector_load %arg11[%get3A, %get3A_244] {strides = array<i32>} : memref<160x125xi32, #tpu.memory_space<vmem>>, vector<16xi32>,
        %add3A_246 = arith.constant 0 : i32
        %add3A_247 = arith.addi %add3A_243, %add3A_246 : i32
        %add3A_248 = vector.broadcast %add3A_247 : i32 to vector<16xi32>
        %add3A_249 = arith.addi %add3A_248, %iota3A : vector<16xi32>
        tpu.vector_store_idx %arg17[%get3A_245], %add3A_249 : memref<10240xi32, #tpu.memory_space<vmem>>[vector<16xi32>], vector<16xi32>,
        %get3A_250 = arith.index_cast %add3A_146 : i32 to index
        %get3A_251 = arith.constant 16 : index
        %get3A_252 = tpu.vector_load %arg11[%get3A_250, %get3A_251] {strides = array<i32>} : memref<160x125xi32, #tpu.memory_space<vmem>>, vector<16xi32>,
        %add3A_253 = arith.constant 16 : i32
        %add3A_254 = arith.addi %add3A_243, %add3A_253 : i32
        %add3A_255 = vector.broadcast %add3A_254 : i32 to vector<16xi32>
        %add3A_256 = arith.addi %add3A_255, %iota3A : vector<16xi32>
        tpu.vector_store_idx %arg17[%get3A_252], %add3A_256 : memref<10240xi32, #tpu.memory_space<vmem>>[vector<16xi32>], vector<16xi32>,
        %get3A_257 = arith.index_cast %add3A_146 : i32 to index
        %get3A_258 = arith.constant 32 : index
        %get3A_259 = tpu.vector_load %arg11[%get3A_257, %get3A_258] {strides = array<i32>} : memref<160x125xi32, #tpu.memory_space<vmem>>, vector<16xi32>,
        %add3A_260 = arith.constant 32 : i32
        %add3A_261 = arith.addi %add3A_243, %add3A_260 : i32
        %add3A_262 = vector.broadcast %add3A_261 : i32 to vector<16xi32>
        %add3A_263 = arith.addi %add3A_262, %iota3A : vector<16xi32>
        tpu.vector_store_idx %arg17[%get3A_259], %add3A_263 : memref<10240xi32, #tpu.memory_space<vmem>>[vector<16xi32>], vector<16xi32>,
        %get3A_264 = arith.index_cast %add3A_146 : i32 to index
        %get3A_265 = arith.constant 48 : index
        %get3A_266 = tpu.vector_load %arg11[%get3A_264, %get3A_265] {strides = array<i32>} : memref<160x125xi32, #tpu.memory_space<vmem>>, vector<16xi32>,
        %add3A_267 = arith.constant 48 : i32
        %add3A_268 = arith.addi %add3A_243, %add3A_267 : i32
        %add3A_269 = vector.broadcast %add3A_268 : i32 to vector<16xi32>
        %add3A_270 = arith.addi %add3A_269, %iota3A : vector<16xi32>
        tpu.vector_store_idx %arg17[%get3A_266], %add3A_270 : memref<10240xi32, #tpu.memory_space<vmem>>[vector<16xi32>], vector<16xi32>,
        %get3A_271 = arith.index_cast %add3A_146 : i32 to index
        %get3A_272 = arith.constant 64 : index
        %get3A_273 = tpu.vector_load %arg11[%get3A_271, %get3A_272] {strides = array<i32>} : memref<160x125xi32, #tpu.memory_space<vmem>>, vector<16xi32>,
        %add3A_274 = arith.constant 64 : i32
        %add3A_275 = arith.addi %add3A_243, %add3A_274 : i32
        %add3A_276 = vector.broadcast %add3A_275 : i32 to vector<16xi32>
        %add3A_277 = arith.addi %add3A_276, %iota3A : vector<16xi32>
        tpu.vector_store_idx %arg17[%get3A_273], %add3A_277 : memref<10240xi32, #tpu.memory_space<vmem>>[vector<16xi32>], vector<16xi32>,
        %get3A_278 = arith.index_cast %add3A_146 : i32 to index
        %get3A_279 = arith.constant 80 : index
        %get3A_280 = tpu.vector_load %arg11[%get3A_278, %get3A_279] {strides = array<i32>} : memref<160x125xi32, #tpu.memory_space<vmem>>, vector<16xi32>,
        %add3A_281 = arith.constant 80 : i32
        %add3A_282 = arith.addi %add3A_243, %add3A_281 : i32
        %add3A_283 = vector.broadcast %add3A_282 : i32 to vector<16xi32>
        %add3A_284 = arith.addi %add3A_283, %iota3A : vector<16xi32>
        tpu.vector_store_idx %arg17[%get3A_280], %add3A_284 : memref<10240xi32, #tpu.memory_space<vmem>>[vector<16xi32>], vector<16xi32>,
        %get3A_285 = arith.index_cast %add3A_146 : i32 to index
        %get3A_286 = arith.constant 96 : index
        %get3A_287 = tpu.vector_load %arg11[%get3A_285, %get3A_286] {strides = array<i32>} : memref<160x125xi32, #tpu.memory_space<vmem>>, vector<16xi32>,
        %add3A_288 = arith.constant 96 : i32
        %add3A_289 = arith.addi %add3A_243, %add3A_288 : i32
        %add3A_290 = vector.broadcast %add3A_289 : i32 to vector<16xi32>
        %add3A_291 = arith.addi %add3A_290, %iota3A : vector<16xi32>
        tpu.vector_store_idx %arg17[%get3A_287], %add3A_291 : memref<10240xi32, #tpu.memory_space<vmem>>[vector<16xi32>], vector<16xi32>,
        %get3A_292 = arith.index_cast %add3A_146 : i32 to index
        %get3A_293 = arith.constant 109 : index
        %get3A_294 = tpu.vector_load %arg11[%get3A_292, %get3A_293] {strides = array<i32>} : memref<160x125xi32, #tpu.memory_space<vmem>>, vector<16xi32>,
        %add3A_295 = arith.constant 109 : i32
        %add3A_296 = arith.addi %add3A_243, %add3A_295 : i32
        %add3A_297 = vector.broadcast %add3A_296 : i32 to vector<16xi32>
        %add3A_298 = arith.addi %add3A_297, %iota3A : vector<16xi32>
        tpu.vector_store_idx %arg17[%get3A_294], %add3A_298 : memref<10240xi32, #tpu.memory_space<vmem>>[vector<16xi32>], vector<16xi32>,
      } else {
      }
      %add3A_166 = arith.constant 1 : i32
      %add3A_167 = arith.addi %mul3A_138, %add3A_166 : i32
      %dma_wait3A_168 = arith.constant 0 : i32
      %dma_wait3A_169 = tpu.memref_slice %arg10[%add3A_167, %dma_wait3A_168] : memref<160x125xi32, #tpu.memory_space<vmem>> -> memref<1x125xi32, #tpu.memory_space<vmem>>
      %dma_wait3A_170 = tpu.memref_squeeze %dma_wait3A_169 : memref<1x125xi32, #tpu.memory_space<vmem>> -> memref<125xi32, #tpu.memory_space<vmem>>
      %dma_wait3A_171 = arith.constant 0 : i32
      %dma_wait3A_172 = arith.constant 0 : i32
      %dma_wait3A_173 = tpu.memref_slice %arg2[%arg0, %dma_wait3A_171, %dma_wait3A_172] : memref<2x10000x64xf32, #tpu.memory_space<hbm>> -> memref<1x10000x64xf32, #tpu.memory_space<hbm>>
      %dma_wait3A_174 = tpu.memref_squeeze %dma_wait3A_173 : memref<1x10000x64xf32, #tpu.memory_space<hbm>> -> memref<10000x64xf32, #tpu.memory_space<hbm>>
      %dma_wait3A_175 = arith.constant 0 : i32
      %dma_wait3A_176 = arith.constant 0 : i32
      %dma_wait3A_177 = tpu.memref_slice %dma_wait3A_174[%dma_wait3A_175, %dma_wait3A_176] : memref<10000x64xf32, #tpu.memory_space<hbm>> -> memref<10000x64xf32, #tpu.memory_space<hbm>>
      tpu.wait_indirect_dma semaphore(%arg19 : memref<!tpu.dma_semaphore, #tpu.memory_space<semaphore_mem>>) src(%dma_wait3A_177 : memref<10000x64xf32, #tpu.memory_space<hbm>>) dst(%arg13 : memref<125x64xf32, #tpu.memory_space<vmem>>)
      %dma_start3A_178 = arith.constant 0 : i32
      %dma_start3A_179 = tpu.memref_slice %arg11[%add3A_167, %dma_start3A_178] : memref<160x125xi32, #tpu.memory_space<vmem>> -> memref<1x125xi32, #tpu.memory_space<vmem>>
      %dma_start3A_180 = tpu.memref_squeeze %dma_start3A_179 : memref<1x125xi32, #tpu.memory_space<vmem>> -> memref<125xi32, #tpu.memory_space<vmem>>
      %dma_start3A_181 = arith.constant 0 : i32
      %dma_start3A_182 = arith.constant 0 : i32
      %dma_start3A_183 = tpu.memref_slice %arg27[%dma_start3A_181, %dma_start3A_182] : memref<10240x64xf32, #tpu.memory_space<vmem_shared>> -> memref<10240x64xf32, #tpu.memory_space<vmem_shared>>
      tpu.enqueue_indirect_dma source(%arg13 : memref<125x64xf32, #tpu.memory_space<vmem>>) target(%dma_start3A_183 : memref<10240x64xf32, #tpu.memory_space<vmem_shared>>) offsets(%dma_start3A_180 : memref<125xi32, #tpu.memory_space<vmem>>) semaphore(%arg23 : memref<!tpu.dma_semaphore, #tpu.memory_space<semaphore_mem>>) {add = true}
      %convert_element_type3A_184 = arith.extui %eq3A_144 : i1 to i32
      %cond3A_185 = arith.constant 0 : i32
      %cond3A_186 = arith.cmpi ne, %convert_element_type3A_184, %cond3A_185 : i32
      scf.if %cond3A_186 {
        %dma_start3A_234 = arith.constant 0 : i32
        %dma_start3A_235 = tpu.memref_slice %arg16[%dma_start3A_234] : memref<128xf32, #tpu.memory_space<vmem>> -> memref<125xf32, #tpu.memory_space<vmem>>
        %dma_start3A_236 = arith.constant 0 : i32
        %dma_start3A_237 = tpu.memref_slice %arg11[%add3A_167, %dma_start3A_236] : memref<160x125xi32, #tpu.memory_space<vmem>> -> memref<1x125xi32, #tpu.memory_space<vmem>>
        %dma_start3A_238 = tpu.memref_squeeze %dma_start3A_237 : memref<1x125xi32, #tpu.memory_space<vmem>> -> memref<125xi32, #tpu.memory_space<vmem>>
        %dma_start3A_239 = arith.constant 0 : i32
        %dma_start3A_240 = tpu.memref_slice %arg28[%dma_start3A_239] : memref<10240xf32, #tpu.memory_space<vmem_shared>> -> memref<10240xf32, #tpu.memory_space<vmem_shared>>
        tpu.enqueue_indirect_dma source(%dma_start3A_235 : memref<125xf32, #tpu.memory_space<vmem>>) target(%dma_start3A_240 : memref<10240xf32, #tpu.memory_space<vmem_shared>>) offsets(%dma_start3A_238 : memref<125xi32, #tpu.memory_space<vmem>>) semaphore(%arg26 : memref<!tpu.dma_semaphore, #tpu.memory_space<semaphore_mem>>) {add = true}
        %mul3A_241 = arith.constant 125 : i32
        %mul3A_242 = arith.muli %add3A_167, %mul3A_241 : i32
        %add3A_243 = arith.addi %mul3A_37, %mul3A_242 : i32
        %get3A = arith.index_cast %add3A_167 : i32 to index
        %get3A_244 = arith.constant 0 : index
        %get3A_245 = tpu.vector_load %arg11[%get3A, %get3A_244] {strides = array<i32>} : memref<160x125xi32, #tpu.memory_space<vmem>>, vector<16xi32>,
        %add3A_246 = arith.constant 0 : i32
        %add3A_247 = arith.addi %add3A_243, %add3A_246 : i32
        %add3A_248 = vector.broadcast %add3A_247 : i32 to vector<16xi32>
        %add3A_249 = arith.addi %add3A_248, %iota3A : vector<16xi32>
        tpu.vector_store_idx %arg17[%get3A_245], %add3A_249 : memref<10240xi32, #tpu.memory_space<vmem>>[vector<16xi32>], vector<16xi32>,
        %get3A_250 = arith.index_cast %add3A_167 : i32 to index
        %get3A_251 = arith.constant 16 : index
        %get3A_252 = tpu.vector_load %arg11[%get3A_250, %get3A_251] {strides = array<i32>} : memref<160x125xi32, #tpu.memory_space<vmem>>, vector<16xi32>,
        %add3A_253 = arith.constant 16 : i32
        %add3A_254 = arith.addi %add3A_243, %add3A_253 : i32
        %add3A_255 = vector.broadcast %add3A_254 : i32 to vector<16xi32>
        %add3A_256 = arith.addi %add3A_255, %iota3A : vector<16xi32>
        tpu.vector_store_idx %arg17[%get3A_252], %add3A_256 : memref<10240xi32, #tpu.memory_space<vmem>>[vector<16xi32>], vector<16xi32>,
        %get3A_257 = arith.index_cast %add3A_167 : i32 to index
        %get3A_258 = arith.constant 32 : index
        %get3A_259 = tpu.vector_load %arg11[%get3A_257, %get3A_258] {strides = array<i32>} : memref<160x125xi32, #tpu.memory_space<vmem>>, vector<16xi32>,
        %add3A_260 = arith.constant 32 : i32
        %add3A_261 = arith.addi %add3A_243, %add3A_260 : i32
        %add3A_262 = vector.broadcast %add3A_261 : i32 to vector<16xi32>
        %add3A_263 = arith.addi %add3A_262, %iota3A : vector<16xi32>
        tpu.vector_store_idx %arg17[%get3A_259], %add3A_263 : memref<10240xi32, #tpu.memory_space<vmem>>[vector<16xi32>], vector<16xi32>,
        %get3A_264 = arith.index_cast %add3A_167 : i32 to index
        %get3A_265 = arith.constant 48 : index
        %get3A_266 = tpu.vector_load %arg11[%get3A_264, %get3A_265] {strides = array<i32>} : memref<160x125xi32, #tpu.memory_space<vmem>>, vector<16xi32>,
        %add3A_267 = arith.constant 48 : i32
        %add3A_268 = arith.addi %add3A_243, %add3A_267 : i32
        %add3A_269 = vector.broadcast %add3A_268 : i32 to vector<16xi32>
        %add3A_270 = arith.addi %add3A_269, %iota3A : vector<16xi32>
        tpu.vector_store_idx %arg17[%get3A_266], %add3A_270 : memref<10240xi32, #tpu.memory_space<vmem>>[vector<16xi32>], vector<16xi32>,
        %get3A_271 = arith.index_cast %add3A_167 : i32 to index
        %get3A_272 = arith.constant 64 : index
        %get3A_273 = tpu.vector_load %arg11[%get3A_271, %get3A_272] {strides = array<i32>} : memref<160x125xi32, #tpu.memory_space<vmem>>, vector<16xi32>,
        %add3A_274 = arith.constant 64 : i32
        %add3A_275 = arith.addi %add3A_243, %add3A_274 : i32
        %add3A_276 = vector.broadcast %add3A_275 : i32 to vector<16xi32>
        %add3A_277 = arith.addi %add3A_276, %iota3A : vector<16xi32>
        tpu.vector_store_idx %arg17[%get3A_273], %add3A_277 : memref<10240xi32, #tpu.memory_space<vmem>>[vector<16xi32>], vector<16xi32>,
        %get3A_278 = arith.index_cast %add3A_167 : i32 to index
        %get3A_279 = arith.constant 80 : index
        %get3A_280 = tpu.vector_load %arg11[%get3A_278, %get3A_279] {strides = array<i32>} : memref<160x125xi32, #tpu.memory_space<vmem>>, vector<16xi32>,
        %add3A_281 = arith.constant 80 : i32
        %add3A_282 = arith.addi %add3A_243, %add3A_281 : i32
        %add3A_283 = vector.broadcast %add3A_282 : i32 to vector<16xi32>
        %add3A_284 = arith.addi %add3A_283, %iota3A : vector<16xi32>
        tpu.vector_store_idx %arg17[%get3A_280], %add3A_284 : memref<10240xi32, #tpu.memory_space<vmem>>[vector<16xi32>], vector<16xi32>,
        %get3A_285 = arith.index_cast %add3A_167 : i32 to index
        %get3A_286 = arith.constant 96 : index
        %get3A_287 = tpu.vector_load %arg11[%get3A_285, %get3A_286] {strides = array<i32>} : memref<160x125xi32, #tpu.memory_space<vmem>>, vector<16xi32>,
        %add3A_288 = arith.constant 96 : i32
        %add3A_289 = arith.addi %add3A_243, %add3A_288 : i32
        %add3A_290 = vector.broadcast %add3A_289 : i32 to vector<16xi32>
        %add3A_291 = arith.addi %add3A_290, %iota3A : vector<16xi32>
        tpu.vector_store_idx %arg17[%get3A_287], %add3A_291 : memref<10240xi32, #tpu.memory_space<vmem>>[vector<16xi32>], vector<16xi32>,
        %get3A_292 = arith.index_cast %add3A_167 : i32 to index
        %get3A_293 = arith.constant 109 : index
        %get3A_294 = tpu.vector_load %arg11[%get3A_292, %get3A_293] {strides = array<i32>} : memref<160x125xi32, #tpu.memory_space<vmem>>, vector<16xi32>,
        %add3A_295 = arith.constant 109 : i32
        %add3A_296 = arith.addi %add3A_243, %add3A_295 : i32
        %add3A_297 = vector.broadcast %add3A_296 : i32 to vector<16xi32>
        %add3A_298 = arith.addi %add3A_297, %iota3A : vector<16xi32>
        tpu.vector_store_idx %arg17[%get3A_294], %add3A_298 : memref<10240xi32, #tpu.memory_space<vmem>>[vector<16xi32>], vector<16xi32>,
      } else {
      }
      %add3A_187 = arith.constant 2 : i32
      %add3A_188 = arith.addi %mul3A_138, %add3A_187 : i32
      %dma_wait3A_189 = arith.constant 0 : i32
      %dma_wait3A_190 = tpu.memref_slice %arg10[%add3A_188, %dma_wait3A_189] : memref<160x125xi32, #tpu.memory_space<vmem>> -> memref<1x125xi32, #tpu.memory_space<vmem>>
      %dma_wait3A_191 = tpu.memref_squeeze %dma_wait3A_190 : memref<1x125xi32, #tpu.memory_space<vmem>> -> memref<125xi32, #tpu.memory_space<vmem>>
      %dma_wait3A_192 = arith.constant 0 : i32
      %dma_wait3A_193 = arith.constant 0 : i32
      %dma_wait3A_194 = tpu.memref_slice %arg2[%arg0, %dma_wait3A_192, %dma_wait3A_193] : memref<2x10000x64xf32, #tpu.memory_space<hbm>> -> memref<1x10000x64xf32, #tpu.memory_space<hbm>>
      %dma_wait3A_195 = tpu.memref_squeeze %dma_wait3A_194 : memref<1x10000x64xf32, #tpu.memory_space<hbm>> -> memref<10000x64xf32, #tpu.memory_space<hbm>>
      %dma_wait3A_196 = arith.constant 0 : i32
      %dma_wait3A_197 = arith.constant 0 : i32
      %dma_wait3A_198 = tpu.memref_slice %dma_wait3A_195[%dma_wait3A_196, %dma_wait3A_197] : memref<10000x64xf32, #tpu.memory_space<hbm>> -> memref<10000x64xf32, #tpu.memory_space<hbm>>
      tpu.wait_indirect_dma semaphore(%arg20 : memref<!tpu.dma_semaphore, #tpu.memory_space<semaphore_mem>>) src(%dma_wait3A_198 : memref<10000x64xf32, #tpu.memory_space<hbm>>) dst(%arg14 : memref<125x64xf32, #tpu.memory_space<vmem>>)
      %dma_start3A_199 = arith.constant 0 : i32
      %dma_start3A_200 = tpu.memref_slice %arg11[%add3A_188, %dma_start3A_199] : memref<160x125xi32, #tpu.memory_space<vmem>> -> memref<1x125xi32, #tpu.memory_space<vmem>>
      %dma_start3A_201 = tpu.memref_squeeze %dma_start3A_200 : memref<1x125xi32, #tpu.memory_space<vmem>> -> memref<125xi32, #tpu.memory_space<vmem>>
      %dma_start3A_202 = arith.constant 0 : i32
      %dma_start3A_203 = arith.constant 0 : i32
      %dma_start3A_204 = tpu.memref_slice %arg27[%dma_start3A_202, %dma_start3A_203] : memref<10240x64xf32, #tpu.memory_space<vmem_shared>> -> memref<10240x64xf32, #tpu.memory_space<vmem_shared>>
      tpu.enqueue_indirect_dma source(%arg14 : memref<125x64xf32, #tpu.memory_space<vmem>>) target(%dma_start3A_204 : memref<10240x64xf32, #tpu.memory_space<vmem_shared>>) offsets(%dma_start3A_201 : memref<125xi32, #tpu.memory_space<vmem>>) semaphore(%arg24 : memref<!tpu.dma_semaphore, #tpu.memory_space<semaphore_mem>>) {add = true}
      %convert_element_type3A_205 = arith.extui %eq3A_144 : i1 to i32
      %cond3A_206 = arith.constant 0 : i32
      %cond3A_207 = arith.cmpi ne, %convert_element_type3A_205, %cond3A_206 : i32
      scf.if %cond3A_207 {
        %dma_start3A_234 = arith.constant 0 : i32
        %dma_start3A_235 = tpu.memref_slice %arg16[%dma_start3A_234] : memref<128xf32, #tpu.memory_space<vmem>> -> memref<125xf32, #tpu.memory_space<vmem>>
        %dma_start3A_236 = arith.constant 0 : i32
        %dma_start3A_237 = tpu.memref_slice %arg11[%add3A_188, %dma_start3A_236] : memref<160x125xi32, #tpu.memory_space<vmem>> -> memref<1x125xi32, #tpu.memory_space<vmem>>
        %dma_start3A_238 = tpu.memref_squeeze %dma_start3A_237 : memref<1x125xi32, #tpu.memory_space<vmem>> -> memref<125xi32, #tpu.memory_space<vmem>>
        %dma_start3A_239 = arith.constant 0 : i32
        %dma_start3A_240 = tpu.memref_slice %arg28[%dma_start3A_239] : memref<10240xf32, #tpu.memory_space<vmem_shared>> -> memref<10240xf32, #tpu.memory_space<vmem_shared>>
        tpu.enqueue_indirect_dma source(%dma_start3A_235 : memref<125xf32, #tpu.memory_space<vmem>>) target(%dma_start3A_240 : memref<10240xf32, #tpu.memory_space<vmem_shared>>) offsets(%dma_start3A_238 : memref<125xi32, #tpu.memory_space<vmem>>) semaphore(%arg26 : memref<!tpu.dma_semaphore, #tpu.memory_space<semaphore_mem>>) {add = true}
        %mul3A_241 = arith.constant 125 : i32
        %mul3A_242 = arith.muli %add3A_188, %mul3A_241 : i32
        %add3A_243 = arith.addi %mul3A_37, %mul3A_242 : i32
        %get3A = arith.index_cast %add3A_188 : i32 to index
        %get3A_244 = arith.constant 0 : index
        %get3A_245 = tpu.vector_load %arg11[%get3A, %get3A_244] {strides = array<i32>} : memref<160x125xi32, #tpu.memory_space<vmem>>, vector<16xi32>,
        %add3A_246 = arith.constant 0 : i32
        %add3A_247 = arith.addi %add3A_243, %add3A_246 : i32
        %add3A_248 = vector.broadcast %add3A_247 : i32 to vector<16xi32>
        %add3A_249 = arith.addi %add3A_248, %iota3A : vector<16xi32>
        tpu.vector_store_idx %arg17[%get3A_245], %add3A_249 : memref<10240xi32, #tpu.memory_space<vmem>>[vector<16xi32>], vector<16xi32>,
        %get3A_250 = arith.index_cast %add3A_188 : i32 to index
        %get3A_251 = arith.constant 16 : index
        %get3A_252 = tpu.vector_load %arg11[%get3A_250, %get3A_251] {strides = array<i32>} : memref<160x125xi32, #tpu.memory_space<vmem>>, vector<16xi32>,
        %add3A_253 = arith.constant 16 : i32
        %add3A_254 = arith.addi %add3A_243, %add3A_253 : i32
        %add3A_255 = vector.broadcast %add3A_254 : i32 to vector<16xi32>
        %add3A_256 = arith.addi %add3A_255, %iota3A : vector<16xi32>
        tpu.vector_store_idx %arg17[%get3A_252], %add3A_256 : memref<10240xi32, #tpu.memory_space<vmem>>[vector<16xi32>], vector<16xi32>,
        %get3A_257 = arith.index_cast %add3A_188 : i32 to index
        %get3A_258 = arith.constant 32 : index
        %get3A_259 = tpu.vector_load %arg11[%get3A_257, %get3A_258] {strides = array<i32>} : memref<160x125xi32, #tpu.memory_space<vmem>>, vector<16xi32>,
        %add3A_260 = arith.constant 32 : i32
        %add3A_261 = arith.addi %add3A_243, %add3A_260 : i32
        %add3A_262 = vector.broadcast %add3A_261 : i32 to vector<16xi32>
        %add3A_263 = arith.addi %add3A_262, %iota3A : vector<16xi32>
        tpu.vector_store_idx %arg17[%get3A_259], %add3A_263 : memref<10240xi32, #tpu.memory_space<vmem>>[vector<16xi32>], vector<16xi32>,
        %get3A_264 = arith.index_cast %add3A_188 : i32 to index
        %get3A_265 = arith.constant 48 : index
        %get3A_266 = tpu.vector_load %arg11[%get3A_264, %get3A_265] {strides = array<i32>} : memref<160x125xi32, #tpu.memory_space<vmem>>, vector<16xi32>,
        %add3A_267 = arith.constant 48 : i32
        %add3A_268 = arith.addi %add3A_243, %add3A_267 : i32
        %add3A_269 = vector.broadcast %add3A_268 : i32 to vector<16xi32>
        %add3A_270 = arith.addi %add3A_269, %iota3A : vector<16xi32>
        tpu.vector_store_idx %arg17[%get3A_266], %add3A_270 : memref<10240xi32, #tpu.memory_space<vmem>>[vector<16xi32>], vector<16xi32>,
        %get3A_271 = arith.index_cast %add3A_188 : i32 to index
        %get3A_272 = arith.constant 64 : index
        %get3A_273 = tpu.vector_load %arg11[%get3A_271, %get3A_272] {strides = array<i32>} : memref<160x125xi32, #tpu.memory_space<vmem>>, vector<16xi32>,
        %add3A_274 = arith.constant 64 : i32
        %add3A_275 = arith.addi %add3A_243, %add3A_274 : i32
        %add3A_276 = vector.broadcast %add3A_275 : i32 to vector<16xi32>
        %add3A_277 = arith.addi %add3A_276, %iota3A : vector<16xi32>
        tpu.vector_store_idx %arg17[%get3A_273], %add3A_277 : memref<10240xi32, #tpu.memory_space<vmem>>[vector<16xi32>], vector<16xi32>,
        %get3A_278 = arith.index_cast %add3A_188 : i32 to index
        %get3A_279 = arith.constant 80 : index
        %get3A_280 = tpu.vector_load %arg11[%get3A_278, %get3A_279] {strides = array<i32>} : memref<160x125xi32, #tpu.memory_space<vmem>>, vector<16xi32>,
        %add3A_281 = arith.constant 80 : i32
        %add3A_282 = arith.addi %add3A_243, %add3A_281 : i32
        %add3A_283 = vector.broadcast %add3A_282 : i32 to vector<16xi32>
        %add3A_284 = arith.addi %add3A_283, %iota3A : vector<16xi32>
        tpu.vector_store_idx %arg17[%get3A_280], %add3A_284 : memref<10240xi32, #tpu.memory_space<vmem>>[vector<16xi32>], vector<16xi32>,
        %get3A_285 = arith.index_cast %add3A_188 : i32 to index
        %get3A_286 = arith.constant 96 : index
        %get3A_287 = tpu.vector_load %arg11[%get3A_285, %get3A_286] {strides = array<i32>} : memref<160x125xi32, #tpu.memory_space<vmem>>, vector<16xi32>,
        %add3A_288 = arith.constant 96 : i32
        %add3A_289 = arith.addi %add3A_243, %add3A_288 : i32
        %add3A_290 = vector.broadcast %add3A_289 : i32 to vector<16xi32>
        %add3A_291 = arith.addi %add3A_290, %iota3A : vector<16xi32>
        tpu.vector_store_idx %arg17[%get3A_287], %add3A_291 : memref<10240xi32, #tpu.memory_space<vmem>>[vector<16xi32>], vector<16xi32>,
        %get3A_292 = arith.index_cast %add3A_188 : i32 to index
        %get3A_293 = arith.constant 109 : index
        %get3A_294 = tpu.vector_load %arg11[%get3A_292, %get3A_293] {strides = array<i32>} : memref<160x125xi32, #tpu.memory_space<vmem>>, vector<16xi32>,
        %add3A_295 = arith.constant 109 : i32
        %add3A_296 = arith.addi %add3A_243, %add3A_295 : i32
        %add3A_297 = vector.broadcast %add3A_296 : i32 to vector<16xi32>
        %add3A_298 = arith.addi %add3A_297, %iota3A : vector<16xi32>
        tpu.vector_store_idx %arg17[%get3A_294], %add3A_298 : memref<10240xi32, #tpu.memory_space<vmem>>[vector<16xi32>], vector<16xi32>,
      } else {
      }
      %add3A_208 = arith.constant 3 : i32
      %add3A_209 = arith.addi %mul3A_138, %add3A_208 : i32
      %dma_wait3A_210 = arith.constant 0 : i32
      %dma_wait3A_211 = tpu.memref_slice %arg10[%add3A_209, %dma_wait3A_210] : memref<160x125xi32, #tpu.memory_space<vmem>> -> memref<1x125xi32, #tpu.memory_space<vmem>>
      %dma_wait3A_212 = tpu.memref_squeeze %dma_wait3A_211 : memref<1x125xi32, #tpu.memory_space<vmem>> -> memref<125xi32, #tpu.memory_space<vmem>>
      %dma_wait3A_213 = arith.constant 0 : i32
      %dma_wait3A_214 = arith.constant 0 : i32
      %dma_wait3A_215 = tpu.memref_slice %arg2[%arg0, %dma_wait3A_213, %dma_wait3A_214] : memref<2x10000x64xf32, #tpu.memory_space<hbm>> -> memref<1x10000x64xf32, #tpu.memory_space<hbm>>
      %dma_wait3A_216 = tpu.memref_squeeze %dma_wait3A_215 : memref<1x10000x64xf32, #tpu.memory_space<hbm>> -> memref<10000x64xf32, #tpu.memory_space<hbm>>
      %dma_wait3A_217 = arith.constant 0 : i32
      %dma_wait3A_218 = arith.constant 0 : i32
      %dma_wait3A_219 = tpu.memref_slice %dma_wait3A_216[%dma_wait3A_217, %dma_wait3A_218] : memref<10000x64xf32, #tpu.memory_space<hbm>> -> memref<10000x64xf32, #tpu.memory_space<hbm>>
      tpu.wait_indirect_dma semaphore(%arg21 : memref<!tpu.dma_semaphore, #tpu.memory_space<semaphore_mem>>) src(%dma_wait3A_219 : memref<10000x64xf32, #tpu.memory_space<hbm>>) dst(%arg15 : memref<125x64xf32, #tpu.memory_space<vmem>>)
      %dma_start3A_220 = arith.constant 0 : i32
      %dma_start3A_221 = tpu.memref_slice %arg11[%add3A_209, %dma_start3A_220] : memref<160x125xi32, #tpu.memory_space<vmem>> -> memref<1x125xi32, #tpu.memory_space<vmem>>
      %dma_start3A_222 = tpu.memref_squeeze %dma_start3A_221 : memref<1x125xi32, #tpu.memory_space<vmem>> -> memref<125xi32, #tpu.memory_space<vmem>>
      %dma_start3A_223 = arith.constant 0 : i32
      %dma_start3A_224 = arith.constant 0 : i32
      %dma_start3A_225 = tpu.memref_slice %arg27[%dma_start3A_223, %dma_start3A_224] : memref<10240x64xf32, #tpu.memory_space<vmem_shared>> -> memref<10240x64xf32, #tpu.memory_space<vmem_shared>>
      tpu.enqueue_indirect_dma source(%arg15 : memref<125x64xf32, #tpu.memory_space<vmem>>) target(%dma_start3A_225 : memref<10240x64xf32, #tpu.memory_space<vmem_shared>>) offsets(%dma_start3A_222 : memref<125xi32, #tpu.memory_space<vmem>>) semaphore(%arg25 : memref<!tpu.dma_semaphore, #tpu.memory_space<semaphore_mem>>) {add = true}
      %convert_element_type3A_226 = arith.extui %eq3A_144 : i1 to i32
      %cond3A_227 = arith.constant 0 : i32
      %cond3A_228 = arith.cmpi ne, %convert_element_type3A_226, %cond3A_227 : i32
      scf.if %cond3A_228 {
        %dma_start3A_234 = arith.constant 0 : i32
        %dma_start3A_235 = tpu.memref_slice %arg16[%dma_start3A_234] : memref<128xf32, #tpu.memory_space<vmem>> -> memref<125xf32, #tpu.memory_space<vmem>>
        %dma_start3A_236 = arith.constant 0 : i32
        %dma_start3A_237 = tpu.memref_slice %arg11[%add3A_209, %dma_start3A_236] : memref<160x125xi32, #tpu.memory_space<vmem>> -> memref<1x125xi32, #tpu.memory_space<vmem>>
        %dma_start3A_238 = tpu.memref_squeeze %dma_start3A_237 : memref<1x125xi32, #tpu.memory_space<vmem>> -> memref<125xi32, #tpu.memory_space<vmem>>
        %dma_start3A_239 = arith.constant 0 : i32
        %dma_start3A_240 = tpu.memref_slice %arg28[%dma_start3A_239] : memref<10240xf32, #tpu.memory_space<vmem_shared>> -> memref<10240xf32, #tpu.memory_space<vmem_shared>>
        tpu.enqueue_indirect_dma source(%dma_start3A_235 : memref<125xf32, #tpu.memory_space<vmem>>) target(%dma_start3A_240 : memref<10240xf32, #tpu.memory_space<vmem_shared>>) offsets(%dma_start3A_238 : memref<125xi32, #tpu.memory_space<vmem>>) semaphore(%arg26 : memref<!tpu.dma_semaphore, #tpu.memory_space<semaphore_mem>>) {add = true}
        %mul3A_241 = arith.constant 125 : i32
        %mul3A_242 = arith.muli %add3A_209, %mul3A_241 : i32
        %add3A_243 = arith.addi %mul3A_37, %mul3A_242 : i32
        %get3A = arith.index_cast %add3A_209 : i32 to index
        %get3A_244 = arith.constant 0 : index
        %get3A_245 = tpu.vector_load %arg11[%get3A, %get3A_244] {strides = array<i32>} : memref<160x125xi32, #tpu.memory_space<vmem>>, vector<16xi32>,
        %add3A_246 = arith.constant 0 : i32
        %add3A_247 = arith.addi %add3A_243, %add3A_246 : i32
        %add3A_248 = vector.broadcast %add3A_247 : i32 to vector<16xi32>
        %add3A_249 = arith.addi %add3A_248, %iota3A : vector<16xi32>
        tpu.vector_store_idx %arg17[%get3A_245], %add3A_249 : memref<10240xi32, #tpu.memory_space<vmem>>[vector<16xi32>], vector<16xi32>,
        %get3A_250 = arith.index_cast %add3A_209 : i32 to index
        %get3A_251 = arith.constant 16 : index
        %get3A_252 = tpu.vector_load %arg11[%get3A_250, %get3A_251] {strides = array<i32>} : memref<160x125xi32, #tpu.memory_space<vmem>>, vector<16xi32>,
        %add3A_253 = arith.constant 16 : i32
        %add3A_254 = arith.addi %add3A_243, %add3A_253 : i32
        %add3A_255 = vector.broadcast %add3A_254 : i32 to vector<16xi32>
        %add3A_256 = arith.addi %add3A_255, %iota3A : vector<16xi32>
        tpu.vector_store_idx %arg17[%get3A_252], %add3A_256 : memref<10240xi32, #tpu.memory_space<vmem>>[vector<16xi32>], vector<16xi32>,
        %get3A_257 = arith.index_cast %add3A_209 : i32 to index
        %get3A_258 = arith.constant 32 : index
        %get3A_259 = tpu.vector_load %arg11[%get3A_257, %get3A_258] {strides = array<i32>} : memref<160x125xi32, #tpu.memory_space<vmem>>, vector<16xi32>,
        %add3A_260 = arith.constant 32 : i32
        %add3A_261 = arith.addi %add3A_243, %add3A_260 : i32
        %add3A_262 = vector.broadcast %add3A_261 : i32 to vector<16xi32>
        %add3A_263 = arith.addi %add3A_262, %iota3A : vector<16xi32>
        tpu.vector_store_idx %arg17[%get3A_259], %add3A_263 : memref<10240xi32, #tpu.memory_space<vmem>>[vector<16xi32>], vector<16xi32>,
        %get3A_264 = arith.index_cast %add3A_209 : i32 to index
        %get3A_265 = arith.constant 48 : index
        %get3A_266 = tpu.vector_load %arg11[%get3A_264, %get3A_265] {strides = array<i32>} : memref<160x125xi32, #tpu.memory_space<vmem>>, vector<16xi32>,
        %add3A_267 = arith.constant 48 : i32
        %add3A_268 = arith.addi %add3A_243, %add3A_267 : i32
        %add3A_269 = vector.broadcast %add3A_268 : i32 to vector<16xi32>
        %add3A_270 = arith.addi %add3A_269, %iota3A : vector<16xi32>
        tpu.vector_store_idx %arg17[%get3A_266], %add3A_270 : memref<10240xi32, #tpu.memory_space<vmem>>[vector<16xi32>], vector<16xi32>,
        %get3A_271 = arith.index_cast %add3A_209 : i32 to index
        %get3A_272 = arith.constant 64 : index
        %get3A_273 = tpu.vector_load %arg11[%get3A_271, %get3A_272] {strides = array<i32>} : memref<160x125xi32, #tpu.memory_space<vmem>>, vector<16xi32>,
        %add3A_274 = arith.constant 64 : i32
        %add3A_275 = arith.addi %add3A_243, %add3A_274 : i32
        %add3A_276 = vector.broadcast %add3A_275 : i32 to vector<16xi32>
        %add3A_277 = arith.addi %add3A_276, %iota3A : vector<16xi32>
        tpu.vector_store_idx %arg17[%get3A_273], %add3A_277 : memref<10240xi32, #tpu.memory_space<vmem>>[vector<16xi32>], vector<16xi32>,
        %get3A_278 = arith.index_cast %add3A_209 : i32 to index
        %get3A_279 = arith.constant 80 : index
        %get3A_280 = tpu.vector_load %arg11[%get3A_278, %get3A_279] {strides = array<i32>} : memref<160x125xi32, #tpu.memory_space<vmem>>, vector<16xi32>,
        %add3A_281 = arith.constant 80 : i32
        %add3A_282 = arith.addi %add3A_243, %add3A_281 : i32
        %add3A_283 = vector.broadcast %add3A_282 : i32 to vector<16xi32>
        %add3A_284 = arith.addi %add3A_283, %iota3A : vector<16xi32>
        tpu.vector_store_idx %arg17[%get3A_280], %add3A_284 : memref<10240xi32, #tpu.memory_space<vmem>>[vector<16xi32>], vector<16xi32>,
        %get3A_285 = arith.index_cast %add3A_209 : i32 to index
        %get3A_286 = arith.constant 96 : index
        %get3A_287 = tpu.vector_load %arg11[%get3A_285, %get3A_286] {strides = array<i32>} : memref<160x125xi32, #tpu.memory_space<vmem>>, vector<16xi32>,
        %add3A_288 = arith.constant 96 : i32
        %add3A_289 = arith.addi %add3A_243, %add3A_288 : i32
        %add3A_290 = vector.broadcast %add3A_289 : i32 to vector<16xi32>
        %add3A_291 = arith.addi %add3A_290, %iota3A : vector<16xi32>
        tpu.vector_store_idx %arg17[%get3A_287], %add3A_291 : memref<10240xi32, #tpu.memory_space<vmem>>[vector<16xi32>], vector<16xi32>,
        %get3A_292 = arith.index_cast %add3A_209 : i32 to index
        %get3A_293 = arith.constant 109 : index
        %get3A_294 = tpu.vector_load %arg11[%get3A_292, %get3A_293] {strides = array<i32>} : memref<160x125xi32, #tpu.memory_space<vmem>>, vector<16xi32>,
        %add3A_295 = arith.constant 109 : i32
        %add3A_296 = arith.addi %add3A_243, %add3A_295 : i32
        %add3A_297 = vector.broadcast %add3A_296 : i32 to vector<16xi32>
        %add3A_298 = arith.addi %add3A_297, %iota3A : vector<16xi32>
        tpu.vector_store_idx %arg17[%get3A_294], %add3A_298 : memref<10240xi32, #tpu.memory_space<vmem>>[vector<16xi32>], vector<16xi32>,
      } else {
      }
      %lt3A_229 = arith.constant 39 : i32
      %lt3A_230 = arith.cmpi slt, %scan3A_136, %lt3A_229 : i32
      %convert_element_type3A_231 = arith.extui %lt3A_230 : i1 to i32
      %cond3A_232 = arith.constant 0 : i32
      %cond3A_233 = arith.cmpi ne, %convert_element_type3A_231, %cond3A_232 : i32
      scf.if %cond3A_233 {
        %add3A_234 = arith.constant 0 : i32
        %add3A_235 = arith.addi %mul3A_138, %add3A_234 : i32
        %dma_wait3A_236 = arith.constant 0 : i32
        %dma_wait3A_237 = tpu.memref_slice %arg11[%add3A_235, %dma_wait3A_236] : memref<160x125xi32, #tpu.memory_space<vmem>> -> memref<1x125xi32, #tpu.memory_space<vmem>>
        %dma_wait3A_238 = tpu.memref_squeeze %dma_wait3A_237 : memref<1x125xi32, #tpu.memory_space<vmem>> -> memref<125xi32, #tpu.memory_space<vmem>>
        %dma_wait3A_239 = arith.constant 0 : i32
        %dma_wait3A_240 = arith.constant 0 : i32
        %dma_wait3A_241 = tpu.memref_slice %arg27[%dma_wait3A_239, %dma_wait3A_240] : memref<10240x64xf32, #tpu.memory_space<vmem_shared>> -> memref<10240x64xf32, #tpu.memory_space<vmem_shared>>
        tpu.wait_indirect_dma semaphore(%arg22 : memref<!tpu.dma_semaphore, #tpu.memory_space<semaphore_mem>>) src(%arg12 : memref<125x64xf32, #tpu.memory_space<vmem>>) dst(%dma_wait3A_241 : memref<10240x64xf32, #tpu.memory_space<vmem_shared>>)
        %add3A_242 = arith.constant 4 : i32
        %add3A_243 = arith.addi %add3A_235, %add3A_242 : i32
        %dma_start3A_244 = arith.constant 0 : i32
        %dma_start3A_245 = tpu.memref_slice %arg10[%add3A_243, %dma_start3A_244] : memref<160x125xi32, #tpu.memory_space<vmem>> -> memref<1x125xi32, #tpu.memory_space<vmem>>
        %dma_start3A_246 = tpu.memref_squeeze %dma_start3A_245 : memref<1x125xi32, #tpu.memory_space<vmem>> -> memref<125xi32, #tpu.memory_space<vmem>>
        %dma_start3A_247 = arith.constant 0 : i32
        %dma_start3A_248 = arith.constant 0 : i32
        %dma_start3A_249 = tpu.memref_slice %arg2[%arg0, %dma_start3A_247, %dma_start3A_248] : memref<2x10000x64xf32, #tpu.memory_space<hbm>> -> memref<1x10000x64xf32, #tpu.memory_space<hbm>>
        %dma_start3A_250 = tpu.memref_squeeze %dma_start3A_249 : memref<1x10000x64xf32, #tpu.memory_space<hbm>> -> memref<10000x64xf32, #tpu.memory_space<hbm>>
        %dma_start3A_251 = arith.constant 0 : i32
        %dma_start3A_252 = arith.constant 0 : i32
        %dma_start3A_253 = tpu.memref_slice %dma_start3A_250[%dma_start3A_251, %dma_start3A_252] : memref<10000x64xf32, #tpu.memory_space<hbm>> -> memref<10000x64xf32, #tpu.memory_space<hbm>>
        tpu.enqueue_indirect_dma source(%dma_start3A_253 : memref<10000x64xf32, #tpu.memory_space<hbm>>) target(%arg12 : memref<125x64xf32, #tpu.memory_space<vmem>>) offsets(%dma_start3A_246 : memref<125xi32, #tpu.memory_space<vmem>>) semaphore(%arg18 : memref<!tpu.dma_semaphore, #tpu.memory_space<semaphore_mem>>)
        %add3A_254 = arith.constant 1 : i32
        %add3A_255 = arith.addi %mul3A_138, %add3A_254 : i32
        %dma_wait3A_256 = arith.constant 0 : i32
        %dma_wait3A_257 = tpu.memref_slice %arg11[%add3A_255, %dma_wait3A_256] : memref<160x125xi32, #tpu.memory_space<vmem>> -> memref<1x125xi32, #tpu.memory_space<vmem>>
        %dma_wait3A_258 = tpu.memref_squeeze %dma_wait3A_257 : memref<1x125xi32, #tpu.memory_space<vmem>> -> memref<125xi32, #tpu.memory_space<vmem>>
        %dma_wait3A_259 = arith.constant 0 : i32
        %dma_wait3A_260 = arith.constant 0 : i32
        %dma_wait3A_261 = tpu.memref_slice %arg27[%dma_wait3A_259, %dma_wait3A_260] : memref<10240x64xf32, #tpu.memory_space<vmem_shared>> -> memref<10240x64xf32, #tpu.memory_space<vmem_shared>>
        tpu.wait_indirect_dma semaphore(%arg23 : memref<!tpu.dma_semaphore, #tpu.memory_space<semaphore_mem>>) src(%arg13 : memref<125x64xf32, #tpu.memory_space<vmem>>) dst(%dma_wait3A_261 : memref<10240x64xf32, #tpu.memory_space<vmem_shared>>)
        %add3A_262 = arith.constant 4 : i32
        %add3A_263 = arith.addi %add3A_255, %add3A_262 : i32
        %dma_start3A_264 = arith.constant 0 : i32
        %dma_start3A_265 = tpu.memref_slice %arg10[%add3A_263, %dma_start3A_264] : memref<160x125xi32, #tpu.memory_space<vmem>> -> memref<1x125xi32, #tpu.memory_space<vmem>>
        %dma_start3A_266 = tpu.memref_squeeze %dma_start3A_265 : memref<1x125xi32, #tpu.memory_space<vmem>> -> memref<125xi32, #tpu.memory_space<vmem>>
        %dma_start3A_267 = arith.constant 0 : i32
        %dma_start3A_268 = arith.constant 0 : i32
        %dma_start3A_269 = tpu.memref_slice %arg2[%arg0, %dma_start3A_267, %dma_start3A_268] : memref<2x10000x64xf32, #tpu.memory_space<hbm>> -> memref<1x10000x64xf32, #tpu.memory_space<hbm>>
        %dma_start3A_270 = tpu.memref_squeeze %dma_start3A_269 : memref<1x10000x64xf32, #tpu.memory_space<hbm>> -> memref<10000x64xf32, #tpu.memory_space<hbm>>
        %dma_start3A_271 = arith.constant 0 : i32
        %dma_start3A_272 = arith.constant 0 : i32
        %dma_start3A_273 = tpu.memref_slice %dma_start3A_270[%dma_start3A_271, %dma_start3A_272] : memref<10000x64xf32, #tpu.memory_space<hbm>> -> memref<10000x64xf32, #tpu.memory_space<hbm>>
        tpu.enqueue_indirect_dma source(%dma_start3A_273 : memref<10000x64xf32, #tpu.memory_space<hbm>>) target(%arg13 : memref<125x64xf32, #tpu.memory_space<vmem>>) offsets(%dma_start3A_266 : memref<125xi32, #tpu.memory_space<vmem>>) semaphore(%arg19 : memref<!tpu.dma_semaphore, #tpu.memory_space<semaphore_mem>>)
        %add3A_274 = arith.constant 2 : i32
        %add3A_275 = arith.addi %mul3A_138, %add3A_274 : i32
        %dma_wait3A_276 = arith.constant 0 : i32
        %dma_wait3A_277 = tpu.memref_slice %arg11[%add3A_275, %dma_wait3A_276] : memref<160x125xi32, #tpu.memory_space<vmem>> -> memref<1x125xi32, #tpu.memory_space<vmem>>
        %dma_wait3A_278 = tpu.memref_squeeze %dma_wait3A_277 : memref<1x125xi32, #tpu.memory_space<vmem>> -> memref<125xi32, #tpu.memory_space<vmem>>
        %dma_wait3A_279 = arith.constant 0 : i32
        %dma_wait3A_280 = arith.constant 0 : i32
        %dma_wait3A_281 = tpu.memref_slice %arg27[%dma_wait3A_279, %dma_wait3A_280] : memref<10240x64xf32, #tpu.memory_space<vmem_shared>> -> memref<10240x64xf32, #tpu.memory_space<vmem_shared>>
        tpu.wait_indirect_dma semaphore(%arg24 : memref<!tpu.dma_semaphore, #tpu.memory_space<semaphore_mem>>) src(%arg14 : memref<125x64xf32, #tpu.memory_space<vmem>>) dst(%dma_wait3A_281 : memref<10240x64xf32, #tpu.memory_space<vmem_shared>>)
        %add3A_282 = arith.constant 4 : i32
        %add3A_283 = arith.addi %add3A_275, %add3A_282 : i32
        %dma_start3A_284 = arith.constant 0 : i32
        %dma_start3A_285 = tpu.memref_slice %arg10[%add3A_283, %dma_start3A_284] : memref<160x125xi32, #tpu.memory_space<vmem>> -> memref<1x125xi32, #tpu.memory_space<vmem>>
        %dma_start3A_286 = tpu.memref_squeeze %dma_start3A_285 : memref<1x125xi32, #tpu.memory_space<vmem>> -> memref<125xi32, #tpu.memory_space<vmem>>
        %dma_start3A_287 = arith.constant 0 : i32
        %dma_start3A_288 = arith.constant 0 : i32
        %dma_start3A_289 = tpu.memref_slice %arg2[%arg0, %dma_start3A_287, %dma_start3A_288] : memref<2x10000x64xf32, #tpu.memory_space<hbm>> -> memref<1x10000x64xf32, #tpu.memory_space<hbm>>
        %dma_start3A_290 = tpu.memref_squeeze %dma_start3A_289 : memref<1x10000x64xf32, #tpu.memory_space<hbm>> -> memref<10000x64xf32, #tpu.memory_space<hbm>>
        %dma_start3A_291 = arith.constant 0 : i32
        %dma_start3A_292 = arith.constant 0 : i32
        %dma_start3A_293 = tpu.memref_slice %dma_start3A_290[%dma_start3A_291, %dma_start3A_292] : memref<10000x64xf32, #tpu.memory_space<hbm>> -> memref<10000x64xf32, #tpu.memory_space<hbm>>
        tpu.enqueue_indirect_dma source(%dma_start3A_293 : memref<10000x64xf32, #tpu.memory_space<hbm>>) target(%arg14 : memref<125x64xf32, #tpu.memory_space<vmem>>) offsets(%dma_start3A_286 : memref<125xi32, #tpu.memory_space<vmem>>) semaphore(%arg20 : memref<!tpu.dma_semaphore, #tpu.memory_space<semaphore_mem>>)
        %add3A_294 = arith.constant 3 : i32
        %add3A_295 = arith.addi %mul3A_138, %add3A_294 : i32
        %dma_wait3A_296 = arith.constant 0 : i32
        %dma_wait3A_297 = tpu.memref_slice %arg11[%add3A_295, %dma_wait3A_296] : memref<160x125xi32, #tpu.memory_space<vmem>> -> memref<1x125xi32, #tpu.memory_space<vmem>>
        %dma_wait3A_298 = tpu.memref_squeeze %dma_wait3A_297 : memref<1x125xi32, #tpu.memory_space<vmem>> -> memref<125xi32, #tpu.memory_space<vmem>>
        %dma_wait3A_299 = arith.constant 0 : i32
        %dma_wait3A_300 = arith.constant 0 : i32
        %dma_wait3A_301 = tpu.memref_slice %arg27[%dma_wait3A_299, %dma_wait3A_300] : memref<10240x64xf32, #tpu.memory_space<vmem_shared>> -> memref<10240x64xf32, #tpu.memory_space<vmem_shared>>
        tpu.wait_indirect_dma semaphore(%arg25 : memref<!tpu.dma_semaphore, #tpu.memory_space<semaphore_mem>>) src(%arg15 : memref<125x64xf32, #tpu.memory_space<vmem>>) dst(%dma_wait3A_301 : memref<10240x64xf32, #tpu.memory_space<vmem_shared>>)
        %add3A_302 = arith.constant 4 : i32
        %add3A_303 = arith.addi %add3A_295, %add3A_302 : i32
        %dma_start3A_304 = arith.constant 0 : i32
        %dma_start3A_305 = tpu.memref_slice %arg10[%add3A_303, %dma_start3A_304] : memref<160x125xi32, #tpu.memory_space<vmem>> -> memref<1x125xi32, #tpu.memory_space<vmem>>
        %dma_start3A_306 = tpu.memref_squeeze %dma_start3A_305 : memref<1x125xi32, #tpu.memory_space<vmem>> -> memref<125xi32, #tpu.memory_space<vmem>>
        %dma_start3A_307 = arith.constant 0 : i32
        %dma_start3A_308 = arith.constant 0 : i32
        %dma_start3A_309 = tpu.memref_slice %arg2[%arg0, %dma_start3A_307, %dma_start3A_308] : memref<2x10000x64xf32, #tpu.memory_space<hbm>> -> memref<1x10000x64xf32, #tpu.memory_space<hbm>>
        %dma_start3A_310 = tpu.memref_squeeze %dma_start3A_309 : memref<1x10000x64xf32, #tpu.memory_space<hbm>> -> memref<10000x64xf32, #tpu.memory_space<hbm>>
        %dma_start3A_311 = arith.constant 0 : i32
        %dma_start3A_312 = arith.constant 0 : i32
        %dma_start3A_313 = tpu.memref_slice %dma_start3A_310[%dma_start3A_311, %dma_start3A_312] : memref<10000x64xf32, #tpu.memory_space<hbm>> -> memref<10000x64xf32, #tpu.memory_space<hbm>>
        tpu.enqueue_indirect_dma source(%dma_start3A_313 : memref<10000x64xf32, #tpu.memory_space<hbm>>) target(%arg15 : memref<125x64xf32, #tpu.memory_space<vmem>>) offsets(%dma_start3A_306 : memref<125xi32, #tpu.memory_space<vmem>>) semaphore(%arg21 : memref<!tpu.dma_semaphore, #tpu.memory_space<semaphore_mem>>)
      } else {
      }
    }
    %scan3A_85 = arith.constant 40 : i32
    %dma_wait3A = arith.constant 156 : i32
    %dma_wait3A_86 = arith.constant 0 : i32
    %dma_wait3A_87 = tpu.memref_slice %arg11[%dma_wait3A, %dma_wait3A_86] : memref<160x125xi32, #tpu.memory_space<vmem>> -> memref<1x125xi32, #tpu.memory_space<vmem>>
    %dma_wait3A_88 = tpu.memref_squeeze %dma_wait3A_87 : memref<1x125xi32, #tpu.memory_space<vmem>> -> memref<125xi32, #tpu.memory_space<vmem>>
    %dma_wait3A_89 = arith.constant 0 : i32
    %dma_wait3A_90 = arith.constant 0 : i32
    %dma_wait3A_91 = tpu.memref_slice %arg27[%dma_wait3A_89, %dma_wait3A_90] : memref<10240x64xf32, #tpu.memory_space<vmem_shared>> -> memref<10240x64xf32, #tpu.memory_space<vmem_shared>>
    tpu.wait_indirect_dma semaphore(%arg22 : memref<!tpu.dma_semaphore, #tpu.memory_space<semaphore_mem>>) src(%arg12 : memref<125x64xf32, #tpu.memory_space<vmem>>) dst(%dma_wait3A_91 : memref<10240x64xf32, #tpu.memory_space<vmem_shared>>)
    %dma_wait3A_92 = arith.constant 157 : i32
    %dma_wait3A_93 = arith.constant 0 : i32
    %dma_wait3A_94 = tpu.memref_slice %arg11[%dma_wait3A_92, %dma_wait3A_93] : memref<160x125xi32, #tpu.memory_space<vmem>> -> memref<1x125xi32, #tpu.memory_space<vmem>>
    %dma_wait3A_95 = tpu.memref_squeeze %dma_wait3A_94 : memref<1x125xi32, #tpu.memory_space<vmem>> -> memref<125xi32, #tpu.memory_space<vmem>>
    %dma_wait3A_96 = arith.constant 0 : i32
    %dma_wait3A_97 = arith.constant 0 : i32
    %dma_wait3A_98 = tpu.memref_slice %arg27[%dma_wait3A_96, %dma_wait3A_97] : memref<10240x64xf32, #tpu.memory_space<vmem_shared>> -> memref<10240x64xf32, #tpu.memory_space<vmem_shared>>
    tpu.wait_indirect_dma semaphore(%arg23 : memref<!tpu.dma_semaphore, #tpu.memory_space<semaphore_mem>>) src(%arg13 : memref<125x64xf32, #tpu.memory_space<vmem>>) dst(%dma_wait3A_98 : memref<10240x64xf32, #tpu.memory_space<vmem_shared>>)
    %dma_wait3A_99 = arith.constant 158 : i32
    %dma_wait3A_100 = arith.constant 0 : i32
    %dma_wait3A_101 = tpu.memref_slice %arg11[%dma_wait3A_99, %dma_wait3A_100] : memref<160x125xi32, #tpu.memory_space<vmem>> -> memref<1x125xi32, #tpu.memory_space<vmem>>
    %dma_wait3A_102 = tpu.memref_squeeze %dma_wait3A_101 : memref<1x125xi32, #tpu.memory_space<vmem>> -> memref<125xi32, #tpu.memory_space<vmem>>
    %dma_wait3A_103 = arith.constant 0 : i32
    %dma_wait3A_104 = arith.constant 0 : i32
    %dma_wait3A_105 = tpu.memref_slice %arg27[%dma_wait3A_103, %dma_wait3A_104] : memref<10240x64xf32, #tpu.memory_space<vmem_shared>> -> memref<10240x64xf32, #tpu.memory_space<vmem_shared>>
    tpu.wait_indirect_dma semaphore(%arg24 : memref<!tpu.dma_semaphore, #tpu.memory_space<semaphore_mem>>) src(%arg14 : memref<125x64xf32, #tpu.memory_space<vmem>>) dst(%dma_wait3A_105 : memref<10240x64xf32, #tpu.memory_space<vmem_shared>>)
    %dma_wait3A_106 = arith.constant 159 : i32
    %dma_wait3A_107 = arith.constant 0 : i32
    %dma_wait3A_108 = tpu.memref_slice %arg11[%dma_wait3A_106, %dma_wait3A_107] : memref<160x125xi32, #tpu.memory_space<vmem>> -> memref<1x125xi32, #tpu.memory_space<vmem>>
    %dma_wait3A_109 = tpu.memref_squeeze %dma_wait3A_108 : memref<1x125xi32, #tpu.memory_space<vmem>> -> memref<125xi32, #tpu.memory_space<vmem>>
    %dma_wait3A_110 = arith.constant 0 : i32
    %dma_wait3A_111 = arith.constant 0 : i32
    %dma_wait3A_112 = tpu.memref_slice %arg27[%dma_wait3A_110, %dma_wait3A_111] : memref<10240x64xf32, #tpu.memory_space<vmem_shared>> -> memref<10240x64xf32, #tpu.memory_space<vmem_shared>>
    tpu.wait_indirect_dma semaphore(%arg25 : memref<!tpu.dma_semaphore, #tpu.memory_space<semaphore_mem>>) src(%arg15 : memref<125x64xf32, #tpu.memory_space<vmem>>) dst(%dma_wait3A_112 : memref<10240x64xf32, #tpu.memory_space<vmem_shared>>)
    %mul3A_113 = arith.constant 80 : i32
    %mul3A_114 = arith.muli %arg0, %mul3A_113 : i32
    %add3A = arith.constant 1 : i32
    %add3A_115 = arith.addi %arg0, %add3A : i32
    %mul3A_116 = arith.constant 80 : i32
    %mul3A_117 = arith.muli %add3A_115, %mul3A_116 : i32
    %while3A = arith.constant 0 : i32
    %while3A_118 = arith.subi %mul3A_117, %mul3A_114 : i32
    %while3A_119 = arith.addi %mul3A_114, %while3A_118 : i32
    %while3A_120 = arith.constant 1 : i32
    %while3A_121 = arith.divsi %while3A_118, %while3A_120 : i32
    %while3A_122 = arith.muli %while3A_121, %while3A_120 : i32
    %while3A_123 = arith.addi %mul3A_114, %while3A_122 : i32
    %while3A_124 = arith.constant 1 : i32
    scf.for %while3A_136 = %mul3A_114 to %while3A_123 step %while3A_124  : i32 {
      %dma_wait3A_137 = arith.constant 0 : i32
      %dma_wait3A_138 = tpu.memref_slice %arg16[%dma_wait3A_137] : memref<128xf32, #tpu.memory_space<vmem>> -> memref<125xf32, #tpu.memory_space<vmem>>
      %dma_wait3A_139 = arith.constant 0 : i32
      %dma_wait3A_140 = tpu.memref_slice %arg11[%while3A_136, %dma_wait3A_139] : memref<160x125xi32, #tpu.memory_space<vmem>> -> memref<1x125xi32, #tpu.memory_space<vmem>>
      %dma_wait3A_141 = tpu.memref_squeeze %dma_wait3A_140 : memref<1x125xi32, #tpu.memory_space<vmem>> -> memref<125xi32, #tpu.memory_space<vmem>>
      %dma_wait3A_142 = arith.constant 0 : i32
      %dma_wait3A_143 = tpu.memref_slice %arg28[%dma_wait3A_142] : memref<10240xf32, #tpu.memory_space<vmem_shared>> -> memref<10240xf32, #tpu.memory_space<vmem_shared>>
      tpu.wait_indirect_dma semaphore(%arg26 : memref<!tpu.dma_semaphore, #tpu.memory_space<semaphore_mem>>) src(%dma_wait3A_138 : memref<125xf32, #tpu.memory_space<vmem>>) dst(%dma_wait3A_143 : memref<10240xf32, #tpu.memory_space<vmem_shared>>)
    }
    %while3A_125 = arith.constant 1 : i32
    scf.for %while3A_136 = %while3A_123 to %while3A_119 step %while3A_125  : i32 {
      %dma_wait3A_137 = arith.constant 0 : i32
      %dma_wait3A_138 = tpu.memref_slice %arg16[%dma_wait3A_137] : memref<128xf32, #tpu.memory_space<vmem>> -> memref<125xf32, #tpu.memory_space<vmem>>
      %dma_wait3A_139 = arith.constant 0 : i32
      %dma_wait3A_140 = tpu.memref_slice %arg11[%while3A_136, %dma_wait3A_139] : memref<160x125xi32, #tpu.memory_space<vmem>> -> memref<1x125xi32, #tpu.memory_space<vmem>>
      %dma_wait3A_141 = tpu.memref_squeeze %dma_wait3A_140 : memref<1x125xi32, #tpu.memory_space<vmem>> -> memref<125xi32, #tpu.memory_space<vmem>>
      %dma_wait3A_142 = arith.constant 0 : i32
      %dma_wait3A_143 = tpu.memref_slice %arg28[%dma_wait3A_142] : memref<10240xf32, #tpu.memory_space<vmem_shared>> -> memref<10240xf32, #tpu.memory_space<vmem_shared>>
      tpu.wait_indirect_dma semaphore(%arg26 : memref<!tpu.dma_semaphore, #tpu.memory_space<semaphore_mem>>) src(%dma_wait3A_138 : memref<125xf32, #tpu.memory_space<vmem>>) dst(%dma_wait3A_143 : memref<10240xf32, #tpu.memory_space<vmem_shared>>)
    }
    "tpu.region"() ({
      %run_scoped3A_136 = tpu.sem_alloc : memref<!tpu.dma_semaphore, #tpu.memory_space<semaphore_mem>>
      %dma_start3A_137 = arith.constant 0 : i32
      %dma_start3A_138 = tpu.memref_slice %arg9[%arg0, %arg1, %dma_start3A_137] : memref<2x16x10240xi32, #tpu.memory_space<hbm>> -> memref<1x1x10240xi32, #tpu.memory_space<hbm>>
      %dma_start3A_139 = tpu.memref_squeeze %dma_start3A_138 : memref<1x1x10240xi32, #tpu.memory_space<hbm>> -> memref<10240xi32, #tpu.memory_space<hbm>>
      %dma_start3A_140 = arith.constant 0 : i32
      %dma_start3A_141 = tpu.memref_slice %arg9[%arg0, %arg1, %dma_start3A_140] : memref<2x16x10240xi32, #tpu.memory_space<hbm>> -> memref<1x1x10240xi32, #tpu.memory_space<hbm>>
      %dma_start3A_142 = tpu.memref_squeeze %dma_start3A_141 : memref<1x1x10240xi32, #tpu.memory_space<hbm>> -> memref<10240xi32, #tpu.memory_space<hbm>>
      tpu.enqueue_dma source(%arg17 : memref<10240xi32, #tpu.memory_space<vmem>>) target(%dma_start3A_142 : memref<10240xi32, #tpu.memory_space<hbm>>) target_semaphore(%run_scoped3A_136 : memref<!tpu.dma_semaphore, #tpu.memory_space<semaphore_mem>>)
      %dma_wait3A_143 = arith.constant 0 : i32
      %dma_wait3A_144 = tpu.memref_slice %arg9[%arg0, %arg1, %dma_wait3A_143] : memref<2x16x10240xi32, #tpu.memory_space<hbm>> -> memref<1x1x10240xi32, #tpu.memory_space<hbm>>
      %dma_wait3A_145 = tpu.memref_squeeze %dma_wait3A_144 : memref<1x1x10240xi32, #tpu.memory_space<hbm>> -> memref<10240xi32, #tpu.memory_space<hbm>>
      %dma_wait3A_146 = arith.constant 0 : i32
      %dma_wait3A_147 = tpu.memref_slice %arg9[%arg0, %arg1, %dma_wait3A_146] : memref<2x16x10240xi32, #tpu.memory_space<hbm>> -> memref<1x1x10240xi32, #tpu.memory_space<hbm>>
      %dma_wait3A_148 = tpu.memref_squeeze %dma_wait3A_147 : memref<1x1x10240xi32, #tpu.memory_space<hbm>> -> memref<10240xi32, #tpu.memory_space<hbm>>
      tpu.wait_dma2 semaphore(%run_scoped3A_136 : memref<!tpu.dma_semaphore, #tpu.memory_space<semaphore_mem>>) src(%arg17 : memref<10240xi32, #tpu.memory_space<vmem>>) dst(%dma_wait3A_148 : memref<10240xi32, #tpu.memory_space<hbm>>)
      tpu.yield
    }) : () -> ()
    %barrier3A_126 = arith.constant 0 : index
    tpu.barrier barrier_id(%barrier3A_126)
    %mul3A_127 = arith.constant 640 : i32
    %mul3A_128 = arith.muli %arg1, %mul3A_127 : i32
    %mul3A_129 = arith.constant 640 : i32
    %mul3A_130 = arith.muli %arg1, %mul3A_129 : i32
    "tpu.region"() ({
      %run_scoped3A_136 = tpu.sem_alloc : memref<!tpu.dma_semaphore, #tpu.memory_space<semaphore_mem>>
      %dma_start3A_137 = arith.constant 0 : i32
      %dma_start3A_138 = tpu.memref_slice %arg7[%arg0, %mul3A_130, %dma_start3A_137] : memref<2x10240x64xf32, #tpu.memory_space<hbm>> -> memref<1x640x64xf32, #tpu.memory_space<hbm>>
      %dma_start3A_139 = tpu.memref_squeeze %dma_start3A_138 : memref<1x640x64xf32, #tpu.memory_space<hbm>> -> memref<640x64xf32, #tpu.memory_space<hbm>>
      %dma_start3A_140 = arith.constant 0 : i32
      %dma_start3A_141 = tpu.memref_slice %arg27[%mul3A_128, %dma_start3A_140] : memref<10240x64xf32, #tpu.memory_space<vmem_shared>> -> memref<640x64xf32, #tpu.memory_space<vmem_shared>>
      tpu.enqueue_dma source(%dma_start3A_141 : memref<640x64xf32, #tpu.memory_space<vmem_shared>>) target(%dma_start3A_139 : memref<640x64xf32, #tpu.memory_space<hbm>>) target_semaphore(%run_scoped3A_136 : memref<!tpu.dma_semaphore, #tpu.memory_space<semaphore_mem>>)
      %dma_wait3A_142 = arith.constant 0 : i32
      %dma_wait3A_143 = tpu.memref_slice %arg7[%arg0, %mul3A_130, %dma_wait3A_142] : memref<2x10240x64xf32, #tpu.memory_space<hbm>> -> memref<1x640x64xf32, #tpu.memory_space<hbm>>
      %dma_wait3A_144 = tpu.memref_squeeze %dma_wait3A_143 : memref<1x640x64xf32, #tpu.memory_space<hbm>> -> memref<640x64xf32, #tpu.memory_space<hbm>>
      %dma_wait3A_145 = arith.constant 0 : i32
      %dma_wait3A_146 = tpu.memref_slice %arg27[%mul3A_128, %dma_wait3A_145] : memref<10240x64xf32, #tpu.memory_space<vmem_shared>> -> memref<640x64xf32, #tpu.memory_space<vmem_shared>>
      tpu.wait_dma2 semaphore(%run_scoped3A_136 : memref<!tpu.dma_semaphore, #tpu.memory_space<semaphore_mem>>) src(%dma_wait3A_146 : memref<640x64xf32, #tpu.memory_space<vmem_shared>>) dst(%dma_wait3A_144 : memref<640x64xf32, #tpu.memory_space<hbm>>)
      tpu.yield
    }) : () -> ()
    %eq3A_131 = arith.constant 0 : i32
    %eq3A_132 = arith.cmpi eq, %arg1, %eq3A_131 : i32
    %convert_element_type3A_133 = arith.extui %eq3A_132 : i1 to i32
    %cond3A_134 = arith.constant 0 : i32
    %cond3A_135 = arith.cmpi ne, %convert_element_type3A_133, %cond3A_134 : i32
    scf.if %cond3A_135 {
      "tpu.region"() ({
        %run_scoped3A_136 = tpu.sem_alloc : memref<!tpu.dma_semaphore, #tpu.memory_space<semaphore_mem>>
        %dma_start3A_137 = arith.constant 0 : i32
        %dma_start3A_138 = tpu.memref_slice %arg8[%arg0, %dma_start3A_137] : memref<2x10240xf32, #tpu.memory_space<hbm>> -> memref<1x10240xf32, #tpu.memory_space<hbm>>
        %dma_start3A_139 = tpu.memref_squeeze %dma_start3A_138 : memref<1x10240xf32, #tpu.memory_space<hbm>> -> memref<10240xf32, #tpu.memory_space<hbm>>
        tpu.enqueue_dma source(%arg28 : memref<10240xf32, #tpu.memory_space<vmem_shared>>) target(%dma_start3A_139 : memref<10240xf32, #tpu.memory_space<hbm>>) target_semaphore(%run_scoped3A_136 : memref<!tpu.dma_semaphore, #tpu.memory_space<semaphore_mem>>)
        %dma_wait3A_140 = arith.constant 0 : i32
        %dma_wait3A_141 = tpu.memref_slice %arg8[%arg0, %dma_wait3A_140] : memref<2x10240xf32, #tpu.memory_space<hbm>> -> memref<1x10240xf32, #tpu.memory_space<hbm>>
        %dma_wait3A_142 = tpu.memref_squeeze %dma_wait3A_141 : memref<1x10240xf32, #tpu.memory_space<hbm>> -> memref<10240xf32, #tpu.memory_space<hbm>>
        tpu.wait_dma2 semaphore(%run_scoped3A_136 : memref<!tpu.dma_semaphore, #tpu.memory_space<semaphore_mem>>) src(%arg28 : memref<10240xf32, #tpu.memory_space<vmem_shared>>) dst(%dma_wait3A_142 : memref<10240xf32, #tpu.memory_space<hbm>>)
        tpu.yield
      }) : () -> ()
    } else {
    }
    return
  }
}

module attributes {stable_mosaic.version = 14 : i64} {
  func.func @_dense_a_body(%arg0: i32, %arg1: memref<2000x128xf32, #tpu.memory_space<vmem>>, %arg2: memref<2000x64xf32, #tpu.memory_space<vmem>>, %arg3: memref<2000x64xf32, #tpu.memory_space<vmem>>, %arg4: memref<2000x1xf32, #tpu.memory_space<vmem>>, %arg5: memref<2000x1xf32, #tpu.memory_space<vmem>>, %arg6: memref<2000x16xf32, #tpu.memory_space<vmem>>, %arg7: memref<2000x1xf32, #tpu.memory_space<vmem>>, %arg8: memref<128x128xf32, #tpu.memory_space<vmem>>, %arg9: memref<1x128xf32, #tpu.memory_space<vmem>>, %arg10: memref<128x128xf32, #tpu.memory_space<vmem>>, %arg11: memref<16x16xf32, #tpu.memory_space<vmem>>, %arg12: memref<1x16xf32, #tpu.memory_space<vmem>>, %arg13: memref<16x128xf32, #tpu.memory_space<vmem>>, %arg14: memref<1x128xf32, #tpu.memory_space<vmem>>, %arg15: memref<16x128xf32, #tpu.memory_space<vmem>>, %arg16: memref<1x128xf32, #tpu.memory_space<vmem>>, %arg17: memref<384x128xf32, #tpu.memory_space<vmem>>, %arg18: memref<1x128xf32, #tpu.memory_space<vmem>>, %arg19: memref<2000x128xf32, #tpu.memory_space<vmem>>, %arg20: memref<1x128xf32, #tpu.memory_space<vmem>>, %arg21: memref<1x128xf32, #tpu.memory_space<vmem>>) attributes {dimension_semantics = [#tpu.dimension_semantics<arbitrary>], iteration_bounds = array<i64: 5>, scalar_prefetch = 0 : i64, scratch_operands = 0 : i64, tpu.core_type = #tpu.core_type<tc>, window_params = [{transform_indices = @transform_0, window_bounds = array<i64: 2000, 128>}, {transform_indices = @transform_1, window_bounds = array<i64: 2000, 64>}, {transform_indices = @transform_2, window_bounds = array<i64: 2000, 64>}, {transform_indices = @transform_3, window_bounds = array<i64: 2000, 1>}, {transform_indices = @transform_4, window_bounds = array<i64: 2000, 1>}, {transform_indices = @transform_5, window_bounds = array<i64: 2000, 16>}, {transform_indices = @transform_6, window_bounds = array<i64: 2000, 1>}, {pipeline_mode = #tpu.pipeline_mode<synchronous>, transform_indices = @transform_7, window_bounds = array<i64: 128, 128>}, {pipeline_mode = #tpu.pipeline_mode<synchronous>, transform_indices = @transform_8, window_bounds = array<i64: 1, 128>}, {pipeline_mode = #tpu.pipeline_mode<synchronous>, transform_indices = @transform_9, window_bounds = array<i64: 128, 128>}, {pipeline_mode = #tpu.pipeline_mode<synchronous>, transform_indices = @transform_10, window_bounds = array<i64: 16, 16>}, {pipeline_mode = #tpu.pipeline_mode<synchronous>, transform_indices = @transform_11, window_bounds = array<i64: 1, 16>}, {pipeline_mode = #tpu.pipeline_mode<synchronous>, transform_indices = @transform_12, window_bounds = array<i64: 16, 128>}, {pipeline_mode = #tpu.pipeline_mode<synchronous>, transform_indices = @transform_13, window_bounds = array<i64: 1, 128>}, {pipeline_mode = #tpu.pipeline_mode<synchronous>, transform_indices = @transform_14, window_bounds = array<i64: 16, 128>}, {pipeline_mode = #tpu.pipeline_mode<synchronous>, transform_indices = @transform_15, window_bounds = array<i64: 1, 128>}, {pipeline_mode = #tpu.pipeline_mode<synchronous>, transform_indices = @transform_16, window_bounds = array<i64: 384, 128>}, {pipeline_mode = #tpu.pipeline_mode<synchronous>, transform_indices = @transform_17, window_bounds = array<i64: 1, 128>}, {transform_indices = @transform_18, window_bounds = array<i64: 2000, 128>}, {pipeline_mode = #tpu.pipeline_mode<synchronous>, transform_indices = @transform_19, window_bounds = array<i64: 1, 128>}, {pipeline_mode = #tpu.pipeline_mode<synchronous>, transform_indices = @transform_20, window_bounds = array<i64: 1, 128>}]} {
    %get3A = arith.constant 0 : index
    %get3A_0 = arith.constant 0 : index
    %get3A_1 = vector.load %arg1[%get3A, %get3A_0] : memref<2000x128xf32, #tpu.memory_space<vmem>>, vector<2000x128xf32>
    %get3A_2 = arith.constant 0 : index
    %get3A_3 = arith.constant 0 : index
    %get3A_4 = vector.load %arg4[%get3A_2, %get3A_3] : memref<2000x1xf32, #tpu.memory_space<vmem>>, vector<2000x1xf32>
    %get3A_5 = arith.constant 0 : index
    %get3A_6 = arith.constant 0 : index
    %get3A_7 = vector.load %arg5[%get3A_5, %get3A_6] : memref<2000x1xf32, #tpu.memory_space<vmem>>, vector<2000x1xf32>
    %add3A = arith.addf %get3A_4, %get3A_7 : vector<2000x1xf32>
    %max3A = arith.constant 1.000000e+00 : f32
    %max3A_8 = vector.broadcast %max3A : f32 to vector<2000x1xf32>
    %max3A_9 = arith.maximumf %add3A, %max3A_8 : vector<2000x1xf32>
    %get3A_10 = arith.constant 0 : index
    %get3A_11 = arith.constant 0 : index
    %get3A_12 = vector.load %arg2[%get3A_10, %get3A_11] : memref<2000x64xf32, #tpu.memory_space<vmem>>, vector<2000x64xf32>
    %div3A = vector.broadcast %max3A_9 : vector<2000x1xf32> to vector<2000x64xf32>
    %div3A_13 = arith.divf %get3A_12, %div3A : vector<2000x64xf32>
    %get3A_14 = arith.constant 0 : index
    %get3A_15 = arith.constant 0 : index
    %get3A_16 = vector.load %arg3[%get3A_14, %get3A_15] : memref<2000x64xf32, #tpu.memory_space<vmem>>, vector<2000x64xf32>
    %div3A_17 = vector.broadcast %max3A_9 : vector<2000x1xf32> to vector<2000x64xf32>
    %div3A_18 = arith.divf %get3A_16, %div3A_17 : vector<2000x64xf32>
    %get3A_19 = arith.constant 0 : index
    %get3A_20 = arith.constant 0 : index
    %get3A_21 = vector.load %arg8[%get3A_19, %get3A_20] : memref<128x128xf32, #tpu.memory_space<vmem>>, vector<128x128xf32>
    %slice3A = vector.extract_strided_slice %get3A_21 {offsets = [0, 0], sizes = [64, 128], strides = [1, 1]} : vector<128x128xf32> to vector<64x128xf32>
    %dot_general3A = arith.constant dense<0.000000e+00> : vector<2000x128xf32>
    %dot_general3A_22 = tpu.matmul %div3A_13, %slice3A, %dot_general3A {dimension_numbers = #tpu.dot_dimension_numbers<[1], [0], [0], [1], [0, 0, 1, 1], [], []>, transpose_lhs_hint = false} : vector<2000x64xf32>, vector<64x128xf32>, vector<2000x128xf32> -> vector<2000x128xf32>
    %slice3A_23 = vector.extract_strided_slice %get3A_21 {offsets = [64, 0], sizes = [64, 128], strides = [1, 1]} : vector<128x128xf32> to vector<64x128xf32>
    %dot_general3A_24 = arith.constant dense<0.000000e+00> : vector<2000x128xf32>
    %dot_general3A_25 = tpu.matmul %div3A_18, %slice3A_23, %dot_general3A_24 {dimension_numbers = #tpu.dot_dimension_numbers<[1], [0], [0], [1], [0, 0, 1, 1], [], []>, transpose_lhs_hint = false} : vector<2000x64xf32>, vector<64x128xf32>, vector<2000x128xf32> -> vector<2000x128xf32>
    %add3A_26 = arith.addf %dot_general3A_22, %dot_general3A_25 : vector<2000x128xf32>
    %get3A_27 = arith.constant 0 : index
    %get3A_28 = arith.constant 0 : index
    %get3A_29 = vector.load %arg9[%get3A_27, %get3A_28] : memref<1x128xf32, #tpu.memory_space<vmem>>, vector<1x128xf32>
    %add3A_30 = vector.broadcast %get3A_29 : vector<1x128xf32> to vector<2000x128xf32>
    %add3A_31 = arith.addf %add3A_26, %add3A_30 : vector<2000x128xf32>
    %get3A_32 = arith.constant 0 : index
    %get3A_33 = arith.constant 0 : index
    %get3A_34 = vector.load %arg10[%get3A_32, %get3A_33] : memref<128x128xf32, #tpu.memory_space<vmem>>, vector<128x128xf32>
    %dot_general3A_35 = arith.constant dense<0.000000e+00> : vector<2000x128xf32>
    %dot_general3A_36 = tpu.matmul %get3A_1, %get3A_34, %dot_general3A_35 {dimension_numbers = #tpu.dot_dimension_numbers<[1], [0], [0], [1], [0, 0, 1, 1], [], []>, transpose_lhs_hint = false} : vector<2000x128xf32>, vector<128x128xf32>, vector<2000x128xf32> -> vector<2000x128xf32>
    %add3A_37 = arith.addf %add3A_31, %dot_general3A_36 : vector<2000x128xf32>
    %get3A_38 = arith.constant 0 : index
    %get3A_39 = arith.constant 0 : index
    %get3A_40 = vector.load %arg6[%get3A_38, %get3A_39] : memref<2000x16xf32, #tpu.memory_space<vmem>>, vector<2000x16xf32>
    %get3A_41 = arith.constant 0 : index
    %get3A_42 = arith.constant 0 : index
    %get3A_43 = vector.load %arg11[%get3A_41, %get3A_42] : memref<16x16xf32, #tpu.memory_space<vmem>>, vector<16x16xf32>
    %dot_general3A_44 = arith.constant dense<0.000000e+00> : vector<2000x16xf32>
    %dot_general3A_45 = tpu.matmul %get3A_40, %get3A_43, %dot_general3A_44 {dimension_numbers = #tpu.dot_dimension_numbers<[1], [0], [0], [1], [0, 0, 1, 1], [], []>, transpose_lhs_hint = false} : vector<2000x16xf32>, vector<16x16xf32>, vector<2000x16xf32> -> vector<2000x16xf32>
    %get3A_46 = arith.constant 0 : index
    %get3A_47 = arith.constant 0 : index
    %get3A_48 = vector.load %arg12[%get3A_46, %get3A_47] : memref<1x16xf32, #tpu.memory_space<vmem>>, vector<1x16xf32>
    %add3A_49 = vector.broadcast %get3A_48 : vector<1x16xf32> to vector<2000x16xf32>
    %add3A_50 = arith.addf %dot_general3A_45, %add3A_49 : vector<2000x16xf32>
    %max3A_51 = arith.constant 0.000000e+00 : f32
    %max3A_52 = vector.broadcast %max3A_51 : f32 to vector<2000x16xf32>
    %max3A_53 = arith.maximumf %add3A_50, %max3A_52 : vector<2000x16xf32>
    %get3A_54 = arith.constant 0 : index
    %get3A_55 = arith.constant 0 : index
    %get3A_56 = vector.load %arg13[%get3A_54, %get3A_55] : memref<16x128xf32, #tpu.memory_space<vmem>>, vector<16x128xf32>
    %dot_general3A_57 = arith.constant dense<0.000000e+00> : vector<2000x128xf32>
    %dot_general3A_58 = tpu.matmul %max3A_53, %get3A_56, %dot_general3A_57 {dimension_numbers = #tpu.dot_dimension_numbers<[1], [0], [0], [1], [0, 0, 1, 1], [], []>, transpose_lhs_hint = false} : vector<2000x16xf32>, vector<16x128xf32>, vector<2000x128xf32> -> vector<2000x128xf32>
    %get3A_59 = arith.constant 0 : index
    %get3A_60 = arith.constant 0 : index
    %get3A_61 = vector.load %arg14[%get3A_59, %get3A_60] : memref<1x128xf32, #tpu.memory_space<vmem>>, vector<1x128xf32>
    %add3A_62 = vector.broadcast %get3A_61 : vector<1x128xf32> to vector<2000x128xf32>
    %add3A_63 = arith.addf %dot_general3A_58, %add3A_62 : vector<2000x128xf32>
    %get3A_64 = arith.constant 0 : index
    %get3A_65 = arith.constant 0 : index
    %get3A_66 = vector.load %arg15[%get3A_64, %get3A_65] : memref<16x128xf32, #tpu.memory_space<vmem>>, vector<16x128xf32>
    %dot_general3A_67 = arith.constant dense<0.000000e+00> : vector<2000x128xf32>
    %dot_general3A_68 = tpu.matmul %get3A_40, %get3A_66, %dot_general3A_67 {dimension_numbers = #tpu.dot_dimension_numbers<[1], [0], [0], [1], [0, 0, 1, 1], [], []>, transpose_lhs_hint = false} : vector<2000x16xf32>, vector<16x128xf32>, vector<2000x128xf32> -> vector<2000x128xf32>
    %get3A_69 = arith.constant 0 : index
    %get3A_70 = arith.constant 0 : index
    %get3A_71 = vector.load %arg16[%get3A_69, %get3A_70] : memref<1x128xf32, #tpu.memory_space<vmem>>, vector<1x128xf32>
    %add3A_72 = vector.broadcast %get3A_71 : vector<1x128xf32> to vector<2000x128xf32>
    %add3A_73 = arith.addf %dot_general3A_68, %add3A_72 : vector<2000x128xf32>
    %add3A_74 = arith.addf %add3A_63, %add3A_73 : vector<2000x128xf32>
    %get3A_75 = arith.constant 0 : index
    %get3A_76 = arith.constant 0 : index
    %get3A_77 = vector.load %arg17[%get3A_75, %get3A_76] : memref<384x128xf32, #tpu.memory_space<vmem>>, vector<384x128xf32>
    %slice3A_78 = vector.extract_strided_slice %get3A_77 {offsets = [0, 0], sizes = [128, 128], strides = [1, 1]} : vector<384x128xf32> to vector<128x128xf32>
    %dot_general3A_79 = arith.constant dense<0.000000e+00> : vector<2000x128xf32>
    %dot_general3A_80 = tpu.matmul %add3A_37, %slice3A_78, %dot_general3A_79 {dimension_numbers = #tpu.dot_dimension_numbers<[1], [0], [0], [1], [0, 0, 1, 1], [], []>, transpose_lhs_hint = false} : vector<2000x128xf32>, vector<128x128xf32>, vector<2000x128xf32> -> vector<2000x128xf32>
    %slice3A_81 = vector.extract_strided_slice %get3A_77 {offsets = [128, 0], sizes = [128, 128], strides = [1, 1]} : vector<384x128xf32> to vector<128x128xf32>
    %dot_general3A_82 = arith.constant dense<0.000000e+00> : vector<2000x128xf32>
    %dot_general3A_83 = tpu.matmul %add3A_74, %slice3A_81, %dot_general3A_82 {dimension_numbers = #tpu.dot_dimension_numbers<[1], [0], [0], [1], [0, 0, 1, 1], [], []>, transpose_lhs_hint = false} : vector<2000x128xf32>, vector<128x128xf32>, vector<2000x128xf32> -> vector<2000x128xf32>
    %add3A_84 = arith.addf %dot_general3A_80, %dot_general3A_83 : vector<2000x128xf32>
    %slice3A_85 = vector.extract_strided_slice %get3A_77 {offsets = [256, 0], sizes = [128, 128], strides = [1, 1]} : vector<384x128xf32> to vector<128x128xf32>
    %dot_general3A_86 = arith.constant dense<0.000000e+00> : vector<2000x128xf32>
    %dot_general3A_87 = tpu.matmul %add3A_73, %slice3A_85, %dot_general3A_86 {dimension_numbers = #tpu.dot_dimension_numbers<[1], [0], [0], [1], [0, 0, 1, 1], [], []>, transpose_lhs_hint = false} : vector<2000x128xf32>, vector<128x128xf32>, vector<2000x128xf32> -> vector<2000x128xf32>
    %add3A_88 = arith.addf %add3A_84, %dot_general3A_87 : vector<2000x128xf32>
    %get3A_89 = arith.constant 0 : index
    %get3A_90 = arith.constant 0 : index
    %get3A_91 = vector.load %arg18[%get3A_89, %get3A_90] : memref<1x128xf32, #tpu.memory_space<vmem>>, vector<1x128xf32>
    %add3A_92 = vector.broadcast %get3A_91 : vector<1x128xf32> to vector<2000x128xf32>
    %add3A_93 = arith.addf %add3A_88, %add3A_92 : vector<2000x128xf32>
    %neg3A = arith.constant 0.000000e+00 : f32
    %neg3A_94 = vector.broadcast %neg3A : f32 to vector<2000x128xf32>
    %neg3A_95 = arith.subf %neg3A_94, %add3A_93 : vector<2000x128xf32>
    %exp3A = math.exp %neg3A_95 : vector<2000x128xf32>
    %add3A_96 = arith.constant 1.000000e+00 : f32
    %add3A_97 = vector.broadcast %add3A_96 : f32 to vector<2000x128xf32>
    %add3A_98 = arith.addf %add3A_97, %exp3A : vector<2000x128xf32>
    %div3A_99 = arith.constant 1.000000e+00 : f32
    %div3A_100 = vector.broadcast %div3A_99 : f32 to vector<2000x128xf32>
    %div3A_101 = arith.divf %div3A_100, %add3A_98 : vector<2000x128xf32>
    %mul3A = arith.mulf %div3A_101, %add3A_74 : vector<2000x128xf32>
    %get3A_102 = arith.constant 0 : index
    %get3A_103 = arith.constant 0 : index
    %get3A_104 = vector.load %arg7[%get3A_102, %get3A_103] : memref<2000x1xf32, #tpu.memory_space<vmem>>, vector<2000x1xf32>
    %mul3A_105 = vector.broadcast %get3A_104 : vector<2000x1xf32> to vector<2000x128xf32>
    %mul3A_106 = arith.mulf %mul3A, %mul3A_105 : vector<2000x128xf32>
    %add3A_107 = arith.addf %add3A_37, %mul3A_106 : vector<2000x128xf32>
    %swap3A = arith.constant 0 : index
    %swap3A_108 = arith.constant 0 : index
    %swap3A_109 = vector.load %arg19[%swap3A, %swap3A_108] : memref<2000x128xf32, #tpu.memory_space<vmem>>, vector<2000x128xf32>
    tpu.vector_store %arg19[%swap3A, %swap3A_108], %add3A_107 {strides = array<i32>} : memref<2000x128xf32, #tpu.memory_space<vmem>>, vector<2000x128xf32>,
    %eq3A = arith.constant 0 : i32
    %eq3A_110 = arith.cmpi eq, %arg0, %eq3A : i32
    %convert_element_type3A = arith.extui %eq3A_110 : i1 to i32
    %cond3A = arith.constant 0 : i32
    %cond3A_111 = arith.cmpi ne, %convert_element_type3A, %cond3A : i32
    scf.if %cond3A_111 {
      %broadcast_in_dim3A_131 = arith.constant 0.000000e+00 : f32
      %broadcast_in_dim3A_132 = vector.broadcast %broadcast_in_dim3A_131 : f32 to vector<1x128xf32>
      %swap3A_133 = arith.constant 0 : index
      %swap3A_134 = arith.constant 0 : index
      %swap3A_135 = vector.load %arg20[%swap3A_133, %swap3A_134] : memref<1x128xf32, #tpu.memory_space<vmem>>, vector<1x128xf32>
      tpu.vector_store %arg20[%swap3A_133, %swap3A_134], %broadcast_in_dim3A_132 {strides = array<i32>} : memref<1x128xf32, #tpu.memory_space<vmem>>, vector<1x128xf32>,
      %broadcast_in_dim3A_136 = arith.constant 0.000000e+00 : f32
      %broadcast_in_dim3A_137 = vector.broadcast %broadcast_in_dim3A_136 : f32 to vector<1x128xf32>
      %swap3A_138 = arith.constant 0 : index
      %swap3A_139 = arith.constant 0 : index
      %swap3A_140 = vector.load %arg21[%swap3A_138, %swap3A_139] : memref<1x128xf32, #tpu.memory_space<vmem>>, vector<1x128xf32>
      tpu.vector_store %arg21[%swap3A_138, %swap3A_139], %broadcast_in_dim3A_137 {strides = array<i32>} : memref<1x128xf32, #tpu.memory_space<vmem>>, vector<1x128xf32>,
    } else {
    }
    %get3A_112 = arith.constant 0 : index
    %get3A_113 = arith.constant 0 : index
    %get3A_114 = vector.load %arg20[%get3A_112, %get3A_113] : memref<1x128xf32, #tpu.memory_space<vmem>>, vector<1x128xf32>
    %reduce_sum3A = arith.constant dense<0.000000e+00> : vector<128xf32>
    %reduce_sum3A_115 = vector.multi_reduction <add>, %add3A_107, %reduce_sum3A [0] : vector<2000x128xf32> to vector<128xf32>
    %broadcast_in_dim3A = vector.shape_cast %reduce_sum3A_115 : vector<128xf32> to vector<1x128xf32>
    %add3A_116 = arith.addf %get3A_114, %broadcast_in_dim3A : vector<1x128xf32>
    %swap3A_117 = arith.constant 0 : index
    %swap3A_118 = arith.constant 0 : index
    %swap3A_119 = vector.load %arg20[%swap3A_117, %swap3A_118] : memref<1x128xf32, #tpu.memory_space<vmem>>, vector<1x128xf32>
    tpu.vector_store %arg20[%swap3A_117, %swap3A_118], %add3A_116 {strides = array<i32>} : memref<1x128xf32, #tpu.memory_space<vmem>>, vector<1x128xf32>,
    %get3A_120 = arith.constant 0 : index
    %get3A_121 = arith.constant 0 : index
    %get3A_122 = vector.load %arg21[%get3A_120, %get3A_121] : memref<1x128xf32, #tpu.memory_space<vmem>>, vector<1x128xf32>
    %mul3A_123 = arith.mulf %add3A_107, %add3A_107 : vector<2000x128xf32>
    %reduce_sum3A_124 = arith.constant dense<0.000000e+00> : vector<128xf32>
    %reduce_sum3A_125 = vector.multi_reduction <add>, %mul3A_123, %reduce_sum3A_124 [0] : vector<2000x128xf32> to vector<128xf32>
    %broadcast_in_dim3A_126 = vector.shape_cast %reduce_sum3A_125 : vector<128xf32> to vector<1x128xf32>
    %add3A_127 = arith.addf %get3A_122, %broadcast_in_dim3A_126 : vector<1x128xf32>
    %swap3A_128 = arith.constant 0 : index
    %swap3A_129 = arith.constant 0 : index
    %swap3A_130 = vector.load %arg21[%swap3A_128, %swap3A_129] : memref<1x128xf32, #tpu.memory_space<vmem>>, vector<1x128xf32>
    tpu.vector_store %arg21[%swap3A_128, %swap3A_129], %add3A_127 {strides = array<i32>} : memref<1x128xf32, #tpu.memory_space<vmem>>, vector<1x128xf32>,
    return
  }
  func.func @transform_0(%arg0: i32) -> (i32, i32) {
    %c0_i32 = arith.constant 0 : i32
    %c0_i32_0 = arith.constant 0 : i32
    return %arg0, %c0_i32 : i32, i32
  }
  func.func @transform_1(%arg0: i32) -> (i32, i32) {
    %c0_i32 = arith.constant 0 : i32
    %c0_i32_0 = arith.constant 0 : i32
    return %arg0, %c0_i32 : i32, i32
  }
  func.func @transform_2(%arg0: i32) -> (i32, i32) {
    %c0_i32 = arith.constant 0 : i32
    %c0_i32_0 = arith.constant 0 : i32
    return %arg0, %c0_i32 : i32, i32
  }
  func.func @transform_3(%arg0: i32) -> (i32, i32) {
    %c0_i32 = arith.constant 0 : i32
    %c0_i32_0 = arith.constant 0 : i32
    return %arg0, %c0_i32 : i32, i32
  }
  func.func @transform_4(%arg0: i32) -> (i32, i32) {
    %c0_i32 = arith.constant 0 : i32
    %c0_i32_0 = arith.constant 0 : i32
    return %arg0, %c0_i32 : i32, i32
  }
  func.func @transform_5(%arg0: i32) -> (i32, i32) {
    %c0_i32 = arith.constant 0 : i32
    %c0_i32_0 = arith.constant 0 : i32
    return %arg0, %c0_i32 : i32, i32
  }
  func.func @transform_6(%arg0: i32) -> (i32, i32) {
    %c0_i32 = arith.constant 0 : i32
    %c0_i32_0 = arith.constant 0 : i32
    return %arg0, %c0_i32 : i32, i32
  }
  func.func @transform_7(%arg0: i32) -> (i32, i32) {
    %c0_i32 = arith.constant 0 : i32
    %c0_i32_0 = arith.constant 0 : i32
    %c0_i32_1 = arith.constant 0 : i32
    return %c0_i32, %c0_i32_0 : i32, i32
  }
  func.func @transform_8(%arg0: i32) -> (i32, i32) {
    %c0_i32 = arith.constant 0 : i32
    %c0_i32_0 = arith.constant 0 : i32
    %c0_i32_1 = arith.constant 0 : i32
    return %c0_i32, %c0_i32_0 : i32, i32
  }
  func.func @transform_9(%arg0: i32) -> (i32, i32) {
    %c0_i32 = arith.constant 0 : i32
    %c0_i32_0 = arith.constant 0 : i32
    %c0_i32_1 = arith.constant 0 : i32
    return %c0_i32, %c0_i32_0 : i32, i32
  }
  func.func @transform_10(%arg0: i32) -> (i32, i32) {
    %c0_i32 = arith.constant 0 : i32
    %c0_i32_0 = arith.constant 0 : i32
    %c0_i32_1 = arith.constant 0 : i32
    return %c0_i32, %c0_i32_0 : i32, i32
  }
  func.func @transform_11(%arg0: i32) -> (i32, i32) {
    %c0_i32 = arith.constant 0 : i32
    %c0_i32_0 = arith.constant 0 : i32
    %c0_i32_1 = arith.constant 0 : i32
    return %c0_i32, %c0_i32_0 : i32, i32
  }
  func.func @transform_12(%arg0: i32) -> (i32, i32) {
    %c0_i32 = arith.constant 0 : i32
    %c0_i32_0 = arith.constant 0 : i32
    %c0_i32_1 = arith.constant 0 : i32
    return %c0_i32, %c0_i32_0 : i32, i32
  }
  func.func @transform_13(%arg0: i32) -> (i32, i32) {
    %c0_i32 = arith.constant 0 : i32
    %c0_i32_0 = arith.constant 0 : i32
    %c0_i32_1 = arith.constant 0 : i32
    return %c0_i32, %c0_i32_0 : i32, i32
  }
  func.func @transform_14(%arg0: i32) -> (i32, i32) {
    %c0_i32 = arith.constant 0 : i32
    %c0_i32_0 = arith.constant 0 : i32
    %c0_i32_1 = arith.constant 0 : i32
    return %c0_i32, %c0_i32_0 : i32, i32
  }
  func.func @transform_15(%arg0: i32) -> (i32, i32) {
    %c0_i32 = arith.constant 0 : i32
    %c0_i32_0 = arith.constant 0 : i32
    %c0_i32_1 = arith.constant 0 : i32
    return %c0_i32, %c0_i32_0 : i32, i32
  }
  func.func @transform_16(%arg0: i32) -> (i32, i32) {
    %c0_i32 = arith.constant 0 : i32
    %c0_i32_0 = arith.constant 0 : i32
    %c0_i32_1 = arith.constant 0 : i32
    return %c0_i32, %c0_i32_0 : i32, i32
  }
  func.func @transform_17(%arg0: i32) -> (i32, i32) {
    %c0_i32 = arith.constant 0 : i32
    %c0_i32_0 = arith.constant 0 : i32
    %c0_i32_1 = arith.constant 0 : i32
    return %c0_i32, %c0_i32_0 : i32, i32
  }
  func.func @transform_18(%arg0: i32) -> (i32, i32) {
    %c0_i32 = arith.constant 0 : i32
    %c0_i32_0 = arith.constant 0 : i32
    return %arg0, %c0_i32 : i32, i32
  }
  func.func @transform_19(%arg0: i32) -> (i32, i32) {
    %c0_i32 = arith.constant 0 : i32
    %c0_i32_0 = arith.constant 0 : i32
    %c0_i32_1 = arith.constant 0 : i32
    return %c0_i32, %c0_i32_0 : i32, i32
  }
  func.func @transform_20(%arg0: i32) -> (i32, i32) {
    %c0_i32 = arith.constant 0 : i32
    %c0_i32_0 = arith.constant 0 : i32
    %c0_i32_1 = arith.constant 0 : i32
    return %c0_i32, %c0_i32_0 : i32, i32
  }
}

module attributes {stable_mosaic.version = 14 : i64} {
  func.func @_dense_b_body(%arg0: i32, %arg1: memref<2000x128xf32, #tpu.memory_space<vmem>>, %arg2: memref<1x128xf32, #tpu.memory_space<vmem>>, %arg3: memref<1x128xf32, #tpu.memory_space<vmem>>, %arg4: memref<1x128xf32, #tpu.memory_space<vmem>>, %arg5: memref<1x128xf32, #tpu.memory_space<vmem>>, %arg6: memref<2000x128xf32, #tpu.memory_space<vmem>>) attributes {dimension_semantics = [#tpu.dimension_semantics<arbitrary>], iteration_bounds = array<i64: 5>, scalar_prefetch = 0 : i64, scratch_operands = 0 : i64, tpu.core_type = #tpu.core_type<tc>, window_params = [{transform_indices = @transform_0, window_bounds = array<i64: 2000, 128>}, {pipeline_mode = #tpu.pipeline_mode<synchronous>, transform_indices = @transform_1, window_bounds = array<i64: 1, 128>}, {pipeline_mode = #tpu.pipeline_mode<synchronous>, transform_indices = @transform_2, window_bounds = array<i64: 1, 128>}, {pipeline_mode = #tpu.pipeline_mode<synchronous>, transform_indices = @transform_3, window_bounds = array<i64: 1, 128>}, {pipeline_mode = #tpu.pipeline_mode<synchronous>, transform_indices = @transform_4, window_bounds = array<i64: 1, 128>}, {transform_indices = @transform_5, window_bounds = array<i64: 2000, 128>}]} {
    %get3A = arith.constant 0 : index
    %get3A_0 = arith.constant 0 : index
    %get3A_1 = vector.load %arg2[%get3A, %get3A_0] : memref<1x128xf32, #tpu.memory_space<vmem>>, vector<1x128xf32>
    %mul3A = arith.constant 9.99999974E-5 : f32
    %mul3A_2 = vector.broadcast %mul3A : f32 to vector<1x128xf32>
    %mul3A_3 = arith.mulf %get3A_1, %mul3A_2 : vector<1x128xf32>
    %get3A_4 = arith.constant 0 : index
    %get3A_5 = arith.constant 0 : index
    %get3A_6 = vector.load %arg3[%get3A_4, %get3A_5] : memref<1x128xf32, #tpu.memory_space<vmem>>, vector<1x128xf32>
    %mul3A_7 = arith.constant 9.99999974E-5 : f32
    %mul3A_8 = vector.broadcast %mul3A_7 : f32 to vector<1x128xf32>
    %mul3A_9 = arith.mulf %get3A_6, %mul3A_8 : vector<1x128xf32>
    %mul3A_10 = arith.mulf %mul3A_3, %mul3A_3 : vector<1x128xf32>
    %sub3A = arith.subf %mul3A_9, %mul3A_10 : vector<1x128xf32>
    %get3A_11 = arith.constant 0 : index
    %get3A_12 = arith.constant 0 : index
    %get3A_13 = vector.load %arg1[%get3A_11, %get3A_12] : memref<2000x128xf32, #tpu.memory_space<vmem>>, vector<2000x128xf32>
    %sub3A_14 = vector.broadcast %mul3A_3 : vector<1x128xf32> to vector<2000x128xf32>
    %sub3A_15 = arith.subf %get3A_13, %sub3A_14 : vector<2000x128xf32>
    %add3A = arith.constant 9.99999974E-6 : f32
    %add3A_16 = vector.broadcast %add3A : f32 to vector<1x128xf32>
    %add3A_17 = arith.addf %sub3A, %add3A_16 : vector<1x128xf32>
    %sqrt3A = math.sqrt %add3A_17 : vector<1x128xf32>
    %div3A = vector.broadcast %sqrt3A : vector<1x128xf32> to vector<2000x128xf32>
    %div3A_18 = arith.divf %sub3A_15, %div3A : vector<2000x128xf32>
    %get3A_19 = arith.constant 0 : index
    %get3A_20 = arith.constant 0 : index
    %get3A_21 = vector.load %arg4[%get3A_19, %get3A_20] : memref<1x128xf32, #tpu.memory_space<vmem>>, vector<1x128xf32>
    %mul3A_22 = vector.broadcast %get3A_21 : vector<1x128xf32> to vector<2000x128xf32>
    %mul3A_23 = arith.mulf %div3A_18, %mul3A_22 : vector<2000x128xf32>
    %get3A_24 = arith.constant 0 : index
    %get3A_25 = arith.constant 0 : index
    %get3A_26 = vector.load %arg5[%get3A_24, %get3A_25] : memref<1x128xf32, #tpu.memory_space<vmem>>, vector<1x128xf32>
    %add3A_27 = vector.broadcast %get3A_26 : vector<1x128xf32> to vector<2000x128xf32>
    %add3A_28 = arith.addf %mul3A_23, %add3A_27 : vector<2000x128xf32>
    %add3A_29 = arith.addf %add3A_28, %add3A_28 : vector<2000x128xf32>
    %max3A = arith.constant 0.000000e+00 : f32
    %max3A_30 = vector.broadcast %max3A : f32 to vector<2000x128xf32>
    %max3A_31 = arith.maximumf %add3A_29, %max3A_30 : vector<2000x128xf32>
    %swap3A = arith.constant 0 : index
    %swap3A_32 = arith.constant 0 : index
    %swap3A_33 = vector.load %arg6[%swap3A, %swap3A_32] : memref<2000x128xf32, #tpu.memory_space<vmem>>, vector<2000x128xf32>
    tpu.vector_store %arg6[%swap3A, %swap3A_32], %max3A_31 {strides = array<i32>} : memref<2000x128xf32, #tpu.memory_space<vmem>>, vector<2000x128xf32>,
    return
  }
  func.func @transform_0(%arg0: i32) -> (i32, i32) {
    %c0_i32 = arith.constant 0 : i32
    %c0_i32_0 = arith.constant 0 : i32
    return %arg0, %c0_i32 : i32, i32
  }
  func.func @transform_1(%arg0: i32) -> (i32, i32) {
    %c0_i32 = arith.constant 0 : i32
    %c0_i32_0 = arith.constant 0 : i32
    %c0_i32_1 = arith.constant 0 : i32
    return %c0_i32, %c0_i32_0 : i32, i32
  }
  func.func @transform_2(%arg0: i32) -> (i32, i32) {
    %c0_i32 = arith.constant 0 : i32
    %c0_i32_0 = arith.constant 0 : i32
    %c0_i32_1 = arith.constant 0 : i32
    return %c0_i32, %c0_i32_0 : i32, i32
  }
  func.func @transform_3(%arg0: i32) -> (i32, i32) {
    %c0_i32 = arith.constant 0 : i32
    %c0_i32_0 = arith.constant 0 : i32
    %c0_i32_1 = arith.constant 0 : i32
    return %c0_i32, %c0_i32_0 : i32, i32
  }
  func.func @transform_4(%arg0: i32) -> (i32, i32) {
    %c0_i32 = arith.constant 0 : i32
    %c0_i32_0 = arith.constant 0 : i32
    %c0_i32_1 = arith.constant 0 : i32
    return %c0_i32, %c0_i32_0 : i32, i32
  }
  func.func @transform_5(%arg0: i32) -> (i32, i32) {
    %c0_i32 = arith.constant 0 : i32
    %c0_i32_0 = arith.constant 0 : i32
    return %arg0, %c0_i32 : i32, i32
  }
}

</mosaic_0001>

<sc_bundles>
// kernel: kernel.6.cloned.1.call-start
scs
__scs_entry_jumppad:
0x0: {  	(pc) =	sbr.rel $0x88, $3  }
0x1: {  	(tag) =	ssettag $0x0;
	lr =	simm.s32 $0x1  }
0x2: {  	[smem:$0x3F91] =	sst lr;
	_ =	strace $0xD0000000  }
0x3: {  	_ = 	snop  }
0x4: {  	_ = 	snop  }
0x5: {  	_ = 	snop  }
0x6: {  	_ = 	snop  }
0x7: {  	_ = 	snop  }
__scs_overlays_trampoline_lowered:
0x8: {  	[smem:$0x3FA0] =	sst s0  }
0x9: {  	[smem:$0x3FA1] =	sst s1  }
0xa: {  	[smem:$0x3FA2] =	sst s2  }
0xb: {  	[smem:$0x3FA3] =	sst s3  }
0xc: {  	[smem:$0x3FA4] =	sst s4  }
0xd: {  	[smem:$0x3FA5] =	sst s5  }
0xe: {  	[smem:$0x3FA6] =	sst s6  }
0xf: {  	[smem:$0x3FA7] =	sst s7  }
0x10: {  	[smem:$0x3FA8] =	sst s8  }
0x11: {  	[smem:$0x3FA9] =	sst s9;
	s0 =	simm.s32 @!p0 $0x0  }
0x12: {  	s1 =	sld [smem:$0x3F8F];
	s0 =	simm.s32 @p0 $0x1  }
0x13: {  	[smem:$0x3FAA] =	sst s0;
	s0 =	simm.s32 @!p1 $0x0  }
0x14: {  	s2 =	sld [smem:$0x3F8E];
	s0 =	simm.s32 @p1 $0x1  }
0x15: {  	[smem:$0x3FAB] =	sst s0;
	s0 =	simm.s32 @!p2 $0x0  }
0x16: {  	s3 =	sld [smem:$0x3FDB];
	s0 =	simm.s32 @p2 $0x1  }
0x17: {  	s4 =	simm.s32 $0x1BF5;
	[smem:$0x3FAD] =	sst s0  }
0x18: {  	s0 =	sld [smem:$0x3F90];
	_ =	swait.ge [sflag:s4], $0x0  }
0x19: {  	s7 =	sld [smem:$0x3F91]  }
0x1a: {  	s8 =	sadd.s32 $0xFFFFE003, lr  }
0x1b: {  	s9 =	sadd.s32 $0xFFFFFEF7, lr;
	s5 =	simm.s32 $0xFFFFFFFF;
	p2 =	slt.u32 s8, $0xFFFFF086  }
0x1c: {  	p1 =	slt.u32 s9, $0xF7A;
	s5 =	simm.s32 @!p2 $0x0  }
0x1d: {  	s5 =	simm.s32 @p1 $0x1;
	p0 =	seq.s32 s7, s2  }
0x1e: {  	s7 =	smul.u32 @!p0 $0xF7A, s2;
	p2 =	seq.s32 @!p0 s5, $0x0  }
0x1f: {  	s9 =	smul.u32 $0xF7A, s1;
	s8 =	simm.s32 @!p0 $0x1BF5;
	p2 =	por !p2, p0  }
0x20: {  	[sflag:s8] =	ssyncset.s32 @!p0 $0xFFFFF086;
	s6 =	sadd.s32 @!p0 s3, s7;
	s7 =	simm.s32 @!p0 $0x108  }
0x21: {  	s3 =	sadd.s32 s3, s9;
	s6 =	sadd.s32 @!p0 $0x88, s6;
	s7 =	simm.s32 @p2 $0x1082  }
0x22: {  	[simem:s7], [sflag:s8] =	dma.local @!p0 [hbm:s6], $0xF7A  }
0x23: {  	s9 =	sor.u32 $0xD0000000, s2;
	s6 =	simm.s32 $0x108;
	_ =	swait.ge @!p0 [sflag:s8], $0x0  }
0x24: {  	s3 =	sadd.s32 $0x88, s3;
	s6 =	simm.s32 @!p1 $0x1082;
	[sflag:s4] =	ssyncset.s32 $0xFFFFF086  }
0x25: {  	[simem:s6], [sflag:s4] =	dma.local [hbm:s3], $0xF7A  }
0x26: {  	[smem:$0x3F91] =	sst s1;
	(tag) =	ssettag s2;
	_ =	strace s9  }
0x27: {  	s1 =	sld [smem:$0x3FA1]  }
0x28: {  	s2 =	sld [smem:$0x3FA2]  }
0x29: {  	s4 =	sld [smem:$0x3FA4]  }
0x2a: {  	p0 =	seq.s32 s5, $0x0;
	s5 =	sld [smem:$0x3FA5]  }
0x2b: {  	s6 =	sld [smem:$0x3FA6]  }
0x2c: {  	s7 =	sld [smem:$0x3FA7]  }
0x2d: {  	s3 =	simm.s32 $0x108;
	s8 =	sld [smem:$0x3FA8]  }
0x2e: {  	s3 =	simm.s32 @!p0 $0x1082;
	s9 =	sld [smem:$0x3FA9]  }
0x2f: {  	lr =	sadd.s32 s0, s3;
	s0 =	sld [smem:$0x3FA0]  }
0x30: {  	s3 =	sld [smem:$0x3FA3]  }
0x31: {  	[smem:$0x3FAC] =	sst s10  }
0x32: {  	s10 =	sld [smem:$0x3FAA];
	_ =	sdelay $0x3  }
0x33: {  	p0 =	seq.s32 s10, $0x1;
	s10 =	sld [smem:$0x3FAC];
	_ =	sdelay $0x3  }
0x34: {  	[smem:$0x3FAC] =	sst s10  }
0x35: {  	s10 =	sld [smem:$0x3FAB];
	_ =	sdelay $0x3  }
0x36: {  	p1 =	seq.s32 s10, $0x1;
	s10 =	sld [smem:$0x3FAC];
	_ =	sdelay $0x3  }
0x37: {  	[smem:$0x3FAC] =	sst s10  }
0x38: {  	s10 =	sld [smem:$0x3FAD]  }
0x39: {  	_ = 	snop;
	(pc) =	sbr.ind lr, $3  }
0x3a: {  	_ = 	snop  }
0x3b: {  	_ = 	snop  }
0x3c: {  	p2 =	seq.s32 s10, $0x1;
	s10 =	sld [smem:$0x3FAC]  }
0x3d: {  	_ =	shalt  }
0x3e: {  	_ =	shalt  }
0x3f: {  	_ =	shalt  }
0x40: {  	_ =	shalt  }
0x41: {  	_ =	shalt  }
0x42: {  	_ =	shalt  }
0x43: {  	_ =	shalt  }
0x44: {  	_ =	shalt  }
0x45: {  	_ =	shalt  }
0x46: {  	_ =	shalt  }
0x47: {  	_ =	shalt  }
0x48: {  	_ =	shalt  }
0x49: {  	_ =	shalt  }
0x4a: {  	_ =	shalt  }
0x4b: {  	_ =	shalt  }
0x4c: {  	_ =	shalt  }
0x4d: {  	_ =	shalt  }
0x4e: {  	_ =	shalt  }
0x4f: {  	_ =	shalt  }
0x50: {  	_ =	shalt  }
0x51: {  	_ =	shalt  }
0x52: {  	_ =	shalt  }
0x53: {  	_ =	shalt  }
0x54: {  	_ =	shalt  }
0x55: {  	_ =	shalt  }
0x56: {  	_ =	shalt  }
0x57: {  	_ =	shalt  }
0x58: {  	_ =	shalt  }
0x59: {  	_ =	shalt  }
0x5a: {  	_ =	shalt  }
0x5b: {  	_ =	shalt  }
0x5c: {  	_ =	shalt  }
0x5d: {  	_ =	shalt  }
0x5e: {  	_ =	shalt  }
0x5f: {  	_ =	shalt  }
0x60: {  	_ =	shalt  }
0x61: {  	_ =	shalt  }
0x62: {  	_ =	shalt  }
0x63: {  	_ =	shalt  }
0x64: {  	_ =	shalt  }
0x65: {  	_ =	shalt  }
0x66: {  	_ =	shalt  }
0x67: {  	_ =	shalt  }
0x68: {  	_ =	shalt  }
0x69: {  	_ =	shalt  }
0x6a: {  	_ =	shalt  }
0x6b: {  	_ =	shalt  }
0x6c: {  	_ =	shalt  }
0x6d: {  	_ =	shalt  }
0x6e: {  	_ =	shalt  }
0x6f: {  	_ =	shalt  }
0x70: {  	_ =	shalt  }
0x71: {  	_ =	shalt  }
0x72: {  	_ =	shalt  }
0x73: {  	_ =	shalt  }
0x74: {  	_ =	shalt  }
0x75: {  	_ =	shalt  }
0x76: {  	_ =	shalt  }
0x77: {  	_ =	shalt  }
0x78: {  	_ =	shalt  }
0x79: {  	_ =	shalt  }
0x7a: {  	_ =	shalt  }
0x7b: {  	_ =	shalt  }
0x7c: {  	_ =	shalt  }
0x7d: {  	_ =	shalt  }
0x7e: {  	_ =	shalt  }
0x7f: {  	_ =	shalt  }
0x80: {  	_ =	shalt  }
0x81: {  	_ =	shalt  }
0x82: {  	_ =	shalt  }
0x83: {  	_ =	shalt  }
0x84: {  	_ =	shalt  }
0x85: {  	_ =	shalt  }
0x86: {  	_ =	shalt  }
0x87: {  	_ =	shalt  }
.Lfunc_end0:
.L_simem_size_0:
called_computation_lowered:
.L_overlay_start_0:
0x88: {  	s2 =	sld [smem:$0x3FD9]  }
0x89: {  	s3 =	sld [smem:$0x3FFE];
	_ =	sdelay $0x1  }
0x8a: {  	s1 =	srdreg.scid  }
0x8b: {  	s0 =	sand.u32 $0x1, s1  }
0x8c: {  	s17 =	sshll.u32 s0, $0xA;
	s2 =	sadd.s32 s3, s2  }
0x8d: {  	s2 =	sadd.s32 s2, s17  }
0x8e: {  	[smem:$0x3FB8] =	sst s2  }
0x8f: {  	_ = 	snop  }
0x90: {  	s2 =	sld [smem:$0x3FD0];
	(tm) =	ssettm $0x1  }
0x91: {  	s18 =	sld [smem:$0x3FFB];
	_ =	sdelay $0x3  }
0x92: {  	_ =	strace s18  }
0x93: {  	s3 =	sld [smem:$0x3FFC];
	_ =	sdelay $0x3  }
0x94: {  	_ =	strace s3  }
0x95: {  	s3 =	sld [smem:$0x3FFD];
	_ =	sdelay $0x3  }
0x96: {  	_ =	strace s3  }
0x97: {  	_ =	strace $0x8FFFFFFF  }
0x98: {  	s19 =	sld [smem:$0x3FDB];
	_ =	sdelay $0x1  }
0x99: {  	s4 =	simm.s32 $_scs_section_size  }
0x9a: {  	s5 =	simm.s32 $_size__tile_overlayer_lowered;
	s6 =	simm.s32 $_tile_overlayer_lowered  }
0x9b: {  	s22 =	simm.s32 $0x1BFF;
	s21 =	sshll.u32 s6, $0x1;
	s3 =	sadd.s32 s4, s19  }
0x9c: {  	s7 =	simm.s32 $0x0;
	s20 =	sshll.u32 s5, $0x1;
	s5 =	sadd.s32 s21, s3  }
0x9d: {  	[timem:s7], [sflag:s22] =	dma.local [hbm:s5], s20  }
0x9e: {  	_ =	swait.ge [sflag:s22], s20  }
0x9f: {  	s4 =	ssub.s32 $0x0, s20;
	[sflag:s22] =	ssyncset.done $0x0  }
0xa0: {  	[sflag:s22] =	ssyncadd.s32 s4;
	_ =	sdelay $0x1  }
0xa1: {  	s23 =	simm.s32 $0x1B8B  }
0xa2: {  	_ =	swait.ge [sflag:s23], $0x1  }
0xa3: {  	[sflag:s23] =	ssyncset.done $0x0  }
0xa4: {  	s25 =	simm.s32 $0x1B8E;
	s24 =	sld [smem:$0x3FFE];
	[sflag:s23] =	ssyncadd.s32 $0xFFFFFFFF  }
0xa5: {  	s26 =	simm.s32 $execute0_lowered;
	[smem:$0x3FD2] =	sst s25  }
0xa6: {  	s5 =	sshll.u32 s26, $0x1;
	_ =	strace $0x80000046;
	[dreg:$0x1] =	wrdreg $0xFFFFFFFF  }
0xa7: {  	s28 =	simm.s32 $_size_execute0_lowered;
	s3 =	sadd.s32 s3, s5;
	[dreg:$0x0] =	wrdreg $0x0  }
0xa8: {  	s5 =	sshll.u32 s28, $0x1;
	[dreg:$0x2] =	wrdreg s3  }
0xa9: {  	[dreg:$0x3] =	wrdreg s5  }
0xaa: {  	[dreg:$0x4] =	wrdreg $0xC0  }
0xab: {  	_ =	task [dreg:s7], $0x5FFFF  }
0xac: {  	[dreg:$0x1] =	wrdreg $0xFFFFFFFF  }
0xad: {  	[dreg:$0x0] =	wrdreg $0x60  }
0xae: {  	[dreg:$0x2] =	wrdreg s2  }
0xaf: {  	[dreg:$0x3] =	wrdreg s24  }
0xb0: {  	[dreg:$0x4] =	wrdreg $0x145800  }
0xb1: {  	[dreg:$0x5] =	wrdreg $0x1E5800  }
0xb2: {  	[dreg:$0x6] =	wrdreg $0x9  }
0xb3: {  	_ =	task.clear_ibuf [dreg:s7], $0x7FFFF;
	_ =	strace $0x90000046  }
0xb4: {  	s29 =	simm.s32 $0x9;
	_ =	strace $0x80000048  }
0xb5: {  	_ =	swait.ge [sflag:s29], $0x1  }
0xb6: {  	[sflag:s29] =	ssyncadd.s32 $0xFFFFFFFF  }
0xb7: {  	_ =	strace $0x90000048  }
0xb8: {  	_ =	sfence  }
0xb9: {  	s30 =	sld [smem:$0x0];
	_ =	sdelay $0x2  }
0xba: {  	s31 =	sshll.u32 s1, $0xD;
	s1 =	sshrl.u32 s1, $0x2  }
0xbb: {  	s3 =	sand.u32 $0x4000, s31;
	s1 =	sadd.s32 s1, s30  }
0xbc: {  	s0 =	sor.u32 s3, s0;
	s1 =	sshll.u32 s1, $0x11  }
0xbd: {  	s0 =	sor.u32 s1, s0  }
0xbe: {  	s0 =	sadd.s32 $0x8F2B, s0  }
0xbf: {  	[sflag:s0] =	ssyncadd.remote.s32 $0x1  }
0xc0: {  	_ =	sfence.sel $0xFFFF  }
0xc1: {  	[dreg:$0x0] =	wrdreg $0xFFFFFFFF;
	(pc) =	sbr.abs _section_cstart, $3  }
0xc2: {  	[dreg:$0x1] =	wrdreg $0xFFFFFFFF  }
0xc3: {  	_ =	task.clear_ibuf [dreg:s7], $0x2FFFF;
	_ =	strace $0x9FFFFFFF  }
0xc4: {  	(tm) =	ssettm $0x7FFFFFFF  }
0xc5: {  	_ =	shalt  }
tec
execute0_lowered:
.L_overlay_start_1:
0x0: {  	(tag) =	ssettag $0x1  }
0x1: {  	s0 =	rddreg [dreg:$0x0]  }
0x2: {  	s4 =	rddreg [dreg:$0x1]  }
0x3: {  	s1 =	rddreg [dreg:$0x2]  }
0x4: {  	s2 =	rddreg [dreg:$0x3];
	s5 =	stileid.u32  }
0x5: {  	s15 =	simm.s32 $0x0;
	s7 =	srdreg.scid;
	s29 =	simm.s32 $0xFDC0  }
0x6: {  	s30 =	simm.s32 $0x1;
	s31 =	simm.s32 $0x11D00;
	s6 =	smul.u32 $0x5000, s5  }
0x7: {  	s28 =	simm.s32 $0x6;
	[smem:$0x7FF] =	sst s15;
	s8 =	smul.u32 $0xA000, s5  }
0x8: {  	s9 =	sand.u32 $0x1, s7;
	s12 =	smul.u32 $0x2800, s5;
	s13 =	sadd.s32 $0x2DC00, s4  }
0x9: {  	s14 =	sadd.s32 $0x2D600, s4;
	s20 =	sshll.u32 s5, $0x6;
	s7 =	smul.u32 $0xA0000, s9  }
0xa: {  	_ =	strace $0x80000047;
	s11 =	smul.u32 $0x28000, s9;
	[dreg:$0x5] =	wrdreg s13  }
0xb: {  	p0 =	sne.s32 s5, $0x0;
	[dreg:$0x6] =	wrdreg s14;
	s16 =	smul.u32 $0x500, s9  }
0xc: {  	s17 =	ssub.s32 $0x2, s9;
	s21 =	smul.u32 $0x13880, s9;
	p1 =	seq.s32 s9, $0x0  }
0xd: {  	s6 =	sshrl.u32 s6, $0x3;
	s10 =	sshrl.u32 s8, $0x3;
	s19 =	sshrl.u32 s17, $0x1  }
0xe: {  	s6 =	sadd.s32 s6, s4;
	s10 =	sadd.s32 s10, s4;
	s7 =	sadd.s32 s8, s7  }
0xf: {  	s11 =	sadd.s32 s12, s11;
	s13 =	sadd.s32 s16, s4;
	s12 =	ssub.s32 s17, s19  }
0x10: {  	s8 =	sadd.s32 s8, s1;
	s17 =	simm.s32 $0xA;
	s19 =	simm.s32 $0x3  }
0x11: {  	s7 =	sshrl.u32 s7, $0x3;
	s18 =	sshrl.u32 s11, $0x3;
	s10 =	sadd.s32 $0x19600, s10  }
0x12: {  	s22 =	sadd.s32 $0x5600, s6;
	s6 =	sadd.s32 $0xF600, s6;
	s11 =	sadd.s32 s0, s21  }
0x13: {  	s25 =	sadd.s32 $0x56200, s13;
	s26 =	smax.u32 s12, $0x1;
	[dreg:$0x7] =	wrdreg s10  }
0x14: {  	s13 =	sshrl.u32 s8, $0x3;
	s21 =	simm.s32 $0x7D;
	[dreg:$0x8] =	wrdreg s22  }
0x15: {  	s0 =	simm.s32 $0x2;
	s8 =	simm.s32 $0x0;
	[dreg:$0x9] =	wrdreg s6  }
0x16: {  	s14 =	sadd.s32 s7, s4;
	s4 =	sadd.s32 s18, s4;
	[dreg:$0xc] =	wrdreg s25  }
0x17: {  	s7 =	sor.u32 $0x1C0A, s20;
	s10 =	smul.u32 $0x4E20, s5;
	[dreg:$0xd] =	wrdreg s26  }
0x18: {  	s20 =	simm.s32 $0x11D80;
	s22 =	simm.s32 $0xA000;
	s26 =	simm.s32 $0xDE80  }
0x19: {  	s25 =	simm.s32 $0x5;
	s5 =	simm.s32 $0x8;
	s23 =	sadd.s32 $0x56C00, s4  }
0x1a: {  	s6 =	simm.s32 $0x9;
	s24 =	sadd.s32 $0x2E200, s14;
	[dreg:$0xa] =	wrdreg s23  }
0x1b: {  	s14 =	sshrl.u32 @!p0 s2, $0x3;
	s4 =	simm.s32 $0x7;
	[dreg:$0xb] =	wrdreg s24  }
0x1c: {  	v0 =	vimm.f32 $1.000000000e+00;
	v1 =	vlaneseq.u32;
	s24 =	simm.s32 $0xBF40;
	s23 =	simm.s32 $0x4;
	[dreg:$0xe] =	wrdreg s14  }
.LBB2_1:
0x1d: {  	s9 =	rddreg [dreg:$0x7]  }
0x1e: {  	[spmem:s13], [sflag:s7] =	dma.local [hbm:s9], $0x1400  }
0x1f: {  	_ =	swait.ge [sflag:s17], $0x1400  }
0x20: {  	[sflag:s17] =	ssyncset.done $0x0  }
0x21: {  	s9 =	rddreg [dreg:$0x5];
	[sflag:s17] =	ssyncadd.s32 $0xFFFFEC00  }
0x22: {  	[spmem:s14], [sflag:s7] =	dma.local @!p0 [hbm:s9], $0x500  }
0x23: {  	s9 =	simm.s32 @!p0 $0xA  }
0x24: {  	_ =	swait.ge @!p0 [sflag:s9], $0x500  }
0x25: {  	[sflag:s9] =	ssyncset.done @!p0 $0x0  }
0x26: {  	s12 =	rddreg [dreg:$0x8];
	[sflag:s9] =	ssyncadd.s32 @!p0 $0xFFFFFB00  }
0x27: {  	[tilespmem:s15], [sflag:$0xA] =	stream.linear.gather [hbm4b:s12+s15], $0x5000, $0x38;
	[tilespmem:$0x1E800] =	vst v63  }
0x28: {  	_ =	swait.ge [sflag:s17], $0x5000  }
0x29: {  	s3 =	smov.u32 s13;
	[sflag:s17] =	ssyncset.done $0x0  }
0x2a: {  	s12 =	simm.s32 $0x5000;
	s13 =	rddreg [dreg:$0x9];
	[sflag:s17] =	ssyncadd.s32 $0xFFFFB000  }
0x2b: {  	[tilespmem:s12], [sflag:$0xA] =	stream.linear.gather [hbm4b:s13+s15], $0x5000, $0x38;
	[tilespmem:$0x1E800] =	vst v63  }
0x2c: {  	_ =	swait.ge [sflag:s17], $0x5000  }
0x2d: {  	[sflag:s17] =	ssyncset.done $0x0  }
0x2e: {  	s14 =	rddreg [dreg:$0x6];
	[sflag:s17] =	ssyncadd.s32 $0xFFFFB000  }
0x2f: {  	[tilespmem:s20], [sflag:$0xA] =	stream.linear.gather [hbm4b:s14+s15], $0x2800, $0x38;
	[tilespmem:$0x1E800] =	vst v63  }
0x30: {  	_ =	swait.ge [sflag:s17], $0x2800  }
0x31: {  	[sflag:s17] =	ssyncset.done $0x0  }
0x32: {  	[sflag:s17] =	ssyncadd.s32 $0xFFFFD800  }
0x33: {  	[tilespmem:$0x11D00] =	vst v0  }
0x34: {  	[tilespmem:$0x11D10] =	vst v0  }
0x35: {  	[tilespmem:$0x11D20] =	vst v0  }
0x36: {  	[tilespmem:$0x11D30] =	vst v0  }
0x37: {  	[tilespmem:$0x11D40] =	vst v0  }
0x38: {  	[tilespmem:$0x11D50] =	vst v0  }
0x39: {  	[tilespmem:$0x11D60] =	vst v0  }
0x3a: {  	[tilespmem:$0x11D70] =	vst v0  }
0x3b: {  	[bflag:$0x0] =	sbarrier.arrive $0xFFFF  }
0x3c: {  	[tilespmem:s22], [sflag:$0x1] =	stream.indirect.gather [hbm4b:s11+s21], $0x40, s15, s21, $0xb8;
	[tilespmem:$0x1E800] =	vst v63  }
0x3d: {  	s15 =	simm.s32 $0x80  }
0x3e: {  	[tilespmem:s24], [sflag:$0x2] =	stream.indirect.gather [hbm4b:s11+s21], $0x40, s15, s21, $0xb8;
	[tilespmem:$0x1E800] =	vst v63  }
0x3f: {  	s16 =	simm.s32 $0x100;
	s18 =	simm.s32 $0x180  }
0x40: {  	[tilespmem:s26], [sflag:$0x3] =	stream.indirect.gather [hbm4b:s11+s21], $0x40, s16, s21, $0xb8;
	[tilespmem:$0x1E800] =	vst v63  }
0x41: {  	s9 =	simm.s32 $0x0;
	s12 =	simm.s32 $0x0;
	s13 =	simm.s32 $0x0  }
0x42: {  	[tilespmem:s29], [sflag:$0x4] =	stream.indirect.gather [hbm4b:s11+s21], $0x40, s18, s21, $0xb8;
	[tilespmem:$0x1E800] =	vst v63  }
.LBB2_2:
0x43: {  	p2 =	sgt.u32 s13, $0x13;
	s15 =	simm.s32 $0x1;
	s18 =	simm.s32 $0x1  }
0x44: {  	s15 =	simm.s32 @!p2 $0x0;
	s18 =	simm.s32 @!p1 $0x0  }
0x45: {  	p3 =	seq.s32 s18, s15  }
.Ltmp0:
0x46: {  	_ = 	snop;
	(pc) =	sbr.rel @p3 .LBB2_4-.Ltmp0, $4  }
0x47: {  	_ =	swait.ge [sflag:s30], $0x1F40  }
0x48: {  	s14 =	sshra.s32 s9, $0x2;
	[sflag:s30] =	ssyncset.done $0x0  }
0x49: {  	s16 =	sadd.s32 $0x5000, s14;
	[sflag:s30] =	ssyncadd.s32 $0xFFFFE0C0;
	s15 =	sadd.s32 s12, s10  }
0x4a: {  	[spmem:s1] =	stream.indirect.scatter.add.f32 [tilespmem:s22], [sflag:$0x5], $0x40, s16, s21, $0xb8;
	[tilespmem:$0x1E800] =	vst v63  }
0x4b: {  	[spmem:s2] =	stream.indirect.scatter.add.f32 [tilespmem:s31], [sflag:$0x9], $0x1, s16, s21, $0xb8;
	[tilespmem:$0x1E800] =	vst v63  }
0x4c: {  	v2 =	vld [tilespmem:s14+$0x5000];
	_ =	sdelay $0x6  }
0x4d: {  	v3 =	vadd.s32 s15, v1  }
0x4e: {  	[tilespmem:v2+s20+$0x0] =	vst.idx.msk $0xffff, v3  }
0x4f: {  	v2 =	vld [tilespmem:s14+$0x5010];
	_ =	sdelay $0x5  }
0x50: {  	s18 =	sadd.s32 $0x10, s15  }
0x51: {  	v3 =	vadd.s32 s18, v1  }
0x52: {  	[tilespmem:v2+s20+$0x0] =	vst.idx.msk $0xffff, v3  }
0x53: {  	v2 =	vld [tilespmem:s14+$0x5020];
	_ =	sdelay $0x5  }
0x54: {  	s18 =	sadd.s32 $0x20, s15  }
0x55: {  	v3 =	vadd.s32 s18, v1  }
0x56: {  	[tilespmem:v2+s20+$0x0] =	vst.idx.msk $0xffff, v3  }
0x57: {  	v2 =	vld [tilespmem:s14+$0x5030];
	_ =	sdelay $0x5  }
0x58: {  	s18 =	sadd.s32 $0x30, s15  }
0x59: {  	v3 =	vadd.s32 s18, v1  }
0x5a: {  	[tilespmem:v2+s20+$0x0] =	vst.idx.msk $0xffff, v3  }
0x5b: {  	v2 =	vld [tilespmem:s14+$0x5040];
	_ =	sdelay $0x5  }
0x5c: {  	s18 =	sadd.s32 $0x40, s15  }
0x5d: {  	v3 =	vadd.s32 s18, v1  }
0x5e: {  	[tilespmem:v2+s20+$0x0] =	vst.idx.msk $0xffff, v3  }
0x5f: {  	v2 =	vld [tilespmem:s14+$0x5050];
	_ =	sdelay $0x5  }
0x60: {  	s18 =	sadd.s32 $0x50, s15  }
0x61: {  	v3 =	vadd.s32 s18, v1  }
0x62: {  	[tilespmem:v2+s20+$0x0] =	vst.idx.msk $0xffff, v3  }
0x63: {  	v2 =	vld [tilespmem:s14+$0x5060];
	_ =	sdelay $0x5  }
0x64: {  	s18 =	sadd.s32 $0x60, s15  }
0x65: {  	v3 =	vadd.s32 s18, v1  }
0x66: {  	[tilespmem:v2+s20+$0x0] =	vst.idx.msk $0xffff, v3  }
0x67: {  	v2 =	vld [tilespmem:s14+$0x506D];
	_ =	sdelay $0x5  }
0x68: {  	s18 =	sadd.s32 $0x6D, s15  }
0x69: {  	v3 =	vadd.s32 s18, v1  }
0x6a: {  	[tilespmem:v2+s20+$0x0] =	vst.idx.msk $0xffff, v3  }
0x6b: {  	_ =	swait.ge [sflag:s0], $0x1F40  }
0x6c: {  	[sflag:s0] =	ssyncset.done $0x0  }
0x6d: {  	s18 =	sadd.s32 $0x5080, s14;
	[sflag:s0] =	ssyncadd.s32 $0xFFFFE0C0  }
0x6e: {  	[spmem:s1] =	stream.indirect.scatter.add.f32 [tilespmem:s24], [sflag:$0x6], $0x40, s18, s21, $0xb8;
	[tilespmem:$0x1E800] =	vst v63  }
0x6f: {  	_ = 	snop  }
0x70: {  	[spmem:s2] =	stream.indirect.scatter.add.f32 [tilespmem:s31], [sflag:$0x9], $0x1, s18, s21, $0xb8;
	[tilespmem:$0x1E800] =	vst v63  }
0x71: {  	v2 =	vld [tilespmem:s14+$0x5080];
	_ =	sdelay $0x5  }
0x72: {  	s18 =	sadd.s32 $0x7D, s15  }
0x73: {  	v3 =	vadd.s32 s18, v1  }
0x74: {  	[tilespmem:v2+s20+$0x0] =	vst.idx.msk $0xffff, v3  }
0x75: {  	v2 =	vld [tilespmem:s14+$0x5090];
	_ =	sdelay $0x5  }
0x76: {  	s18 =	sadd.s32 $0x8D, s15  }
0x77: {  	v3 =	vadd.s32 s18, v1  }
0x78: {  	[tilespmem:v2+s20+$0x0] =	vst.idx.msk $0xffff, v3  }
0x79: {  	v2 =	vld [tilespmem:s14+$0x50A0];
	_ =	sdelay $0x5  }
0x7a: {  	s18 =	sadd.s32 $0x9D, s15  }
0x7b: {  	v3 =	vadd.s32 s18, v1  }
0x7c: {  	[tilespmem:v2+s20+$0x0] =	vst.idx.msk $0xffff, v3  }
0x7d: {  	v2 =	vld [tilespmem:s14+$0x50B0];
	_ =	sdelay $0x5  }
0x7e: {  	s18 =	sadd.s32 $0xAD, s15  }
0x7f: {  	v3 =	vadd.s32 s18, v1  }
0x80: {  	[tilespmem:v2+s20+$0x0] =	vst.idx.msk $0xffff, v3  }
0x81: {  	v2 =	vld [tilespmem:s14+$0x50C0];
	_ =	sdelay $0x5  }
0x82: {  	s18 =	sadd.s32 $0xBD, s15  }
0x83: {  	v3 =	vadd.s32 s18, v1  }
0x84: {  	[tilespmem:v2+s20+$0x0] =	vst.idx.msk $0xffff, v3  }
0x85: {  	v2 =	vld [tilespmem:s14+$0x50D0];
	_ =	sdelay $0x5  }
0x86: {  	s18 =	sadd.s32 $0xCD, s15  }
0x87: {  	v3 =	vadd.s32 s18, v1  }
0x88: {  	[tilespmem:v2+s20+$0x0] =	vst.idx.msk $0xffff, v3  }
0x89: {  	v2 =	vld [tilespmem:s14+$0x50E0];
	_ =	sdelay $0x5  }
0x8a: {  	s18 =	sadd.s32 $0xDD, s15  }
0x8b: {  	v3 =	vadd.s32 s18, v1  }
0x8c: {  	[tilespmem:v2+s20+$0x0] =	vst.idx.msk $0xffff, v3  }
0x8d: {  	v2 =	vld [tilespmem:s14+$0x50ED];
	_ =	sdelay $0x3  }
.Ltmp1:
0x8e: {  	_ = 	snop;
	(pc) =	sbr.rel .LBB2_5-.Ltmp1, $4  }
0x8f: {  	_ = 	snop  }
0x90: {  	s18 =	sadd.s32 $0xEA, s15  }
0x91: {  	v3 =	vadd.s32 s18, v1  }
0x92: {  	[tilespmem:v2+s20+$0x0] =	vst.idx.msk $0xffff, v3  }
.LBB2_4:
0x93: {  	_ =	swait.ge [sflag:s0], $0x1F40  }
0x94: {  	[sflag:s0] =	ssyncset.done $0x0  }
0x95: {  	s16 =	sadd.s32 $0x5080, s14;
	[sflag:s0] =	ssyncadd.s32 $0xFFFFE0C0  }
0x96: {  	[spmem:s1] =	stream.indirect.scatter.add.f32 [tilespmem:s24], [sflag:$0x6], $0x40, s16, s21, $0xb8;
	[tilespmem:$0x1E800] =	vst v63  }
.LBB2_5:
0x97: {  	p3 =	por !p2, !p2  }
0x98: {  	p3 =	por @!p1 p2, p2  }
.Ltmp2:
0x99: {  	_ = 	snop;
	(pc) =	sbr.rel @!p3 .LBB2_7-.Ltmp2, $4  }
0x9a: {  	_ =	swait.ge [sflag:s19], $0x1F40  }
0x9b: {  	[sflag:s19] =	ssyncset.done $0x0  }
0x9c: {  	s16 =	sadd.s32 $0x5100, s14;
	[sflag:s19] =	ssyncadd.s32 $0xFFFFE0C0  }
0x9d: {  	[spmem:s1] =	stream.indirect.scatter.add.f32 [tilespmem:s26], [sflag:$0x7], $0x40, s16, s21, $0xb8;
	[tilespmem:$0x1E800] =	vst v63  }
0x9e: {  	[spmem:s2] =	stream.indirect.scatter.add.f32 [tilespmem:s31], [sflag:$0x9], $0x1, s16, s21, $0xb8;
	[tilespmem:$0x1E800] =	vst v63  }
0x9f: {  	v2 =	vld [tilespmem:s14+$0x5100];
	_ =	sdelay $0x5  }
0xa0: {  	s18 =	sadd.s32 $0xFA, s15  }
0xa1: {  	v3 =	vadd.s32 s18, v1  }
0xa2: {  	[tilespmem:v2+s20+$0x0] =	vst.idx.msk $0xffff, v3  }
0xa3: {  	v2 =	vld [tilespmem:s14+$0x5110];
	_ =	sdelay $0x5  }
0xa4: {  	s18 =	sadd.s32 $0x10A, s15  }
0xa5: {  	v3 =	vadd.s32 s18, v1  }
0xa6: {  	[tilespmem:v2+s20+$0x0] =	vst.idx.msk $0xffff, v3  }
0xa7: {  	v2 =	vld [tilespmem:s14+$0x5120];
	_ =	sdelay $0x5  }
0xa8: {  	s18 =	sadd.s32 $0x11A, s15  }
0xa9: {  	v3 =	vadd.s32 s18, v1  }
0xaa: {  	[tilespmem:v2+s20+$0x0] =	vst.idx.msk $0xffff, v3  }
0xab: {  	v2 =	vld [tilespmem:s14+$0x5130];
	_ =	sdelay $0x5  }
0xac: {  	s18 =	sadd.s32 $0x12A, s15  }
0xad: {  	v3 =	vadd.s32 s18, v1  }
0xae: {  	[tilespmem:v2+s20+$0x0] =	vst.idx.msk $0xffff, v3  }
0xaf: {  	v2 =	vld [tilespmem:s14+$0x5140];
	_ =	sdelay $0x5  }
0xb0: {  	s18 =	sadd.s32 $0x13A, s15  }
0xb1: {  	v3 =	vadd.s32 s18, v1  }
0xb2: {  	[tilespmem:v2+s20+$0x0] =	vst.idx.msk $0xffff, v3  }
0xb3: {  	v2 =	vld [tilespmem:s14+$0x5150];
	_ =	sdelay $0x5  }
0xb4: {  	s18 =	sadd.s32 $0x14A, s15  }
0xb5: {  	v3 =	vadd.s32 s18, v1  }
0xb6: {  	[tilespmem:v2+s20+$0x0] =	vst.idx.msk $0xffff, v3  }
0xb7: {  	v2 =	vld [tilespmem:s14+$0x5160];
	_ =	sdelay $0x5  }
0xb8: {  	s18 =	sadd.s32 $0x15A, s15  }
0xb9: {  	v3 =	vadd.s32 s18, v1  }
0xba: {  	[tilespmem:v2+s20+$0x0] =	vst.idx.msk $0xffff, v3  }
0xbb: {  	v2 =	vld [tilespmem:s14+$0x516D];
	_ =	sdelay $0x5  }
0xbc: {  	s18 =	sadd.s32 $0x167, s15  }
0xbd: {  	v3 =	vadd.s32 s18, v1  }
0xbe: {  	[tilespmem:v2+s20+$0x0] =	vst.idx.msk $0xffff, v3  }
0xbf: {  	_ =	swait.ge [sflag:s23], $0x1F40  }
0xc0: {  	[sflag:s23] =	ssyncset.done $0x0  }
0xc1: {  	s18 =	sadd.s32 $0x5180, s14;
	[sflag:s23] =	ssyncadd.s32 $0xFFFFE0C0  }
0xc2: {  	[spmem:s1] =	stream.indirect.scatter.add.f32 [tilespmem:s29], [sflag:$0x8], $0x40, s18, s21, $0xb8;
	[tilespmem:$0x1E800] =	vst v63  }
0xc3: {  	_ = 	snop  }
0xc4: {  	[spmem:s2] =	stream.indirect.scatter.add.f32 [tilespmem:s31], [sflag:$0x9], $0x1, s18, s21, $0xb8;
	[tilespmem:$0x1E800] =	vst v63  }
0xc5: {  	v2 =	vld [tilespmem:s14+$0x5180];
	_ =	sdelay $0x5  }
0xc6: {  	s18 =	sadd.s32 $0x177, s15  }
0xc7: {  	v3 =	vadd.s32 s18, v1  }
0xc8: {  	[tilespmem:v2+s20+$0x0] =	vst.idx.msk $0xffff, v3  }
0xc9: {  	v2 =	vld [tilespmem:s14+$0x5190];
	_ =	sdelay $0x5  }
0xca: {  	s18 =	sadd.s32 $0x187, s15  }
0xcb: {  	v3 =	vadd.s32 s18, v1  }
0xcc: {  	[tilespmem:v2+s20+$0x0] =	vst.idx.msk $0xffff, v3  }
0xcd: {  	v2 =	vld [tilespmem:s14+$0x51A0];
	_ =	sdelay $0x5  }
0xce: {  	s18 =	sadd.s32 $0x197, s15  }
0xcf: {  	v3 =	vadd.s32 s18, v1  }
0xd0: {  	[tilespmem:v2+s20+$0x0] =	vst.idx.msk $0xffff, v3  }
0xd1: {  	v2 =	vld [tilespmem:s14+$0x51B0];
	_ =	sdelay $0x5  }
0xd2: {  	s18 =	sadd.s32 $0x1A7, s15  }
0xd3: {  	v3 =	vadd.s32 s18, v1  }
0xd4: {  	[tilespmem:v2+s20+$0x0] =	vst.idx.msk $0xffff, v3  }
0xd5: {  	v2 =	vld [tilespmem:s14+$0x51C0];
	_ =	sdelay $0x5  }
0xd6: {  	s18 =	sadd.s32 $0x1B7, s15  }
0xd7: {  	v3 =	vadd.s32 s18, v1  }
0xd8: {  	[tilespmem:v2+s20+$0x0] =	vst.idx.msk $0xffff, v3  }
0xd9: {  	v2 =	vld [tilespmem:s14+$0x51D0];
	_ =	sdelay $0x5  }
0xda: {  	s18 =	sadd.s32 $0x1C7, s15  }
0xdb: {  	v3 =	vadd.s32 s18, v1  }
0xdc: {  	[tilespmem:v2+s20+$0x0] =	vst.idx.msk $0xffff, v3  }
0xdd: {  	v2 =	vld [tilespmem:s14+$0x51E0];
	_ =	sdelay $0x5  }
0xde: {  	s18 =	sadd.s32 $0x1D7, s15  }
0xdf: {  	v3 =	vadd.s32 s18, v1  }
0xe0: {  	[tilespmem:v2+s20+$0x0] =	vst.idx.msk $0xffff, v3  }
0xe1: {  	v2 =	vld [tilespmem:s14+$0x51ED];
	_ =	sdelay $0x3  }
.Ltmp3:
0xe2: {  	_ = 	snop;
	(pc) =	sbr.rel .LBB2_8-.Ltmp3, $4  }
0xe3: {  	_ = 	snop  }
0xe4: {  	s18 =	sadd.s32 $0x1E4, s15  }
0xe5: {  	v3 =	vadd.s32 s18, v1  }
0xe6: {  	[tilespmem:v2+s20+$0x0] =	vst.idx.msk $0xffff, v3  }
.LBB2_7:
0xe7: {  	_ =	swait.ge [sflag:s23], $0x1F40  }
0xe8: {  	[sflag:s23] =	ssyncset.done $0x0  }
0xe9: {  	s15 =	sadd.s32 $0x5180, s14;
	[sflag:s23] =	ssyncadd.s32 $0xFFFFE0C0  }
0xea: {  	[spmem:s1] =	stream.indirect.scatter.add.f32 [tilespmem:s29], [sflag:$0x8], $0x40, s15, s21, $0xb8;
	[tilespmem:$0x1E800] =	vst v63  }
.LBB2_8:
0xeb: {  	p2 =	seq.s32 s12, $0x4C2C  }
.Ltmp4:
0xec: {  	_ = 	snop;
	(pc) =	sbr.rel @p2 .LBB2_10-.Ltmp4, $4  }
0xed: {  	_ = 	snop  }
0xee: {  	_ =	swait.ge [sflag:s25], $0x1F40  }
0xef: {  	[sflag:s25] =	ssyncset.done $0x0  }
0xf0: {  	[sflag:s25] =	ssyncadd.s32 $0xFFFFE0C0  }
0xf1: {  	s15 =	sadd.s32 $0x200, s14  }
0xf2: {  	[tilespmem:s22], [sflag:$0x1] =	stream.indirect.gather [hbm4b:s11+s21], $0x40, s15, s21, $0xb8;
	[tilespmem:$0x1E800] =	vst v63  }
0xf3: {  	_ =	swait.ge [sflag:s28], $0x1F40  }
0xf4: {  	[sflag:s28] =	ssyncset.done $0x0  }
0xf5: {  	s18 =	sadd.s32 $0x280, s14;
	[sflag:s28] =	ssyncadd.s32 $0xFFFFE0C0  }
0xf6: {  	[tilespmem:s24], [sflag:$0x2] =	stream.indirect.gather [hbm4b:s11+s21], $0x40, s18, s21, $0xb8;
	[tilespmem:$0x1E800] =	vst v63  }
0xf7: {  	_ =	swait.ge [sflag:s4], $0x1F40  }
0xf8: {  	[sflag:s4] =	ssyncset.done $0x0  }
0xf9: {  	s16 =	sadd.s32 $0x300, s14;
	[sflag:s4] =	ssyncadd.s32 $0xFFFFE0C0  }
0xfa: {  	[tilespmem:s26], [sflag:$0x3] =	stream.indirect.gather [hbm4b:s11+s21], $0x40, s16, s21, $0xb8;
	[tilespmem:$0x1E800] =	vst v63  }
.Ltmp5:
0xfb: {  	_ = 	snop;
	(pc) =	sbr.rel .LBB2_2-.Ltmp5, $4  }
0xfc: {  	_ =	swait.ge [sflag:s5], $0x1F40  }
0xfd: {  	s13 =	sadd.s32 $0x1, s13;
	s12 =	sadd.s32 $0x1F4, s12;
	[sflag:s5] =	ssyncset.done $0x0  }
0xfe: {  	s9 =	sadd.s32 $0x800, s9;
	s18 =	sadd.s32 $0x380, s14;
	[sflag:s5] =	ssyncadd.s32 $0xFFFFE0C0  }
0xff: {  	[tilespmem:s29], [sflag:$0x4] =	stream.indirect.gather [hbm4b:s11+s21], $0x40, s18, s21, $0xb8;
	[tilespmem:$0x1E800] =	vst v63  }
.LBB2_10:
0x100: {  	_ =	swait.ge [sflag:s28], $0x1F40  }
0x101: {  	[sflag:s28] =	ssyncset.done $0x0  }
0x102: {  	[sflag:s28] =	ssyncadd.s32 $0xFFFFE0C0  }
0x103: {  	_ =	swait.ge [sflag:s4], $0x1F40  }
0x104: {  	[sflag:s4] =	ssyncset.done $0x0  }
0x105: {  	[sflag:s4] =	ssyncadd.s32 $0xFFFFE0C0  }
0x106: {  	_ =	swait.ge [sflag:s5], $0x1F40  }
0x107: {  	[sflag:s5] =	ssyncset.done $0x0  }
0x108: {  	[sflag:s5] =	ssyncadd.s32 $0xFFFFE0C0  }
0x109: {  	_ =	swait.ge [sflag:s6], $0x7D  }
0x10a: {  	s9 =	simm.s32 $0x4F;
	[sflag:s6] =	ssyncset.done $0x0  }
.LBB2_11:
0x10b: {  	p2 =	sne.s32 s9, $0x1;
	s9 =	sadd.s32 $0xFFFFFFFF, s9;
	[sflag:s6] =	ssyncadd.s32 $0xFFFFFF83  }
.Ltmp6:
0x10c: {  	(pc) =	sbr.rel @p2 .LBB2_11-.Ltmp6, $3  }
0x10d: {  	_ =	sdelay $0x1  }
0x10e: {  	_ =	swait.ge [sflag:s6], $0x7D  }
0x10f: {  	[sflag:s6] =	ssyncset.done $0x0  }
0x110: {  	[sflag:s6] =	ssyncadd.s32 $0xFFFFFF83;
	s9 =	rddreg [dreg:$0xa];
	s15 =	simm.s32 $0x0  }
0x111: {  	[hbm4b:s9+s15] =	stream.linear.scatter [tilespmem:s20], [sflag:$0xA], $0x2800, $0x38;
	[tilespmem:$0x1E800] =	vst v63  }
0x112: {  	_ =	swait.ge [sflag:s17], $0x2800  }
0x113: {  	[sflag:s17] =	ssyncset.done $0x0  }
0x114: {  	[sflag:s17] =	ssyncadd.s32 $0xFFFFD800  }
0x115: {  	[bflag:$0x0] =	sbarrier.arrive $0xFFFF  }
0x116: {  	s18 =	rddreg [dreg:$0xb]  }
0x117: {  	[hbm:s18], [sflag:s7] =	dma.local [spmem:s3], $0x1400  }
0x118: {  	_ =	swait.ge [sflag:s17], $0x1400  }
0x119: {  	[sflag:s17] =	ssyncset.done $0x0;
	s9 =	rddreg [dreg:$0xc]  }
0x11a: {  	s14 =	rddreg [dreg:$0xe];
	[sflag:s17] =	ssyncadd.s32 $0xFFFFEC00  }
0x11b: {  	[hbm:s9], [sflag:s7] =	dma.local @!p0 [spmem:s14], $0x500  }
0x11c: {  	s9 =	simm.s32 @!p0 $0xA  }
0x11d: {  	_ =	swait.ge @!p0 [sflag:s9], $0x500  }
0x11e: {  	s8 =	sadd.s32 $0x1, s8;
	s12 =	rddreg [dreg:$0xd]  }
0x11f: {  	p2 =	sne.s32 s8, s12  }
.Ltmp7:
0x120: {  	_ = 	snop;
	(pc) =	sbr.rel @p2 .LBB2_1-.Ltmp7, $3  }
0x121: {  	_ =	sdelay $0x1  }
0x122: {  	[sflag:s9] =	ssyncset.done @!p0 $0x0  }
0x123: {  	s13 =	smov.u32 s3;
	[sflag:s9] =	ssyncadd.s32 @!p0 $0xFFFFFB00  }
0x124: {  	_ =	sfence.sel $0x180000  }
0x125: {  	[bflag:$0x0] =	sbarrier.arrive $0xFFFF  }
0x126: {  	_ =	strace $0x90000047  }
0x127: {  	[bflag:$0x2] =	sbarrier.arrive $0xFFFF  }
0x128: {  	s0 =	rddreg [dreg:$0x4]  }
0x129: {  	s0 =	sadd.s32 @!p0 $0x100000, s0  }
0x12a: {  	[sflag:s0] =	ssyncadd.tile.s32 @!p0 $0x1;
	_ =	shalt  }
.Lfunc_end2:
_tile_overlayer_lowered:
.L_overlay_start_2:
0x12b: {  	(tag) =	ssettag $0x2  }
0x12c: {  	s0 =	rddreg [dreg:$0x0];
	s2 =	stileid.u32  }
0x12d: {  	s1 =	rddreg [dreg:$0x1];
	p0 =	sne.s32 s2, $0x0  }
0x12e: {  	s3 =	rddreg [dreg:$0x2];
	[bflag:$0x3] =	sbarrier.arrive $0xFFFF;
	s2 =	simm.s32 @!p0 $0x1C0A  }
0x12f: {  	[timem:s3], [sflag:s2] =	dma.local @!p0 [hbm:s0], s1  }
0x130: {  	s0 =	simm.s32 @!p0 $0xA  }
0x131: {  	_ =	swait.ge @!p0 [sflag:s0], s1  }
0x132: {  	s1 =	ssub.s32 @!p0 $0x0, s1;
	[sflag:s0] =	ssyncset.done @!p0 $0x0  }
0x133: {  	[sflag:s0] =	ssyncadd.s32 @!p0 s1  }
0x134: {  	[bflag:$0x3] =	sbarrier.arrive $0xFFFF  }
0x135: {  	_ =	shalt  }

// kernel: kernel.9.cloned.1.call-start
scs
__scs_entry_jumppad:
0x0: {  	(pc) =	sbr.rel $0x88, $3  }
0x1: {  	(tag) =	ssettag $0x0;
	lr =	simm.s32 $0x1  }
0x2: {  	[smem:$0x3F91] =	sst lr;
	_ =	strace $0xD0000000  }
0x3: {  	_ = 	snop  }
0x4: {  	_ = 	snop  }
0x5: {  	_ = 	snop  }
0x6: {  	_ = 	snop  }
0x7: {  	_ = 	snop  }
__scs_overlays_trampoline_lowered:
0x8: {  	[smem:$0x3FA0] =	sst s0  }
0x9: {  	[smem:$0x3FA1] =	sst s1  }
0xa: {  	[smem:$0x3FA2] =	sst s2  }
0xb: {  	[smem:$0x3FA3] =	sst s3  }
0xc: {  	[smem:$0x3FA4] =	sst s4  }
0xd: {  	[smem:$0x3FA5] =	sst s5  }
0xe: {  	[smem:$0x3FA6] =	sst s6  }
0xf: {  	[smem:$0x3FA7] =	sst s7  }
0x10: {  	[smem:$0x3FA8] =	sst s8  }
0x11: {  	[smem:$0x3FA9] =	sst s9;
	s0 =	simm.s32 @!p0 $0x0  }
0x12: {  	s1 =	sld [smem:$0x3F8F];
	s0 =	simm.s32 @p0 $0x1  }
0x13: {  	[smem:$0x3FAA] =	sst s0;
	s0 =	simm.s32 @!p1 $0x0  }
0x14: {  	s2 =	sld [smem:$0x3F8E];
	s0 =	simm.s32 @p1 $0x1  }
0x15: {  	[smem:$0x3FAB] =	sst s0;
	s0 =	simm.s32 @!p2 $0x0  }
0x16: {  	s3 =	sld [smem:$0x3FDB];
	s0 =	simm.s32 @p2 $0x1  }
0x17: {  	s4 =	simm.s32 $0x1BF5;
	[smem:$0x3FAD] =	sst s0  }
0x18: {  	s0 =	sld [smem:$0x3F90];
	_ =	swait.ge [sflag:s4], $0x0  }
0x19: {  	s7 =	sld [smem:$0x3F91]  }
0x1a: {  	s8 =	sadd.s32 $0xFFFFE003, lr  }
0x1b: {  	s9 =	sadd.s32 $0xFFFFFEF7, lr;
	s5 =	simm.s32 $0xFFFFFFFF;
	p2 =	slt.u32 s8, $0xFFFFF086  }
0x1c: {  	p1 =	slt.u32 s9, $0xF7A;
	s5 =	simm.s32 @!p2 $0x0  }
0x1d: {  	s5 =	simm.s32 @p1 $0x1;
	p0 =	seq.s32 s7, s2  }
0x1e: {  	s7 =	smul.u32 @!p0 $0xF7A, s2;
	p2 =	seq.s32 @!p0 s5, $0x0  }
0x1f: {  	s9 =	smul.u32 $0xF7A, s1;
	s8 =	simm.s32 @!p0 $0x1BF5;
	p2 =	por !p2, p0  }
0x20: {  	[sflag:s8] =	ssyncset.s32 @!p0 $0xFFFFF086;
	s6 =	sadd.s32 @!p0 s3, s7;
	s7 =	simm.s32 @!p0 $0x108  }
0x21: {  	s3 =	sadd.s32 s3, s9;
	s6 =	sadd.s32 @!p0 $0x88, s6;
	s7 =	simm.s32 @p2 $0x1082  }
0x22: {  	[simem:s7], [sflag:s8] =	dma.local @!p0 [hbm:s6], $0xF7A  }
0x23: {  	s9 =	sor.u32 $0xD0000000, s2;
	s6 =	simm.s32 $0x108;
	_ =	swait.ge @!p0 [sflag:s8], $0x0  }
0x24: {  	s3 =	sadd.s32 $0x88, s3;
	s6 =	simm.s32 @!p1 $0x1082;
	[sflag:s4] =	ssyncset.s32 $0xFFFFF086  }
0x25: {  	[simem:s6], [sflag:s4] =	dma.local [hbm:s3], $0xF7A  }
0x26: {  	[smem:$0x3F91] =	sst s1;
	(tag) =	ssettag s2;
	_ =	strace s9  }
0x27: {  	s1 =	sld [smem:$0x3FA1]  }
0x28: {  	s2 =	sld [smem:$0x3FA2]  }
0x29: {  	s4 =	sld [smem:$0x3FA4]  }
0x2a: {  	p0 =	seq.s32 s5, $0x0;
	s5 =	sld [smem:$0x3FA5]  }
0x2b: {  	s6 =	sld [smem:$0x3FA6]  }
0x2c: {  	s7 =	sld [smem:$0x3FA7]  }
0x2d: {  	s3 =	simm.s32 $0x108;
	s8 =	sld [smem:$0x3FA8]  }
0x2e: {  	s3 =	simm.s32 @!p0 $0x1082;
	s9 =	sld [smem:$0x3FA9]  }
0x2f: {  	lr =	sadd.s32 s0, s3;
	s0 =	sld [smem:$0x3FA0]  }
0x30: {  	s3 =	sld [smem:$0x3FA3]  }
0x31: {  	[smem:$0x3FAC] =	sst s10  }
0x32: {  	s10 =	sld [smem:$0x3FAA];
	_ =	sdelay $0x3  }
0x33: {  	p0 =	seq.s32 s10, $0x1;
	s10 =	sld [smem:$0x3FAC];
	_ =	sdelay $0x3  }
0x34: {  	[smem:$0x3FAC] =	sst s10  }
0x35: {  	s10 =	sld [smem:$0x3FAB];
	_ =	sdelay $0x3  }
0x36: {  	p1 =	seq.s32 s10, $0x1;
	s10 =	sld [smem:$0x3FAC];
	_ =	sdelay $0x3  }
0x37: {  	[smem:$0x3FAC] =	sst s10  }
0x38: {  	s10 =	sld [smem:$0x3FAD]  }
0x39: {  	_ = 	snop;
	(pc) =	sbr.ind lr, $3  }
0x3a: {  	_ = 	snop  }
0x3b: {  	_ = 	snop  }
0x3c: {  	p2 =	seq.s32 s10, $0x1;
	s10 =	sld [smem:$0x3FAC]  }
0x3d: {  	_ =	shalt  }
0x3e: {  	_ =	shalt  }
0x3f: {  	_ =	shalt  }
0x40: {  	_ =	shalt  }
0x41: {  	_ =	shalt  }
0x42: {  	_ =	shalt  }
0x43: {  	_ =	shalt  }
0x44: {  	_ =	shalt  }
0x45: {  	_ =	shalt  }
0x46: {  	_ =	shalt  }
0x47: {  	_ =	shalt  }
0x48: {  	_ =	shalt  }
0x49: {  	_ =	shalt  }
0x4a: {  	_ =	shalt  }
0x4b: {  	_ =	shalt  }
0x4c: {  	_ =	shalt  }
0x4d: {  	_ =	shalt  }
0x4e: {  	_ =	shalt  }
0x4f: {  	_ =	shalt  }
0x50: {  	_ =	shalt  }
0x51: {  	_ =	shalt  }
0x52: {  	_ =	shalt  }
0x53: {  	_ =	shalt  }
0x54: {  	_ =	shalt  }
0x55: {  	_ =	shalt  }
0x56: {  	_ =	shalt  }
0x57: {  	_ =	shalt  }
0x58: {  	_ =	shalt  }
0x59: {  	_ =	shalt  }
0x5a: {  	_ =	shalt  }
0x5b: {  	_ =	shalt  }
0x5c: {  	_ =	shalt  }
0x5d: {  	_ =	shalt  }
0x5e: {  	_ =	shalt  }
0x5f: {  	_ =	shalt  }
0x60: {  	_ =	shalt  }
0x61: {  	_ =	shalt  }
0x62: {  	_ =	shalt  }
0x63: {  	_ =	shalt  }
0x64: {  	_ =	shalt  }
0x65: {  	_ =	shalt  }
0x66: {  	_ =	shalt  }
0x67: {  	_ =	shalt  }
0x68: {  	_ =	shalt  }
0x69: {  	_ =	shalt  }
0x6a: {  	_ =	shalt  }
0x6b: {  	_ =	shalt  }
0x6c: {  	_ =	shalt  }
0x6d: {  	_ =	shalt  }
0x6e: {  	_ =	shalt  }
0x6f: {  	_ =	shalt  }
0x70: {  	_ =	shalt  }
0x71: {  	_ =	shalt  }
0x72: {  	_ =	shalt  }
0x73: {  	_ =	shalt  }
0x74: {  	_ =	shalt  }
0x75: {  	_ =	shalt  }
0x76: {  	_ =	shalt  }
0x77: {  	_ =	shalt  }
0x78: {  	_ =	shalt  }
0x79: {  	_ =	shalt  }
0x7a: {  	_ =	shalt  }
0x7b: {  	_ =	shalt  }
0x7c: {  	_ =	shalt  }
0x7d: {  	_ =	shalt  }
0x7e: {  	_ =	shalt  }
0x7f: {  	_ =	shalt  }
0x80: {  	_ =	shalt  }
0x81: {  	_ =	shalt  }
0x82: {  	_ =	shalt  }
0x83: {  	_ =	shalt  }
0x84: {  	_ =	shalt  }
0x85: {  	_ =	shalt  }
0x86: {  	_ =	shalt  }
0x87: {  	_ =	shalt  }
.Lfunc_end0:
.L_simem_size_0:
called_computation.1_lowered:
.L_overlay_start_0:
0x88: {  	s2 =	sld [smem:$0x3FD9]  }
0x89: {  	s3 =	sld [smem:$0x3FFE];
	_ =	sdelay $0x1  }
0x8a: {  	s1 =	srdreg.scid  }
0x8b: {  	s0 =	sand.u32 $0x1, s1  }
0x8c: {  	s17 =	sshll.u32 s0, $0xA;
	s2 =	sadd.s32 s3, s2  }
0x8d: {  	s2 =	sadd.s32 s2, s17  }
0x8e: {  	[smem:$0x3FB8] =	sst s2  }
0x8f: {  	_ = 	snop  }
0x90: {  	s2 =	sld [smem:$0x3FD0];
	(tm) =	ssettm $0x1  }
0x91: {  	s18 =	sld [smem:$0x3FFB];
	_ =	sdelay $0x3  }
0x92: {  	_ =	strace s18  }
0x93: {  	s3 =	sld [smem:$0x3FFC];
	_ =	sdelay $0x3  }
0x94: {  	_ =	strace s3  }
0x95: {  	s3 =	sld [smem:$0x3FFD];
	_ =	sdelay $0x3  }
0x96: {  	_ =	strace s3  }
0x97: {  	_ =	strace $0x8FFFFFFF  }
0x98: {  	s19 =	sld [smem:$0x3FDB];
	_ =	sdelay $0x1  }
0x99: {  	s4 =	simm.s32 $_scs_section_size  }
0x9a: {  	s5 =	simm.s32 $_size__tile_overlayer_lowered;
	s6 =	simm.s32 $_tile_overlayer_lowered  }
0x9b: {  	s22 =	simm.s32 $0x1BFF;
	s21 =	sshll.u32 s6, $0x1;
	s3 =	sadd.s32 s4, s19  }
0x9c: {  	s7 =	simm.s32 $0x0;
	s20 =	sshll.u32 s5, $0x1;
	s5 =	sadd.s32 s21, s3  }
0x9d: {  	[timem:s7], [sflag:s22] =	dma.local [hbm:s5], s20  }
0x9e: {  	_ =	swait.ge [sflag:s22], s20  }
0x9f: {  	s4 =	ssub.s32 $0x0, s20;
	[sflag:s22] =	ssyncset.done $0x0  }
0xa0: {  	[sflag:s22] =	ssyncadd.s32 s4;
	_ =	sdelay $0x1  }
0xa1: {  	s23 =	simm.s32 $0x1B8B  }
0xa2: {  	_ =	swait.ge [sflag:s23], $0x1  }
0xa3: {  	[sflag:s23] =	ssyncset.done $0x0  }
0xa4: {  	s25 =	simm.s32 $0x1B8E;
	s24 =	sld [smem:$0x3FFE];
	[sflag:s23] =	ssyncadd.s32 $0xFFFFFFFF  }
0xa5: {  	s26 =	simm.s32 $execute0_lowered;
	[smem:$0x3FD2] =	sst s25  }
0xa6: {  	s5 =	sshll.u32 s26, $0x1;
	_ =	strace $0x80000049;
	[dreg:$0x1] =	wrdreg $0xFFFFFFFF  }
0xa7: {  	s28 =	simm.s32 $_size_execute0_lowered;
	s3 =	sadd.s32 s3, s5;
	[dreg:$0x0] =	wrdreg $0x0  }
0xa8: {  	s5 =	sshll.u32 s28, $0x1;
	[dreg:$0x2] =	wrdreg s3  }
0xa9: {  	[dreg:$0x3] =	wrdreg s5  }
0xaa: {  	[dreg:$0x4] =	wrdreg $0xC0  }
0xab: {  	_ =	task [dreg:s7], $0x5FFFF  }
0xac: {  	[dreg:$0x1] =	wrdreg $0xFFFFFFFF  }
0xad: {  	[dreg:$0x0] =	wrdreg $0x60  }
0xae: {  	[dreg:$0x2] =	wrdreg s24  }
0xaf: {  	[dreg:$0x3] =	wrdreg s2  }
0xb0: {  	[dreg:$0x4] =	wrdreg $0x9  }
0xb1: {  	_ =	task.clear_ibuf [dreg:s7], $0x5FFFF;
	_ =	strace $0x90000049  }
0xb2: {  	s29 =	simm.s32 $0x9;
	_ =	strace $0x8000004B  }
0xb3: {  	_ =	swait.ge [sflag:s29], $0x1  }
0xb4: {  	[sflag:s29] =	ssyncadd.s32 $0xFFFFFFFF  }
0xb5: {  	_ =	strace $0x9000004B  }
0xb6: {  	_ =	sfence  }
0xb7: {  	s30 =	sld [smem:$0x0];
	_ =	sdelay $0x2  }
0xb8: {  	s31 =	sshll.u32 s1, $0xD;
	s1 =	sshrl.u32 s1, $0x2  }
0xb9: {  	s3 =	sand.u32 $0x4000, s31;
	s1 =	sadd.s32 s1, s30  }
0xba: {  	s0 =	sor.u32 s3, s0;
	s1 =	sshll.u32 s1, $0x11  }
0xbb: {  	s0 =	sor.u32 s1, s0  }
0xbc: {  	s0 =	sadd.s32 $0x8F2B, s0  }
0xbd: {  	[sflag:s0] =	ssyncadd.remote.s32 $0x1  }
0xbe: {  	_ =	sfence.sel $0xFFFF  }
0xbf: {  	[dreg:$0x0] =	wrdreg $0xFFFFFFFF;
	(pc) =	sbr.abs _section_cstart, $3  }
0xc0: {  	[dreg:$0x1] =	wrdreg $0xFFFFFFFF  }
0xc1: {  	_ =	task.clear_ibuf [dreg:s7], $0x2FFFF;
	_ =	strace $0x9FFFFFFF  }
0xc2: {  	(tm) =	ssettm $0x7FFFFFFF  }
0xc3: {  	_ =	shalt  }
tec
execute0_lowered:
.L_overlay_start_1:
0x0: {  	(tag) =	ssettag $0x1  }
0x1: {  	s4 =	rddreg [dreg:$0x0]  }
0x2: {  	s0 =	srdreg.scid;
	s6 =	rddreg [dreg:$0x1]  }
0x3: {  	s1 =	stileid.u32;
	s2 =	simm.s32 $0x0;
	s11 =	simm.s32 $0x2940  }
0x4: {  	s12 =	simm.s32 $0x50;
	s13 =	simm.s32 $0x2A80;
	s14 =	simm.s32 $0x1  }
0x5: {  	s15 =	simm.s32 $0x2850;
	s16 =	simm.s32 $0x2F80;
	s17 =	simm.s32 $0x28A0  }
0x6: {  	s18 =	simm.s32 $0x3480;
	s19 =	simm.s32 $0x28F0;
	s3 =	sand.u32 $0x1, s0  }
0x7: {  	s20 =	simm.s32 $0x3980;
	s0 =	rddreg [dreg:$0x2];
	s5 =	sshll.u32 s3, $0x4  }
0x8: {  	s21 =	simm.s32 $0x0;
	[smem:$0x7FF] =	sst s2;
	s5 =	sor.u32 s1, s5  }
0x9: {  	s8 =	ssub.s32 $0x2, s3;
	_ =	strace $0x8000004A;
	s7 =	smul.u32 $0x28, s5  }
0xa: {  	s3 =	sadd.s32 $0x542C00, s4;
	s9 =	sshrl.u32 s8, $0x1;
	s10 =	smul.u32 $0x280, s5  }
0xb: {  	s31 =	ssub.s32 s8, s9;
	s8 =	simm.s32 $0x140;
	s9 =	simm.s32 $0x2800  }
0xc: {  	s30 =	sadd.s32 s7, s4;
	s6 =	sadd.s32 s6, s10;
	s7 =	smax.u32 s31, $0x1  }
0xd: {  	v0 =	vimm.f32 $0.0e+00;
	s10 =	simm.s32 $0x2;
	s4 =	sadd.s32 $0x56C00, s30;
	s5 =	sadd.s32 $0x5600, s30  }
.LBB2_1:
0xe: {  	[tilespmem:s2], [sflag:$0x2] =	stream.strided.gather [hbm4b:s4+s8], $0x2800, s9, s8, $0x38;
	[tilespmem:$0x3E80] =	vst v63  }
0xf: {  	_ =	swait.ge [sflag:s10], $0x2800  }
0x10: {  	[sflag:s10] =	ssyncset.done $0x0  }
0x11: {  	s23 =	simm.s32 $0x0;
	[sflag:s10] =	ssyncadd.s32 $0xFFFFD800  }
0x12: {  	v1 =	vld [tilespmem:s23+$0x0]  }
0x13: {  	v2 =	vld [tilespmem:s23+$0x140];
	_ =	sdelay $0x1  }
0x14: {  	v3 =	vld [tilespmem:s23+$0x280];
	_ =	sdelay $0x1  }
0x15: {  	v4 =	vld [tilespmem:s23+$0x3C0]  }
0x16: {  	vm0 =	vgt.s32 v1, v2  }
0x17: {  	v1 =	vsel vm0, v1, v2;
	v2 =	vld [tilespmem:s23+$0x500]  }
0x18: {  	vm0 =	vgt.s32 v1, v3  }
0x19: {  	v1 =	vsel vm0, v1, v3;
	v3 =	vld [tilespmem:s23+$0x640]  }
0x1a: {  	vm0 =	vgt.s32 v1, v4  }
0x1b: {  	v1 =	vsel vm0, v1, v4;
	v4 =	vld [tilespmem:s23+$0x780]  }
0x1c: {  	vm0 =	vgt.s32 v1, v2  }
0x1d: {  	v1 =	vsel vm0, v1, v2;
	v2 =	vld [tilespmem:s23+$0x8C0]  }
0x1e: {  	vm0 =	vgt.s32 v1, v3  }
0x1f: {  	v1 =	vsel vm0, v1, v3;
	v3 =	vld [tilespmem:s23+$0xA00]  }
0x20: {  	vm0 =	vgt.s32 v1, v4  }
0x21: {  	v1 =	vsel vm0, v1, v4;
	v4 =	vld [tilespmem:s23+$0xB40]  }
0x22: {  	vm0 =	vgt.s32 v1, v2  }
0x23: {  	v1 =	vsel vm0, v1, v2;
	v2 =	vld [tilespmem:s23+$0xC80]  }
0x24: {  	vm0 =	vgt.s32 v1, v3  }
0x25: {  	v1 =	vsel vm0, v1, v3;
	v3 =	vld [tilespmem:s23+$0xDC0]  }
0x26: {  	vm0 =	vgt.s32 v1, v4  }
0x27: {  	v1 =	vsel vm0, v1, v4;
	v4 =	vld [tilespmem:s23+$0xF00]  }
0x28: {  	vm0 =	vgt.s32 v1, v2  }
0x29: {  	v1 =	vsel vm0, v1, v2;
	v2 =	vld [tilespmem:s23+$0x1040]  }
0x2a: {  	vm0 =	vgt.s32 v1, v3  }
0x2b: {  	v1 =	vsel vm0, v1, v3;
	v3 =	vld [tilespmem:s23+$0x1180]  }
0x2c: {  	vm0 =	vgt.s32 v1, v4  }
0x2d: {  	v1 =	vsel vm0, v1, v4;
	v4 =	vld [tilespmem:s23+$0x12C0]  }
0x2e: {  	v5 =	vld [tilespmem:s23+$0x1540];
	vm0 =	vgt.s32 v1, v2  }
0x2f: {  	s22 =	simm.s32 $0x10;
	v1 =	vsel vm0, v1, v2;
	v2 =	vld [tilespmem:s23+$0x1400]  }
0x30: {  	v6 =	vld [tilespmem:s22+$0x0];
	vm0 =	vgt.s32 v1, v3  }
0x31: {  	v7 =	vld [tilespmem:s22+$0x140];
	v1 =	vsel vm0, v1, v3  }
0x32: {  	v8 =	vld [tilespmem:s22+$0x280];
	vm0 =	vgt.s32 v1, v4  }
0x33: {  	v3 =	vld [tilespmem:s23+$0x1680];
	v1 =	vsel vm0, v1, v4  }
0x34: {  	v9 =	vld [tilespmem:s22+$0x3C0];
	vm0 =	vgt.s32 v1, v2  }
0x35: {  	v4 =	vld [tilespmem:s23+$0x17C0];
	v1 =	vsel vm0, v1, v2  }
0x36: {  	vm0 =	vgt.s32 v6, v7;
	v2 =	vld [tilespmem:s23+$0x1900];
	vm1 =	vgt.s32 v1, v5  }
0x37: {  	v6 =	vsel vm0, v6, v7;
	v7 =	vld [tilespmem:s22+$0x500];
	v1 =	vsel vm1, v1, v5  }
0x38: {  	vm0 =	vgt.s32 v6, v8;
	v5 =	vld [tilespmem:s23+$0x1A40];
	vm1 =	vgt.s32 v1, v3  }
0x39: {  	v6 =	vsel vm0, v6, v8;
	v8 =	vld [tilespmem:s22+$0x640];
	v1 =	vsel vm1, v1, v3  }
0x3a: {  	vm0 =	vgt.s32 v6, v9;
	v3 =	vld [tilespmem:s23+$0x1B80];
	vm1 =	vgt.s32 v1, v4  }
0x3b: {  	v6 =	vsel vm0, v6, v9;
	v9 =	vld [tilespmem:s22+$0x780];
	v1 =	vsel vm1, v1, v4  }
0x3c: {  	vm0 =	vgt.s32 v6, v7;
	v4 =	vld [tilespmem:s23+$0x1CC0];
	vm1 =	vgt.s32 v1, v2  }
0x3d: {  	v6 =	vsel vm0, v6, v7;
	v7 =	vld [tilespmem:s22+$0x8C0];
	v1 =	vsel vm1, v1, v2  }
0x3e: {  	vm0 =	vgt.s32 v6, v8;
	v2 =	vld [tilespmem:s23+$0x1E00];
	vm1 =	vgt.s32 v1, v5  }
0x3f: {  	v6 =	vsel vm0, v6, v8;
	v8 =	vld [tilespmem:s22+$0xA00];
	v1 =	vsel vm1, v1, v5  }
0x40: {  	vm0 =	vgt.s32 v6, v9;
	v5 =	vld [tilespmem:s23+$0x1F40];
	vm1 =	vgt.s32 v1, v3  }
0x41: {  	v6 =	vsel vm0, v6, v9;
	v9 =	vld [tilespmem:s22+$0xB40];
	v1 =	vsel vm1, v1, v3  }
0x42: {  	vm0 =	vgt.s32 v6, v7;
	v3 =	vld [tilespmem:s23+$0x2080];
	vm1 =	vgt.s32 v1, v4  }
0x43: {  	v6 =	vsel vm0, v6, v7;
	v7 =	vld [tilespmem:s22+$0xC80];
	v1 =	vsel vm1, v1, v4  }
0x44: {  	vm0 =	vgt.s32 v6, v8;
	v4 =	vld [tilespmem:s23+$0x21C0];
	vm1 =	vgt.s32 v1, v2  }
0x45: {  	v6 =	vsel vm0, v6, v8;
	v8 =	vld [tilespmem:s22+$0xDC0];
	v1 =	vsel vm1, v1, v2  }
0x46: {  	vm0 =	vgt.s32 v6, v9;
	v2 =	vld [tilespmem:s23+$0x2300];
	vm1 =	vgt.s32 v1, v5  }
0x47: {  	v6 =	vsel vm0, v6, v9;
	v9 =	vld [tilespmem:s22+$0xF00];
	v1 =	vsel vm1, v1, v5  }
0x48: {  	v10 =	vld [tilespmem:s23+$0x2440];
	vm0 =	vgt.s32 v6, v7;
	vm1 =	vgt.s32 v1, v3  }
0x49: {  	v5 =	vsel vm0, v6, v7;
	v7 =	vld [tilespmem:s22+$0x1040];
	v1 =	vsel vm1, v1, v3  }
0x4a: {  	vm0 =	vgt.s32 v5, v8;
	v3 =	vld [tilespmem:s23+$0x2580];
	vm1 =	vgt.s32 v1, v4  }
0x4b: {  	v6 =	vsel vm0, v5, v8;
	v5 =	vld [tilespmem:s22+$0x1180];
	v1 =	vsel vm1, v1, v4  }
0x4c: {  	vm0 =	vgt.s32 v6, v9;
	v4 =	vld [tilespmem:s23+$0x26C0];
	vm1 =	vgt.s32 v1, v2  }
0x4d: {  	v8 =	vsel vm0, v6, v9;
	v6 =	vld [tilespmem:s22+$0x12C0];
	v2 =	vsel vm1, v1, v2  }
0x4e: {  	vm0 =	vgt.s32 v8, v7;
	v1 =	vld [tilespmem:s22+$0x1540];
	vm1 =	vgt.s32 v2, v10  }
0x4f: {  	s24 =	simm.s32 $0x20;
	v8 =	vsel vm0, v8, v7;
	v7 =	vld [tilespmem:s22+$0x1400];
	v9 =	vsel vm1, v2, v10  }
0x50: {  	s25 =	simm.s32 $0xC0;
	v2 =	vld [tilespmem:s24+$0x0];
	vm0 =	vgt.s32 v8, v5;
	vm1 =	vgt.s32 v9, v3  }
.LBB2_2:
0x51: {  	p0 =	sne.s32 s25, $0x4C0;
	v10 =	vld [tilespmem:s24+$0x140];
	v5 =	vsel vm0, v8, v5;
	v3 =	vsel vm1, v9, v3  }
0x52: {  	vm0 =	vgt.s32 v5, v6;
	v8 =	vld [tilespmem:s22+$0x1680];
	vm1 =	vgt.s32 v3, v4  }
0x53: {  	v9 =	vld [tilespmem:s24+$0x280];
	v5 =	vsel vm0, v5, v6;
	v3 =	vsel vm1, v3, v4  }
0x54: {  	vm0 =	vgt.s32 v5, v7;
	v4 =	vld [tilespmem:s22+$0x17C0];
	vm1 =	vgt.s32 v3, $0x0;
	vm2 =	vgt.s32 v3, $0xFFFFFFFF  }
0x55: {  	v6 =	vld [tilespmem:s24+$0x3C0];
	v5 =	vsel vm0, v5, v7;
	v3 =	vnsel vm1, $0x0, v3;
	v7 =	vsel vm2, $0x3F800000, v0  }
0x56: {  	vm0 =	vgt.s32 v2, v10;
	vm1 =	vgt.s32 v5, v1;
	v11 =	vld [tilespmem:s22+$0x1900];
	[tilespmem:s23+$0x2940] =	vst v7  }
0x57: {  	v2 =	vsel vm0, v2, v10;
	v7 =	vld [tilespmem:s24+$0x500];
	v1 =	vsel vm1, v5, v1;
	[tilespmem:s23+$0x2800] =	vst v3;
	s23 =	smov.u32 s22;
	s22 =	smov.u32 s24  }
0x58: {  	vm0 =	vgt.s32 v2, v9;
	vm1 =	vgt.s32 v1, v8;
	v3 =	vld [tilespmem:s23+$0x1A40]  }
0x59: {  	v2 =	vsel vm0, v2, v9;
	v5 =	vld [tilespmem:s22+$0x640];
	v1 =	vsel vm1, v1, v8  }
0x5a: {  	vm0 =	vgt.s32 v2, v6;
	vm1 =	vgt.s32 v1, v4;
	v8 =	vld [tilespmem:s23+$0x1B80]  }
0x5b: {  	v2 =	vsel vm0, v2, v6;
	v6 =	vld [tilespmem:s22+$0x780];
	v1 =	vsel vm1, v1, v4  }
0x5c: {  	vm0 =	vgt.s32 v2, v7;
	vm1 =	vgt.s32 v1, v11;
	v4 =	vld [tilespmem:s23+$0x1CC0]  }
0x5d: {  	v2 =	vsel vm0, v2, v7;
	v7 =	vld [tilespmem:s22+$0x8C0];
	v1 =	vsel vm1, v1, v11  }
0x5e: {  	vm0 =	vgt.s32 v2, v5;
	vm1 =	vgt.s32 v1, v3;
	v9 =	vld [tilespmem:s23+$0x1E00]  }
0x5f: {  	v2 =	vsel vm0, v2, v5;
	v5 =	vld [tilespmem:s22+$0xA00];
	v1 =	vsel vm1, v1, v3  }
0x60: {  	vm0 =	vgt.s32 v2, v6;
	vm1 =	vgt.s32 v1, v8;
	v3 =	vld [tilespmem:s23+$0x1F40]  }
0x61: {  	v2 =	vsel vm0, v2, v6;
	v6 =	vld [tilespmem:s22+$0xB40];
	v1 =	vsel vm1, v1, v8  }
0x62: {  	vm0 =	vgt.s32 v2, v7;
	vm1 =	vgt.s32 v1, v4;
	v8 =	vld [tilespmem:s23+$0x2080]  }
0x63: {  	v2 =	vsel vm0, v2, v7;
	v7 =	vld [tilespmem:s22+$0xC80];
	v1 =	vsel vm1, v1, v4  }
0x64: {  	vm0 =	vgt.s32 v2, v5;
	vm1 =	vgt.s32 v1, v9;
	v4 =	vld [tilespmem:s23+$0x21C0]  }
0x65: {  	v2 =	vsel vm0, v2, v5;
	v5 =	vld [tilespmem:s22+$0xDC0];
	v1 =	vsel vm1, v1, v9  }
0x66: {  	vm0 =	vgt.s32 v2, v6;
	vm1 =	vgt.s32 v1, v3;
	v9 =	vld [tilespmem:s23+$0x2300]  }
0x67: {  	v2 =	vsel vm0, v2, v6;
	v6 =	vld [tilespmem:s22+$0xF00];
	v1 =	vsel vm1, v1, v3  }
0x68: {  	vm0 =	vgt.s32 v2, v7;
	vm1 =	vgt.s32 v1, v8;
	v10 =	vld [tilespmem:s23+$0x2440]  }
0x69: {  	v2 =	vsel vm0, v2, v7;
	v7 =	vld [tilespmem:s22+$0x1040];
	v1 =	vsel vm1, v1, v8  }
0x6a: {  	vm0 =	vgt.s32 v2, v5;
	vm1 =	vgt.s32 v1, v4;
	v3 =	vld [tilespmem:s23+$0x2580]  }
0x6b: {  	v2 =	vsel vm0, v2, v5;
	v5 =	vld [tilespmem:s22+$0x1180];
	v1 =	vsel vm1, v1, v4  }
.Ltmp0:
0x6c: {  	vm0 =	vgt.s32 v2, v6;
	vm1 =	vgt.s32 v1, v9;
	v4 =	vld [tilespmem:s23+$0x26C0];
	(pc) =	sbr.rel @p0 .LBB2_2-.Ltmp0, $4  }
0x6d: {  	v2 =	vsel vm0, v2, v6;
	v6 =	vld [tilespmem:s22+$0x12C0];
	v9 =	vsel vm1, v1, v9  }
0x6e: {  	vm0 =	vgt.s32 v2, v7;
	v1 =	vld [tilespmem:s22+$0x1540];
	vm1 =	vgt.s32 v9, v10  }
0x6f: {  	s24 =	sshra.s32 s25, $0x2;
	v8 =	vsel vm0, v2, v7;
	v7 =	vld [tilespmem:s22+$0x1400];
	v9 =	vsel vm1, v9, v10  }
0x70: {  	s25 =	sadd.s32 $0x40, s25;
	v2 =	vld [tilespmem:s24+$0x0];
	vm0 =	vgt.s32 v8, v5;
	vm1 =	vgt.s32 v9, v3  }
0x71: {  	v10 =	vld [tilespmem:s24+$0x140];
	v3 =	vsel vm1, v9, v3  }
0x72: {  	v32 =	vld [tilespmem:s22+$0x1680];
	v5 =	vsel vm0, v8, v5;
	vm5 =	vgt.s32 v3, v4  }
0x73: {  	v33 =	vld [tilespmem:s24+$0x280];
	vm6 =	vgt.s32 v5, v6;
	v3 =	vsel vm5, v3, v4  }
0x74: {  	v34 =	vld [tilespmem:s22+$0x17C0];
	v5 =	vsel vm6, v5, v6;
	vm0 =	vgt.s32 v3, $0xFFFFFFFF  }
0x75: {  	v35 =	vld [tilespmem:s24+$0x3C0];
	vm1 =	vgt.s32 v5, v7;
	v11 =	vsel vm0, $0x3F800000, v0  }
0x76: {  	v12 =	vld [tilespmem:s22+$0x1900];
	vm7 =	vgt.s32 v3, $0x0;
	v5 =	vsel vm1, v5, v7;
	vm8 =	vgt.s32 v2, v10;
	[tilespmem:s23+$0x2940] =	vst v11  }
0x77: {  	v3 =	vnsel vm7, $0x0, v3;
	vm9 =	vgt.s32 v5, v1;
	v2 =	vsel vm8, v2, v10;
	v36 =	vld [tilespmem:s24+$0x500]  }
0x78: {  	v1 =	vsel vm9, v5, v1;
	[tilespmem:s23+$0x2800] =	vst v3;
	vm10 =	vgt.s32 v2, v33  }
0x79: {  	vm11 =	vgt.s32 v1, v32;
	v3 =	vld [tilespmem:s24+$0x640];
	v2 =	vsel vm10, v2, v33  }
0x7a: {  	v37 =	vld [tilespmem:s22+$0x1A40];
	v1 =	vsel vm11, v1, v32;
	vm0 =	vgt.s32 v2, v35  }
0x7b: {  	v38 =	vld [tilespmem:s24+$0x780];
	vm1 =	vgt.s32 v1, v34;
	v2 =	vsel vm0, v2, v35  }
0x7c: {  	v39 =	vld [tilespmem:s22+$0x1B80];
	v1 =	vsel vm1, v1, v34;
	vm0 =	vgt.s32 v2, v36  }
0x7d: {  	v40 =	vld [tilespmem:s24+$0x8C0];
	vm1 =	vgt.s32 v1, v12;
	v2 =	vsel vm0, v2, v36  }
0x7e: {  	v41 =	vld [tilespmem:s22+$0x1CC0];
	v1 =	vsel vm1, v1, v12;
	vm0 =	vgt.s32 v2, v3  }
0x7f: {  	vm1 =	vgt.s32 v1, v37;
	v2 =	vsel vm0, v2, v3;
	v3 =	vld [tilespmem:s24+$0xA00]  }
0x80: {  	v42 =	vld [tilespmem:s22+$0x1E00];
	v1 =	vsel vm1, v1, v37;
	vm0 =	vgt.s32 v2, v38  }
0x81: {  	v43 =	vld [tilespmem:s24+$0xB40];
	vm1 =	vgt.s32 v1, v39;
	v2 =	vsel vm0, v2, v38  }
0x82: {  	v44 =	vld [tilespmem:s22+$0x1F40];
	v1 =	vsel vm1, v1, v39;
	vm0 =	vgt.s32 v2, v40  }
0x83: {  	v45 =	vld [tilespmem:s24+$0xC80];
	vm1 =	vgt.s32 v1, v41;
	v2 =	vsel vm0, v2, v40  }
0x84: {  	v46 =	vld [tilespmem:s22+$0x2080];
	v1 =	vsel vm1, v1, v41;
	vm0 =	vgt.s32 v2, v3  }
0x85: {  	vm1 =	vgt.s32 v1, v42;
	v2 =	vsel vm0, v2, v3;
	v3 =	vld [tilespmem:s24+$0xDC0]  }
0x86: {  	v47 =	vld [tilespmem:s22+$0x21C0];
	v1 =	vsel vm1, v1, v42;
	vm0 =	vgt.s32 v2, v43  }
0x87: {  	v48 =	vld [tilespmem:s24+$0xF00];
	vm1 =	vgt.s32 v1, v44;
	v2 =	vsel vm0, v2, v43  }
0x88: {  	v49 =	vld [tilespmem:s22+$0x2300];
	v1 =	vsel vm1, v1, v44;
	vm0 =	vgt.s32 v2, v45  }
0x89: {  	v50 =	vld [tilespmem:s24+$0x1040];
	vm1 =	vgt.s32 v1, v46;
	v2 =	vsel vm0, v2, v45  }
0x8a: {  	v51 =	vld [tilespmem:s22+$0x2440];
	v1 =	vsel vm1, v1, v46;
	vm0 =	vgt.s32 v2, v3  }
0x8b: {  	vm1 =	vgt.s32 v1, v47;
	v2 =	vsel vm0, v2, v3;
	v3 =	vld [tilespmem:s24+$0x1180]  }
0x8c: {  	v52 =	vld [tilespmem:s22+$0x2580];
	v1 =	vsel vm1, v1, v47;
	vm0 =	vgt.s32 v2, v48  }
0x8d: {  	v53 =	vld [tilespmem:s24+$0x12C0];
	vm1 =	vgt.s32 v1, v49;
	v2 =	vsel vm0, v2, v48  }
0x8e: {  	v54 =	vld [tilespmem:s22+$0x26C0];
	v1 =	vsel vm1, v1, v49;
	vm0 =	vgt.s32 v2, v50  }
0x8f: {  	v55 =	vld [tilespmem:s24+$0x1400];
	vm1 =	vgt.s32 v1, v51;
	v2 =	vsel vm0, v2, v50  }
0x90: {  	v1 =	vsel vm1, v1, v51;
	vm0 =	vgt.s32 v2, v3  }
0x91: {  	v56 =	vld [tilespmem:s24+$0x1540];
	vm1 =	vgt.s32 v1, v52;
	v2 =	vsel vm0, v2, v3  }
0x92: {  	v1 =	vsel vm1, v1, v52;
	vm0 =	vgt.s32 v2, v53  }
0x93: {  	v3 =	vld [tilespmem:s24+$0x1680];
	vm1 =	vgt.s32 v1, v54;
	v2 =	vsel vm0, v2, v53  }
0x94: {  	v1 =	vsel vm1, v1, v54;
	vm0 =	vgt.s32 v2, v55  }
0x95: {  	v57 =	vld [tilespmem:s24+$0x17C0];
	vm1 =	vgt.s32 v1, $0xFFFFFFFF;
	v2 =	vsel vm0, v2, v55  }
0x96: {  	vm12 =	vgt.s32 v1, $0x0;
	v58 =	vsel vm1, $0x3F800000, v0;
	vm13 =	vgt.s32 v2, v56  }
0x97: {  	v59 =	vld [tilespmem:s24+$0x1900];
	v1 =	vnsel vm12, $0x0, v1;
	[tilespmem:s22+$0x2940] =	vst v58;
	v2 =	vsel vm13, v2, v56  }
0x98: {  	[tilespmem:s22+$0x2800] =	vst v1;
	vm14 =	vgt.s32 v2, v3  }
0x99: {  	v1 =	vld [tilespmem:s24+$0x1A40];
	v2 =	vsel vm14, v2, v3  }
0x9a: {  	vm0 =	vgt.s32 v2, v57  }
0x9b: {  	v3 =	vld [tilespmem:s24+$0x1B80];
	v2 =	vsel vm0, v2, v57  }
0x9c: {  	vm0 =	vgt.s32 v2, v59  }
0x9d: {  	v4 =	vld [tilespmem:s24+$0x1CC0];
	v2 =	vsel vm0, v2, v59  }
0x9e: {  	vm0 =	vgt.s32 v2, v1  }
0x9f: {  	v60 =	vld [tilespmem:s24+$0x1E00];
	v1 =	vsel vm0, v2, v1  }
0xa0: {  	vm0 =	vgt.s32 v1, v3  }
0xa1: {  	v2 =	vld [tilespmem:s24+$0x1F40];
	v1 =	vsel vm0, v1, v3  }
0xa2: {  	vm0 =	vgt.s32 v1, v4  }
0xa3: {  	v3 =	vld [tilespmem:s24+$0x2080];
	v1 =	vsel vm0, v1, v4  }
0xa4: {  	vm0 =	vgt.s32 v1, v60  }
0xa5: {  	v61 =	vld [tilespmem:s24+$0x21C0];
	v1 =	vsel vm0, v1, v60  }
0xa6: {  	vm0 =	vgt.s32 v1, v2  }
0xa7: {  	v62 =	vld [tilespmem:s24+$0x2300];
	v1 =	vsel vm0, v1, v2  }
0xa8: {  	vm0 =	vgt.s32 v1, v3  }
0xa9: {  	v2 =	vld [tilespmem:s24+$0x2440];
	v1 =	vsel vm0, v1, v3  }
0xaa: {  	vm0 =	vgt.s32 v1, v61  }
0xab: {  	v3 =	vld [tilespmem:s24+$0x2580];
	v1 =	vsel vm0, v1, v61  }
0xac: {  	vm0 =	vgt.s32 v1, v62  }
0xad: {  	v63 =	vld [tilespmem:s24+$0x26C0];
	v1 =	vsel vm0, v1, v62  }
0xae: {  	vm0 =	vgt.s32 v1, v2  }
0xaf: {  	v1 =	vsel vm0, v1, v2  }
0xb0: {  	vm0 =	vgt.s32 v1, v3  }
0xb1: {  	v1 =	vsel vm0, v1, v3  }
0xb2: {  	vm0 =	vgt.s32 v1, v63  }
0xb3: {  	v1 =	vsel vm0, v1, v63  }
0xb4: {  	vm0 =	vgt.s32 v1, $0xFFFFFFFF  }
0xb5: {  	vm15 =	vgt.s32 v1, $0x0;
	v2 =	vsel vm0, $0x3F800000, v0  }
0xb6: {  	v1 =	vnsel vm15, $0x0, v1;
	[tilespmem:s24+$0x2940] =	vst v2  }
0xb7: {  	[tilespmem:s24+$0x2800] =	vst v1  }
0xb8: {  	[hbm4b:s5+s2] =	stream.linear.scatter [tilespmem:s11], [sflag:$0x2], $0x140, $0x38;
	[tilespmem:$0x3E80] =	vst v63  }
0xb9: {  	_ =	swait.ge [sflag:s10], $0x140  }
0xba: {  	[sflag:s10] =	ssyncset.done $0x0  }
0xbb: {  	[sflag:s10] =	ssyncadd.s32 $0xFFFFFEC0  }
0xbc: {  	[tilespmem:s13], [sflag:$0x1] =	stream.indirect.gather [hbm4b:s3+s12], $0x10, s9, s12, $0xb8;
	[tilespmem:$0x3E80] =	vst v63  }
0xbd: {  	_ =	swait.ge [sflag:s14], $0x500  }
0xbe: {  	[sflag:s14] =	ssyncset.done $0x0  }
0xbf: {  	[sflag:s14] =	ssyncadd.s32 $0xFFFFFB00  }
0xc0: {  	[tilespmem:s16], [sflag:$0x1] =	stream.indirect.gather [hbm4b:s3+s12], $0x10, s15, s12, $0xb8;
	[tilespmem:$0x3E80] =	vst v63  }
0xc1: {  	_ =	swait.ge [sflag:s14], $0x500  }
0xc2: {  	[sflag:s14] =	ssyncset.done $0x0  }
0xc3: {  	[sflag:s14] =	ssyncadd.s32 $0xFFFFFB00  }
0xc4: {  	[tilespmem:s18], [sflag:$0x1] =	stream.indirect.gather [hbm4b:s3+s12], $0x10, s17, s12, $0xb8;
	[tilespmem:$0x3E80] =	vst v63  }
0xc5: {  	_ =	swait.ge [sflag:s14], $0x500  }
0xc6: {  	[sflag:s14] =	ssyncset.done $0x0  }
0xc7: {  	[sflag:s14] =	ssyncadd.s32 $0xFFFFFB00  }
0xc8: {  	[tilespmem:s20], [sflag:$0x1] =	stream.indirect.gather [hbm4b:s3+s12], $0x10, s19, s12, $0xb8;
	[tilespmem:$0x3E80] =	vst v63  }
0xc9: {  	s21 =	sadd.s32 $0x1, s21;
	_ =	swait.ge [sflag:s14], $0x500  }
0xca: {  	p0 =	sne.s32 s21, s7;
	[sflag:s14] =	ssyncset.done $0x0  }
.Ltmp1:
0xcb: {  	[sflag:s14] =	ssyncadd.s32 $0xFFFFFB00;
	(pc) =	sbr.rel @p0 .LBB2_1-.Ltmp1, $4  }
0xcc: {  	[hbm4b:s6+s2] =	stream.linear.scatter [tilespmem:s13], [sflag:$0x2], $0x1400, $0x38;
	[tilespmem:$0x3E80] =	vst v63  }
0xcd: {  	_ =	swait.ge [sflag:s10], $0x1400  }
0xce: {  	[sflag:s10] =	ssyncset.done $0x0  }
0xcf: {  	[sflag:s10] =	ssyncadd.s32 $0xFFFFEC00  }
0xd0: {  	_ =	sfence.sel $0x180000  }
0xd1: {  	[bflag:$0x0] =	sbarrier.arrive $0xFFFF  }
0xd2: {  	p0 =	sne.s32 s1, $0x0;
	_ =	strace $0x9000004A  }
0xd3: {  	s0 =	sadd.s32 @!p0 $0x100000, s0;
	[bflag:$0x2] =	sbarrier.arrive $0xFFFF  }
0xd4: {  	[sflag:s0] =	ssyncadd.tile.s32 @!p0 $0x1;
	_ =	shalt  }
.Lfunc_end2:
_tile_overlayer_lowered:
.L_overlay_start_2:
0xd5: {  	(tag) =	ssettag $0x2  }
0xd6: {  	s0 =	rddreg [dreg:$0x0];
	s2 =	stileid.u32  }
0xd7: {  	s1 =	rddreg [dreg:$0x1];
	p0 =	sne.s32 s2, $0x0  }
0xd8: {  	s3 =	rddreg [dreg:$0x2];
	[bflag:$0x3] =	sbarrier.arrive $0xFFFF;
	s2 =	simm.s32 @!p0 $0x1C02  }
0xd9: {  	[timem:s3], [sflag:s2] =	dma.local @!p0 [hbm:s0], s1  }
0xda: {  	s0 =	simm.s32 @!p0 $0x2  }
0xdb: {  	_ =	swait.ge @!p0 [sflag:s0], s1  }
0xdc: {  	s1 =	ssub.s32 @!p0 $0x0, s1;
	[sflag:s0] =	ssyncset.done @!p0 $0x0  }
0xdd: {  	[sflag:s0] =	ssyncadd.s32 @!p0 s1  }
0xde: {  	[bflag:$0x3] =	sbarrier.arrive $0xFFFF  }
0xdf: {  	_ =	shalt  }

</sc_bundles>
